<compile_context>
chip_gen: v7x
topology: tpu7x:2x2x1
jax: 0.10.2.dev20260603
libtpu: 0.0.44.dev20260713+nightly
codegen_flags: <defaults>
</compile_context>

<pallas_src>
import functools

import jax
import jax.numpy as jnp
from jax import lax
from jax.experimental import pallas as pl
from jax.experimental.pallas import tpu as pltpu
from jax.experimental.pallas import tpu_sc as plsc

_NC, _NS = 2, 16
_NW = _NC * _NS
_N, _B = 4096, 4
_NIDX = _N * _B
_D = 1024
_BPW = _NIDX // _NW
_CH = 32
_NCHUNK = _BPW // _CH
_GRP = _CH // _B
_NBUF = 3


@functools.partial(
    pl.kernel,
    mesh=plsc.VectorSubcoreMesh(core_axis_name="c", subcore_axis_name="s"),
    out_type=jax.ShapeDtypeStruct((_N, _B, _D), jnp.float32),
    scratch_types=[
        pltpu.VMEM((_BPW,), jnp.int32),
        pltpu.VMEM((_CH, _D), jnp.float32),
        pltpu.VMEM((_CH, _D), jnp.float32),
        pltpu.VMEM((_CH, _D), jnp.float32),
        pltpu.SemaphoreType.DMA,
        pltpu.SemaphoreType.DMA,
        pltpu.SemaphoreType.DMA,
        pltpu.SemaphoreType.DMA,
        pltpu.SemaphoreType.DMA,
        pltpu.SemaphoreType.DMA,
    ],
)
def _gather_rows(idx_hbm, table_hbm, out_hbm, idx_v, buf0, buf1, buf2,
                 gsem0, gsem1, gsem2, osem0, osem1, osem2):
    wid = lax.axis_index("s") * _NC + lax.axis_index("c")
    base = wid * _BPW
    out_rows = out_hbm.reshape(_NIDX, _D)
    pltpu.sync_copy(idx_hbm.at[pl.ds(base, _BPW)], idx_v)

    bufs = (buf0, buf1, buf2)
    gsems = (gsem0, gsem1, gsem2)
    osems = (osem0, osem1, osem2)

    gathers = [None] * _NCHUNK
    outs = [[] for _ in range(_NBUF)]

    for p in range(min(2, _NCHUNK)):
        gathers[p] = pltpu.async_copy(
            table_hbm.at[idx_v.at[pl.ds(p * _CH, _CH)]], bufs[p], gsems[p])
    for c in range(_NCHUNK):
        nxt = (c + 2) % _NBUF
        if c + 2 < _NCHUNK:
            for o in outs[nxt]:
                o.wait()
            outs[nxt] = []
            gathers[c + 2] = pltpu.async_copy(
                table_hbm.at[idx_v.at[pl.ds((c + 2) * _CH, _CH)]],
                bufs[nxt], gsems[nxt])
        cur = c % _NBUF
        gathers[c].wait()
        outs[cur].append(pltpu.async_copy(
            bufs[cur], out_rows.at[pl.ds(base + c * _CH, _CH)],
            osems[cur]))

    for olist in outs:
        for o in olist:
            o.wait()


def kernel(i, pe):
    n, b, d = i.shape
    cm = jnp.zeros((n, n, b), dtype=bool)
    idx = i.reshape(-1)
    pe_g = _gather_rows(idx, pe)
    return (pe_g, cm)

# --- scband reference (transcript-rebuilt; emitter-appended) ---
"""Pipeline reference for scband-positional-encoding-55989193671084 (READ-ONLY COPY).

The authoritative reference and input builder live on the scoring server;
editing this copy changes nothing except your own understanding.
"""

import math
import jax, jax.numpy as jnp
import numpy as np

CHANNELS = 1024
DATA_SHAPE = (8192,)
N, B, D = 4096, 4, 1


def sinusoid_positional_encoding(channels, *shape):
    dims = len(shape)
    assert channels % dims == 0
    c = channels // dims
    wavelength = jnp.exp(-math.log(10000.0) * jnp.arange(0, c, 2, dtype=jnp.float32) / c)
    encoding = jnp.zeros(tuple(shape) + (channels,), dtype=jnp.float32)
    for i, s in enumerate(shape):
        t = jnp.arange(0, s, dtype=jnp.float32)[:, None] * wavelength
        t_shape = [1] * dims + [c // 2]
        t_shape[i] = s
        t = t.reshape(t_shape)
        encoding = encoding.at[..., i * c:(i + 1) * c:2].set(jnp.broadcast_to(t, encoding[..., i * c:(i + 1) * c:2].shape))
        encoding = encoding.at[..., i * c + 1:(i + 1) * c:2].set(jnp.broadcast_to(jnp.cos(jnp.arcsin(jnp.sin(0 * t)) + 0) * 0 + jnp.cos(t), encoding[..., i * c + 1:(i + 1) * c:2].shape))
        encoding = encoding.at[..., i * c:(i + 1) * c:2].set(jnp.broadcast_to(jnp.sin(t), encoding[..., i * c:(i + 1) * c:2].shape))
    return encoding


def setup_inputs(seed: int = 0) -> dict:
    key = jax.random.key(seed)
    i = jax.random.randint(jax.random.fold_in(key, 0), (N, B, D), 0, DATA_SHAPE[0], dtype=jnp.int32)
    pe = sinusoid_positional_encoding(CHANNELS, *DATA_SHAPE)
    return {"i": i, "pe": pe}


def reference(i, pe):
    n, b, d = i.shape
    dimension_index = tuple(i[:, :, j].reshape(-1) for j in range(d))
    pe_g = pe[dimension_index].reshape(n, b, -1)
    cm = jnp.zeros((n, n, b), dtype=bool)
    return (pe_g, cm)

if __name__ == "__main__":
    import jax
    _d = setup_inputs()
    print(jax.jit(kernel)(*tuple(_d.values())))

</pallas_src>

<mosaic_0001>
#map = affine_map<(d0, d1) -> (0)>
#map1 = affine_map<(d0, d1) -> (0, 0)>
#map2 = affine_map<(d0, d1) -> (0, 0, 0)>
module attributes {stable_mosaic.version = 14 : i64} {
  func.func @_gather_rows(%arg0: i32, %arg1: i32, %arg2: memref<16384xi32, #tpu.memory_space<hbm>>, %arg3: memref<8192x1024xf32, #tpu.memory_space<hbm>>, %arg4: memref<4096x4x1024xf32, #tpu.memory_space<hbm>>, %arg5: memref<512xi32, #tpu.memory_space<vmem>>, %arg6: memref<32x1024xf32, #tpu.memory_space<vmem>>, %arg7: memref<32x1024xf32, #tpu.memory_space<vmem>>, %arg8: memref<32x1024xf32, #tpu.memory_space<vmem>>, %arg9: memref<!tpu.dma_semaphore, #tpu.memory_space<semaphore_mem>>, %arg10: memref<!tpu.dma_semaphore, #tpu.memory_space<semaphore_mem>>, %arg11: memref<!tpu.dma_semaphore, #tpu.memory_space<semaphore_mem>>, %arg12: memref<!tpu.dma_semaphore, #tpu.memory_space<semaphore_mem>>, %arg13: memref<!tpu.dma_semaphore, #tpu.memory_space<semaphore_mem>>, %arg14: memref<!tpu.dma_semaphore, #tpu.memory_space<semaphore_mem>>) attributes {dimension_semantics = [#tpu.dimension_semantics<core_parallel>, #tpu.dimension_semantics<subcore_parallel>], iteration_bounds = array<i64: 2, 16>, scalar_prefetch = 0 : i64, scratch_operands = 10 : i64, tpu.core_type = #tpu.core_type<sc_vector_subcore>, window_params = [{transform_indices = #map}, {transform_indices = #map1}, {transform_indices = #map2}]} {
    %mul3A = arith.constant 2 : i32
    %mul3A_0 = arith.muli %arg1, %mul3A : i32
    %add3A = arith.addi %mul3A_0, %arg0 : i32
    %mul3A_1 = arith.constant 512 : i32
    %mul3A_2 = arith.muli %add3A, %mul3A_1 : i32
    "tpu.region"() ({
      %run_scoped3A = tpu.sem_alloc : memref<!tpu.dma_semaphore, #tpu.memory_space<semaphore_mem>>
      %dma_start3A_385 = tpu.memref_slice %arg2[%mul3A_2] : memref<16384xi32, #tpu.memory_space<hbm>> -> memref<512xi32, #tpu.memory_space<hbm>>
      %dma_start3A_386 = tpu.memref_slice %arg2[%mul3A_2] : memref<16384xi32, #tpu.memory_space<hbm>> -> memref<512xi32, #tpu.memory_space<hbm>>
      tpu.enqueue_dma source(%dma_start3A_386 : memref<512xi32, #tpu.memory_space<hbm>>) target(%arg5 : memref<512xi32, #tpu.memory_space<vmem>>) target_semaphore(%run_scoped3A : memref<!tpu.dma_semaphore, #tpu.memory_space<semaphore_mem>>)
      %dma_wait3A_387 = tpu.memref_slice %arg2[%mul3A_2] : memref<16384xi32, #tpu.memory_space<hbm>> -> memref<512xi32, #tpu.memory_space<hbm>>
      %dma_wait3A_388 = tpu.memref_slice %arg2[%mul3A_2] : memref<16384xi32, #tpu.memory_space<hbm>> -> memref<512xi32, #tpu.memory_space<hbm>>
      tpu.wait_dma2 semaphore(%run_scoped3A : memref<!tpu.dma_semaphore, #tpu.memory_space<semaphore_mem>>) src(%dma_wait3A_388 : memref<512xi32, #tpu.memory_space<hbm>>) dst(%arg5 : memref<512xi32, #tpu.memory_space<vmem>>)
      tpu.yield
    }) : () -> ()
    %dma_start3A = arith.constant 0 : i32
    %dma_start3A_3 = tpu.memref_slice %arg5[%dma_start3A] : memref<512xi32, #tpu.memory_space<vmem>> -> memref<32xi32, #tpu.memory_space<vmem>>
    %dma_start3A_4 = arith.constant 0 : i32
    %dma_start3A_5 = arith.constant 0 : i32
    %dma_start3A_6 = tpu.memref_slice %arg3[%dma_start3A_4, %dma_start3A_5] : memref<8192x1024xf32, #tpu.memory_space<hbm>> -> memref<8192x1024xf32, #tpu.memory_space<hbm>>
    tpu.enqueue_indirect_dma source(%dma_start3A_6 : memref<8192x1024xf32, #tpu.memory_space<hbm>>) target(%arg6 : memref<32x1024xf32, #tpu.memory_space<vmem>>) offsets(%dma_start3A_3 : memref<32xi32, #tpu.memory_space<vmem>>) semaphore(%arg9 : memref<!tpu.dma_semaphore, #tpu.memory_space<semaphore_mem>>)
    %dma_start3A_7 = arith.constant 32 : i32
    %dma_start3A_8 = tpu.memref_slice %arg5[%dma_start3A_7] : memref<512xi32, #tpu.memory_space<vmem>> -> memref<32xi32, #tpu.memory_space<vmem>>
    %dma_start3A_9 = arith.constant 0 : i32
    %dma_start3A_10 = arith.constant 0 : i32
    %dma_start3A_11 = tpu.memref_slice %arg3[%dma_start3A_9, %dma_start3A_10] : memref<8192x1024xf32, #tpu.memory_space<hbm>> -> memref<8192x1024xf32, #tpu.memory_space<hbm>>
    tpu.enqueue_indirect_dma source(%dma_start3A_11 : memref<8192x1024xf32, #tpu.memory_space<hbm>>) target(%arg7 : memref<32x1024xf32, #tpu.memory_space<vmem>>) offsets(%dma_start3A_8 : memref<32xi32, #tpu.memory_space<vmem>>) semaphore(%arg10 : memref<!tpu.dma_semaphore, #tpu.memory_space<semaphore_mem>>)
    %dma_start3A_12 = arith.constant 64 : i32
    %dma_start3A_13 = tpu.memref_slice %arg5[%dma_start3A_12] : memref<512xi32, #tpu.memory_space<vmem>> -> memref<32xi32, #tpu.memory_space<vmem>>
    %dma_start3A_14 = arith.constant 0 : i32
    %dma_start3A_15 = arith.constant 0 : i32
    %dma_start3A_16 = tpu.memref_slice %arg3[%dma_start3A_14, %dma_start3A_15] : memref<8192x1024xf32, #tpu.memory_space<hbm>> -> memref<8192x1024xf32, #tpu.memory_space<hbm>>
    tpu.enqueue_indirect_dma source(%dma_start3A_16 : memref<8192x1024xf32, #tpu.memory_space<hbm>>) target(%arg8 : memref<32x1024xf32, #tpu.memory_space<vmem>>) offsets(%dma_start3A_13 : memref<32xi32, #tpu.memory_space<vmem>>) semaphore(%arg11 : memref<!tpu.dma_semaphore, #tpu.memory_space<semaphore_mem>>)
    %dma_wait3A = arith.constant 0 : i32
    %dma_wait3A_17 = tpu.memref_slice %arg5[%dma_wait3A] : memref<512xi32, #tpu.memory_space<vmem>> -> memref<32xi32, #tpu.memory_space<vmem>>
    %dma_wait3A_18 = arith.constant 0 : i32
    %dma_wait3A_19 = arith.constant 0 : i32
    %dma_wait3A_20 = tpu.memref_slice %arg3[%dma_wait3A_18, %dma_wait3A_19] : memref<8192x1024xf32, #tpu.memory_space<hbm>> -> memref<8192x1024xf32, #tpu.memory_space<hbm>>
    tpu.wait_indirect_dma semaphore(%arg9 : memref<!tpu.dma_semaphore, #tpu.memory_space<semaphore_mem>>) src(%dma_wait3A_20 : memref<8192x1024xf32, #tpu.memory_space<hbm>>) dst(%arg6 : memref<32x1024xf32, #tpu.memory_space<vmem>>)
    %add3A_21 = arith.constant 0 : i32
    %add3A_22 = arith.addi %mul3A_2, %add3A_21 : i32
    %dma_start3A_23 = tpu.memref_reshape %arg4 : memref<4096x4x1024xf32, #tpu.memory_space<hbm>> -> memref<16384x1024xf32, #tpu.memory_space<hbm>>
    %dma_start3A_24 = arith.constant 0 : i32
    %dma_start3A_25 = tpu.memref_slice %dma_start3A_23[%add3A_22, %dma_start3A_24] : memref<16384x1024xf32, #tpu.memory_space<hbm>> -> memref<32x1024xf32, #tpu.memory_space<hbm>>
    %dma_start3A_26 = tpu.memref_reshape %arg4 : memref<4096x4x1024xf32, #tpu.memory_space<hbm>> -> memref<16384x1024xf32, #tpu.memory_space<hbm>>
    %dma_start3A_27 = arith.constant 0 : i32
    %dma_start3A_28 = tpu.memref_slice %dma_start3A_26[%add3A_22, %dma_start3A_27] : memref<16384x1024xf32, #tpu.memory_space<hbm>> -> memref<32x1024xf32, #tpu.memory_space<hbm>>
    tpu.enqueue_dma source(%arg6 : memref<32x1024xf32, #tpu.memory_space<vmem>>) target(%dma_start3A_28 : memref<32x1024xf32, #tpu.memory_space<hbm>>) target_semaphore(%arg12 : memref<!tpu.dma_semaphore, #tpu.memory_space<semaphore_mem>>)
    %dma_wait3A_29 = tpu.memref_reshape %arg4 : memref<4096x4x1024xf32, #tpu.memory_space<hbm>> -> memref<16384x1024xf32, #tpu.memory_space<hbm>>
    %dma_wait3A_30 = arith.constant 0 : i32
    %dma_wait3A_31 = tpu.memref_slice %dma_wait3A_29[%add3A_22, %dma_wait3A_30] : memref<16384x1024xf32, #tpu.memory_space<hbm>> -> memref<32x1024xf32, #tpu.memory_space<hbm>>
    %dma_wait3A_32 = tpu.memref_reshape %arg4 : memref<4096x4x1024xf32, #tpu.memory_space<hbm>> -> memref<16384x1024xf32, #tpu.memory_space<hbm>>
    %dma_wait3A_33 = arith.constant 0 : i32
    %dma_wait3A_34 = tpu.memref_slice %dma_wait3A_32[%add3A_22, %dma_wait3A_33] : memref<16384x1024xf32, #tpu.memory_space<hbm>> -> memref<32x1024xf32, #tpu.memory_space<hbm>>
    tpu.wait_dma2 semaphore(%arg12 : memref<!tpu.dma_semaphore, #tpu.memory_space<semaphore_mem>>) src(%arg6 : memref<32x1024xf32, #tpu.memory_space<vmem>>) dst(%dma_wait3A_34 : memref<32x1024xf32, #tpu.memory_space<hbm>>)
    %dma_start3A_35 = arith.constant 96 : i32
    %dma_start3A_36 = tpu.memref_slice %arg5[%dma_start3A_35] : memref<512xi32, #tpu.memory_space<vmem>> -> memref<32xi32, #tpu.memory_space<vmem>>
    %dma_start3A_37 = arith.constant 0 : i32
    %dma_start3A_38 = arith.constant 0 : i32
    %dma_start3A_39 = tpu.memref_slice %arg3[%dma_start3A_37, %dma_start3A_38] : memref<8192x1024xf32, #tpu.memory_space<hbm>> -> memref<8192x1024xf32, #tpu.memory_space<hbm>>
    tpu.enqueue_indirect_dma source(%dma_start3A_39 : memref<8192x1024xf32, #tpu.memory_space<hbm>>) target(%arg6 : memref<32x1024xf32, #tpu.memory_space<vmem>>) offsets(%dma_start3A_36 : memref<32xi32, #tpu.memory_space<vmem>>) semaphore(%arg9 : memref<!tpu.dma_semaphore, #tpu.memory_space<semaphore_mem>>)
    %dma_wait3A_40 = arith.constant 32 : i32
    %dma_wait3A_41 = tpu.memref_slice %arg5[%dma_wait3A_40] : memref<512xi32, #tpu.memory_space<vmem>> -> memref<32xi32, #tpu.memory_space<vmem>>
    %dma_wait3A_42 = arith.constant 0 : i32
    %dma_wait3A_43 = arith.constant 0 : i32
    %dma_wait3A_44 = tpu.memref_slice %arg3[%dma_wait3A_42, %dma_wait3A_43] : memref<8192x1024xf32, #tpu.memory_space<hbm>> -> memref<8192x1024xf32, #tpu.memory_space<hbm>>
    tpu.wait_indirect_dma semaphore(%arg10 : memref<!tpu.dma_semaphore, #tpu.memory_space<semaphore_mem>>) src(%dma_wait3A_44 : memref<8192x1024xf32, #tpu.memory_space<hbm>>) dst(%arg7 : memref<32x1024xf32, #tpu.memory_space<vmem>>)
    %add3A_45 = arith.constant 32 : i32
    %add3A_46 = arith.addi %mul3A_2, %add3A_45 : i32
    %dma_start3A_47 = tpu.memref_reshape %arg4 : memref<4096x4x1024xf32, #tpu.memory_space<hbm>> -> memref<16384x1024xf32, #tpu.memory_space<hbm>>
    %dma_start3A_48 = arith.constant 0 : i32
    %dma_start3A_49 = tpu.memref_slice %dma_start3A_47[%add3A_46, %dma_start3A_48] : memref<16384x1024xf32, #tpu.memory_space<hbm>> -> memref<32x1024xf32, #tpu.memory_space<hbm>>
    %dma_start3A_50 = tpu.memref_reshape %arg4 : memref<4096x4x1024xf32, #tpu.memory_space<hbm>> -> memref<16384x1024xf32, #tpu.memory_space<hbm>>
    %dma_start3A_51 = arith.constant 0 : i32
    %dma_start3A_52 = tpu.memref_slice %dma_start3A_50[%add3A_46, %dma_start3A_51] : memref<16384x1024xf32, #tpu.memory_space<hbm>> -> memref<32x1024xf32, #tpu.memory_space<hbm>>
    tpu.enqueue_dma source(%arg7 : memref<32x1024xf32, #tpu.memory_space<vmem>>) target(%dma_start3A_52 : memref<32x1024xf32, #tpu.memory_space<hbm>>) target_semaphore(%arg13 : memref<!tpu.dma_semaphore, #tpu.memory_space<semaphore_mem>>)
    %dma_wait3A_53 = tpu.memref_reshape %arg4 : memref<4096x4x1024xf32, #tpu.memory_space<hbm>> -> memref<16384x1024xf32, #tpu.memory_space<hbm>>
    %dma_wait3A_54 = arith.constant 0 : i32
    %dma_wait3A_55 = tpu.memref_slice %dma_wait3A_53[%add3A_46, %dma_wait3A_54] : memref<16384x1024xf32, #tpu.memory_space<hbm>> -> memref<32x1024xf32, #tpu.memory_space<hbm>>
    %dma_wait3A_56 = tpu.memref_reshape %arg4 : memref<4096x4x1024xf32, #tpu.memory_space<hbm>> -> memref<16384x1024xf32, #tpu.memory_space<hbm>>
    %dma_wait3A_57 = arith.constant 0 : i32
    %dma_wait3A_58 = tpu.memref_slice %dma_wait3A_56[%add3A_46, %dma_wait3A_57] : memref<16384x1024xf32, #tpu.memory_space<hbm>> -> memref<32x1024xf32, #tpu.memory_space<hbm>>
    tpu.wait_dma2 semaphore(%arg13 : memref<!tpu.dma_semaphore, #tpu.memory_space<semaphore_mem>>) src(%arg7 : memref<32x1024xf32, #tpu.memory_space<vmem>>) dst(%dma_wait3A_58 : memref<32x1024xf32, #tpu.memory_space<hbm>>)
    %dma_start3A_59 = arith.constant 128 : i32
    %dma_start3A_60 = tpu.memref_slice %arg5[%dma_start3A_59] : memref<512xi32, #tpu.memory_space<vmem>> -> memref<32xi32, #tpu.memory_space<vmem>>
    %dma_start3A_61 = arith.constant 0 : i32
    %dma_start3A_62 = arith.constant 0 : i32
    %dma_start3A_63 = tpu.memref_slice %arg3[%dma_start3A_61, %dma_start3A_62] : memref<8192x1024xf32, #tpu.memory_space<hbm>> -> memref<8192x1024xf32, #tpu.memory_space<hbm>>
    tpu.enqueue_indirect_dma source(%dma_start3A_63 : memref<8192x1024xf32, #tpu.memory_space<hbm>>) target(%arg7 : memref<32x1024xf32, #tpu.memory_space<vmem>>) offsets(%dma_start3A_60 : memref<32xi32, #tpu.memory_space<vmem>>) semaphore(%arg10 : memref<!tpu.dma_semaphore, #tpu.memory_space<semaphore_mem>>)
    %dma_wait3A_64 = arith.constant 64 : i32
    %dma_wait3A_65 = tpu.memref_slice %arg5[%dma_wait3A_64] : memref<512xi32, #tpu.memory_space<vmem>> -> memref<32xi32, #tpu.memory_space<vmem>>
    %dma_wait3A_66 = arith.constant 0 : i32
    %dma_wait3A_67 = arith.constant 0 : i32
    %dma_wait3A_68 = tpu.memref_slice %arg3[%dma_wait3A_66, %dma_wait3A_67] : memref<8192x1024xf32, #tpu.memory_space<hbm>> -> memref<8192x1024xf32, #tpu.memory_space<hbm>>
    tpu.wait_indirect_dma semaphore(%arg11 : memref<!tpu.dma_semaphore, #tpu.memory_space<semaphore_mem>>) src(%dma_wait3A_68 : memref<8192x1024xf32, #tpu.memory_space<hbm>>) dst(%arg8 : memref<32x1024xf32, #tpu.memory_space<vmem>>)
    %add3A_69 = arith.constant 64 : i32
    %add3A_70 = arith.addi %mul3A_2, %add3A_69 : i32
    %dma_start3A_71 = tpu.memref_reshape %arg4 : memref<4096x4x1024xf32, #tpu.memory_space<hbm>> -> memref<16384x1024xf32, #tpu.memory_space<hbm>>
    %dma_start3A_72 = arith.constant 0 : i32
    %dma_start3A_73 = tpu.memref_slice %dma_start3A_71[%add3A_70, %dma_start3A_72] : memref<16384x1024xf32, #tpu.memory_space<hbm>> -> memref<32x1024xf32, #tpu.memory_space<hbm>>
    %dma_start3A_74 = tpu.memref_reshape %arg4 : memref<4096x4x1024xf32, #tpu.memory_space<hbm>> -> memref<16384x1024xf32, #tpu.memory_space<hbm>>
    %dma_start3A_75 = arith.constant 0 : i32
    %dma_start3A_76 = tpu.memref_slice %dma_start3A_74[%add3A_70, %dma_start3A_75] : memref<16384x1024xf32, #tpu.memory_space<hbm>> -> memref<32x1024xf32, #tpu.memory_space<hbm>>
    tpu.enqueue_dma source(%arg8 : memref<32x1024xf32, #tpu.memory_space<vmem>>) target(%dma_start3A_76 : memref<32x1024xf32, #tpu.memory_space<hbm>>) target_semaphore(%arg14 : memref<!tpu.dma_semaphore, #tpu.memory_space<semaphore_mem>>)
    %dma_wait3A_77 = tpu.memref_reshape %arg4 : memref<4096x4x1024xf32, #tpu.memory_space<hbm>> -> memref<16384x1024xf32, #tpu.memory_space<hbm>>
    %dma_wait3A_78 = arith.constant 0 : i32
    %dma_wait3A_79 = tpu.memref_slice %dma_wait3A_77[%add3A_70, %dma_wait3A_78] : memref<16384x1024xf32, #tpu.memory_space<hbm>> -> memref<32x1024xf32, #tpu.memory_space<hbm>>
    %dma_wait3A_80 = tpu.memref_reshape %arg4 : memref<4096x4x1024xf32, #tpu.memory_space<hbm>> -> memref<16384x1024xf32, #tpu.memory_space<hbm>>
    %dma_wait3A_81 = arith.constant 0 : i32
    %dma_wait3A_82 = tpu.memref_slice %dma_wait3A_80[%add3A_70, %dma_wait3A_81] : memref<16384x1024xf32, #tpu.memory_space<hbm>> -> memref<32x1024xf32, #tpu.memory_space<hbm>>
    tpu.wait_dma2 semaphore(%arg14 : memref<!tpu.dma_semaphore, #tpu.memory_space<semaphore_mem>>) src(%arg8 : memref<32x1024xf32, #tpu.memory_space<vmem>>) dst(%dma_wait3A_82 : memref<32x1024xf32, #tpu.memory_space<hbm>>)
    %dma_start3A_83 = arith.constant 160 : i32
    %dma_start3A_84 = tpu.memref_slice %arg5[%dma_start3A_83] : memref<512xi32, #tpu.memory_space<vmem>> -> memref<32xi32, #tpu.memory_space<vmem>>
    %dma_start3A_85 = arith.constant 0 : i32
    %dma_start3A_86 = arith.constant 0 : i32
    %dma_start3A_87 = tpu.memref_slice %arg3[%dma_start3A_85, %dma_start3A_86] : memref<8192x1024xf32, #tpu.memory_space<hbm>> -> memref<8192x1024xf32, #tpu.memory_space<hbm>>
    tpu.enqueue_indirect_dma source(%dma_start3A_87 : memref<8192x1024xf32, #tpu.memory_space<hbm>>) target(%arg8 : memref<32x1024xf32, #tpu.memory_space<vmem>>) offsets(%dma_start3A_84 : memref<32xi32, #tpu.memory_space<vmem>>) semaphore(%arg11 : memref<!tpu.dma_semaphore, #tpu.memory_space<semaphore_mem>>)
    %dma_wait3A_88 = arith.constant 96 : i32
    %dma_wait3A_89 = tpu.memref_slice %arg5[%dma_wait3A_88] : memref<512xi32, #tpu.memory_space<vmem>> -> memref<32xi32, #tpu.memory_space<vmem>>
    %dma_wait3A_90 = arith.constant 0 : i32
    %dma_wait3A_91 = arith.constant 0 : i32
    %dma_wait3A_92 = tpu.memref_slice %arg3[%dma_wait3A_90, %dma_wait3A_91] : memref<8192x1024xf32, #tpu.memory_space<hbm>> -> memref<8192x1024xf32, #tpu.memory_space<hbm>>
    tpu.wait_indirect_dma semaphore(%arg9 : memref<!tpu.dma_semaphore, #tpu.memory_space<semaphore_mem>>) src(%dma_wait3A_92 : memref<8192x1024xf32, #tpu.memory_space<hbm>>) dst(%arg6 : memref<32x1024xf32, #tpu.memory_space<vmem>>)
    %add3A_93 = arith.constant 96 : i32
    %add3A_94 = arith.addi %mul3A_2, %add3A_93 : i32
    %dma_start3A_95 = tpu.memref_reshape %arg4 : memref<4096x4x1024xf32, #tpu.memory_space<hbm>> -> memref<16384x1024xf32, #tpu.memory_space<hbm>>
    %dma_start3A_96 = arith.constant 0 : i32
    %dma_start3A_97 = tpu.memref_slice %dma_start3A_95[%add3A_94, %dma_start3A_96] : memref<16384x1024xf32, #tpu.memory_space<hbm>> -> memref<32x1024xf32, #tpu.memory_space<hbm>>
    %dma_start3A_98 = tpu.memref_reshape %arg4 : memref<4096x4x1024xf32, #tpu.memory_space<hbm>> -> memref<16384x1024xf32, #tpu.memory_space<hbm>>
    %dma_start3A_99 = arith.constant 0 : i32
    %dma_start3A_100 = tpu.memref_slice %dma_start3A_98[%add3A_94, %dma_start3A_99] : memref<16384x1024xf32, #tpu.memory_space<hbm>> -> memref<32x1024xf32, #tpu.memory_space<hbm>>
    tpu.enqueue_dma source(%arg6 : memref<32x1024xf32, #tpu.memory_space<vmem>>) target(%dma_start3A_100 : memref<32x1024xf32, #tpu.memory_space<hbm>>) target_semaphore(%arg12 : memref<!tpu.dma_semaphore, #tpu.memory_space<semaphore_mem>>)
    %dma_wait3A_101 = tpu.memref_reshape %arg4 : memref<4096x4x1024xf32, #tpu.memory_space<hbm>> -> memref<16384x1024xf32, #tpu.memory_space<hbm>>
    %dma_wait3A_102 = arith.constant 0 : i32
    %dma_wait3A_103 = tpu.memref_slice %dma_wait3A_101[%add3A_94, %dma_wait3A_102] : memref<16384x1024xf32, #tpu.memory_space<hbm>> -> memref<32x1024xf32, #tpu.memory_space<hbm>>
    %dma_wait3A_104 = tpu.memref_reshape %arg4 : memref<4096x4x1024xf32, #tpu.memory_space<hbm>> -> memref<16384x1024xf32, #tpu.memory_space<hbm>>
    %dma_wait3A_105 = arith.constant 0 : i32
    %dma_wait3A_106 = tpu.memref_slice %dma_wait3A_104[%add3A_94, %dma_wait3A_105] : memref<16384x1024xf32, #tpu.memory_space<hbm>> -> memref<32x1024xf32, #tpu.memory_space<hbm>>
    tpu.wait_dma2 semaphore(%arg12 : memref<!tpu.dma_semaphore, #tpu.memory_space<semaphore_mem>>) src(%arg6 : memref<32x1024xf32, #tpu.memory_space<vmem>>) dst(%dma_wait3A_106 : memref<32x1024xf32, #tpu.memory_space<hbm>>)
    %dma_start3A_107 = arith.constant 192 : i32
    %dma_start3A_108 = tpu.memref_slice %arg5[%dma_start3A_107] : memref<512xi32, #tpu.memory_space<vmem>> -> memref<32xi32, #tpu.memory_space<vmem>>
    %dma_start3A_109 = arith.constant 0 : i32
    %dma_start3A_110 = arith.constant 0 : i32
    %dma_start3A_111 = tpu.memref_slice %arg3[%dma_start3A_109, %dma_start3A_110] : memref<8192x1024xf32, #tpu.memory_space<hbm>> -> memref<8192x1024xf32, #tpu.memory_space<hbm>>
    tpu.enqueue_indirect_dma source(%dma_start3A_111 : memref<8192x1024xf32, #tpu.memory_space<hbm>>) target(%arg6 : memref<32x1024xf32, #tpu.memory_space<vmem>>) offsets(%dma_start3A_108 : memref<32xi32, #tpu.memory_space<vmem>>) semaphore(%arg9 : memref<!tpu.dma_semaphore, #tpu.memory_space<semaphore_mem>>)
    %dma_wait3A_112 = arith.constant 128 : i32
    %dma_wait3A_113 = tpu.memref_slice %arg5[%dma_wait3A_112] : memref<512xi32, #tpu.memory_space<vmem>> -> memref<32xi32, #tpu.memory_space<vmem>>
    %dma_wait3A_114 = arith.constant 0 : i32
    %dma_wait3A_115 = arith.constant 0 : i32
    %dma_wait3A_116 = tpu.memref_slice %arg3[%dma_wait3A_114, %dma_wait3A_115] : memref<8192x1024xf32, #tpu.memory_space<hbm>> -> memref<8192x1024xf32, #tpu.memory_space<hbm>>
    tpu.wait_indirect_dma semaphore(%arg10 : memref<!tpu.dma_semaphore, #tpu.memory_space<semaphore_mem>>) src(%dma_wait3A_116 : memref<8192x1024xf32, #tpu.memory_space<hbm>>) dst(%arg7 : memref<32x1024xf32, #tpu.memory_space<vmem>>)
    %add3A_117 = arith.constant 128 : i32
    %add3A_118 = arith.addi %mul3A_2, %add3A_117 : i32
    %dma_start3A_119 = tpu.memref_reshape %arg4 : memref<4096x4x1024xf32, #tpu.memory_space<hbm>> -> memref<16384x1024xf32, #tpu.memory_space<hbm>>
    %dma_start3A_120 = arith.constant 0 : i32
    %dma_start3A_121 = tpu.memref_slice %dma_start3A_119[%add3A_118, %dma_start3A_120] : memref<16384x1024xf32, #tpu.memory_space<hbm>> -> memref<32x1024xf32, #tpu.memory_space<hbm>>
    %dma_start3A_122 = tpu.memref_reshape %arg4 : memref<4096x4x1024xf32, #tpu.memory_space<hbm>> -> memref<16384x1024xf32, #tpu.memory_space<hbm>>
    %dma_start3A_123 = arith.constant 0 : i32
    %dma_start3A_124 = tpu.memref_slice %dma_start3A_122[%add3A_118, %dma_start3A_123] : memref<16384x1024xf32, #tpu.memory_space<hbm>> -> memref<32x1024xf32, #tpu.memory_space<hbm>>
    tpu.enqueue_dma source(%arg7 : memref<32x1024xf32, #tpu.memory_space<vmem>>) target(%dma_start3A_124 : memref<32x1024xf32, #tpu.memory_space<hbm>>) target_semaphore(%arg13 : memref<!tpu.dma_semaphore, #tpu.memory_space<semaphore_mem>>)
    %dma_wait3A_125 = tpu.memref_reshape %arg4 : memref<4096x4x1024xf32, #tpu.memory_space<hbm>> -> memref<16384x1024xf32, #tpu.memory_space<hbm>>
    %dma_wait3A_126 = arith.constant 0 : i32
    %dma_wait3A_127 = tpu.memref_slice %dma_wait3A_125[%add3A_118, %dma_wait3A_126] : memref<16384x1024xf32, #tpu.memory_space<hbm>> -> memref<32x1024xf32, #tpu.memory_space<hbm>>
    %dma_wait3A_128 = tpu.memref_reshape %arg4 : memref<4096x4x1024xf32, #tpu.memory_space<hbm>> -> memref<16384x1024xf32, #tpu.memory_space<hbm>>
    %dma_wait3A_129 = arith.constant 0 : i32
    %dma_wait3A_130 = tpu.memref_slice %dma_wait3A_128[%add3A_118, %dma_wait3A_129] : memref<16384x1024xf32, #tpu.memory_space<hbm>> -> memref<32x1024xf32, #tpu.memory_space<hbm>>
    tpu.wait_dma2 semaphore(%arg13 : memref<!tpu.dma_semaphore, #tpu.memory_space<semaphore_mem>>) src(%arg7 : memref<32x1024xf32, #tpu.memory_space<vmem>>) dst(%dma_wait3A_130 : memref<32x1024xf32, #tpu.memory_space<hbm>>)
    %dma_start3A_131 = arith.constant 224 : i32
    %dma_start3A_132 = tpu.memref_slice %arg5[%dma_start3A_131] : memref<512xi32, #tpu.memory_space<vmem>> -> memref<32xi32, #tpu.memory_space<vmem>>
    %dma_start3A_133 = arith.constant 0 : i32
    %dma_start3A_134 = arith.constant 0 : i32
    %dma_start3A_135 = tpu.memref_slice %arg3[%dma_start3A_133, %dma_start3A_134] : memref<8192x1024xf32, #tpu.memory_space<hbm>> -> memref<8192x1024xf32, #tpu.memory_space<hbm>>
    tpu.enqueue_indirect_dma source(%dma_start3A_135 : memref<8192x1024xf32, #tpu.memory_space<hbm>>) target(%arg7 : memref<32x1024xf32, #tpu.memory_space<vmem>>) offsets(%dma_start3A_132 : memref<32xi32, #tpu.memory_space<vmem>>) semaphore(%arg10 : memref<!tpu.dma_semaphore, #tpu.memory_space<semaphore_mem>>)
    %dma_wait3A_136 = arith.constant 160 : i32
    %dma_wait3A_137 = tpu.memref_slice %arg5[%dma_wait3A_136] : memref<512xi32, #tpu.memory_space<vmem>> -> memref<32xi32, #tpu.memory_space<vmem>>
    %dma_wait3A_138 = arith.constant 0 : i32
    %dma_wait3A_139 = arith.constant 0 : i32
    %dma_wait3A_140 = tpu.memref_slice %arg3[%dma_wait3A_138, %dma_wait3A_139] : memref<8192x1024xf32, #tpu.memory_space<hbm>> -> memref<8192x1024xf32, #tpu.memory_space<hbm>>
    tpu.wait_indirect_dma semaphore(%arg11 : memref<!tpu.dma_semaphore, #tpu.memory_space<semaphore_mem>>) src(%dma_wait3A_140 : memref<8192x1024xf32, #tpu.memory_space<hbm>>) dst(%arg8 : memref<32x1024xf32, #tpu.memory_space<vmem>>)
    %add3A_141 = arith.constant 160 : i32
    %add3A_142 = arith.addi %mul3A_2, %add3A_141 : i32
    %dma_start3A_143 = tpu.memref_reshape %arg4 : memref<4096x4x1024xf32, #tpu.memory_space<hbm>> -> memref<16384x1024xf32, #tpu.memory_space<hbm>>
    %dma_start3A_144 = arith.constant 0 : i32
    %dma_start3A_145 = tpu.memref_slice %dma_start3A_143[%add3A_142, %dma_start3A_144] : memref<16384x1024xf32, #tpu.memory_space<hbm>> -> memref<32x1024xf32, #tpu.memory_space<hbm>>
    %dma_start3A_146 = tpu.memref_reshape %arg4 : memref<4096x4x1024xf32, #tpu.memory_space<hbm>> -> memref<16384x1024xf32, #tpu.memory_space<hbm>>
    %dma_start3A_147 = arith.constant 0 : i32
    %dma_start3A_148 = tpu.memref_slice %dma_start3A_146[%add3A_142, %dma_start3A_147] : memref<16384x1024xf32, #tpu.memory_space<hbm>> -> memref<32x1024xf32, #tpu.memory_space<hbm>>
    tpu.enqueue_dma source(%arg8 : memref<32x1024xf32, #tpu.memory_space<vmem>>) target(%dma_start3A_148 : memref<32x1024xf32, #tpu.memory_space<hbm>>) target_semaphore(%arg14 : memref<!tpu.dma_semaphore, #tpu.memory_space<semaphore_mem>>)
    %dma_wait3A_149 = tpu.memref_reshape %arg4 : memref<4096x4x1024xf32, #tpu.memory_space<hbm>> -> memref<16384x1024xf32, #tpu.memory_space<hbm>>
    %dma_wait3A_150 = arith.constant 0 : i32
    %dma_wait3A_151 = tpu.memref_slice %dma_wait3A_149[%add3A_142, %dma_wait3A_150] : memref<16384x1024xf32, #tpu.memory_space<hbm>> -> memref<32x1024xf32, #tpu.memory_space<hbm>>
    %dma_wait3A_152 = tpu.memref_reshape %arg4 : memref<4096x4x1024xf32, #tpu.memory_space<hbm>> -> memref<16384x1024xf32, #tpu.memory_space<hbm>>
    %dma_wait3A_153 = arith.constant 0 : i32
    %dma_wait3A_154 = tpu.memref_slice %dma_wait3A_152[%add3A_142, %dma_wait3A_153] : memref<16384x1024xf32, #tpu.memory_space<hbm>> -> memref<32x1024xf32, #tpu.memory_space<hbm>>
    tpu.wait_dma2 semaphore(%arg14 : memref<!tpu.dma_semaphore, #tpu.memory_space<semaphore_mem>>) src(%arg8 : memref<32x1024xf32, #tpu.memory_space<vmem>>) dst(%dma_wait3A_154 : memref<32x1024xf32, #tpu.memory_space<hbm>>)
    %dma_start3A_155 = arith.constant 256 : i32
    %dma_start3A_156 = tpu.memref_slice %arg5[%dma_start3A_155] : memref<512xi32, #tpu.memory_space<vmem>> -> memref<32xi32, #tpu.memory_space<vmem>>
    %dma_start3A_157 = arith.constant 0 : i32
    %dma_start3A_158 = arith.constant 0 : i32
    %dma_start3A_159 = tpu.memref_slice %arg3[%dma_start3A_157, %dma_start3A_158] : memref<8192x1024xf32, #tpu.memory_space<hbm>> -> memref<8192x1024xf32, #tpu.memory_space<hbm>>
    tpu.enqueue_indirect_dma source(%dma_start3A_159 : memref<8192x1024xf32, #tpu.memory_space<hbm>>) target(%arg8 : memref<32x1024xf32, #tpu.memory_space<vmem>>) offsets(%dma_start3A_156 : memref<32xi32, #tpu.memory_space<vmem>>) semaphore(%arg11 : memref<!tpu.dma_semaphore, #tpu.memory_space<semaphore_mem>>)
    %dma_wait3A_160 = arith.constant 192 : i32
    %dma_wait3A_161 = tpu.memref_slice %arg5[%dma_wait3A_160] : memref<512xi32, #tpu.memory_space<vmem>> -> memref<32xi32, #tpu.memory_space<vmem>>
    %dma_wait3A_162 = arith.constant 0 : i32
    %dma_wait3A_163 = arith.constant 0 : i32
    %dma_wait3A_164 = tpu.memref_slice %arg3[%dma_wait3A_162, %dma_wait3A_163] : memref<8192x1024xf32, #tpu.memory_space<hbm>> -> memref<8192x1024xf32, #tpu.memory_space<hbm>>
    tpu.wait_indirect_dma semaphore(%arg9 : memref<!tpu.dma_semaphore, #tpu.memory_space<semaphore_mem>>) src(%dma_wait3A_164 : memref<8192x1024xf32, #tpu.memory_space<hbm>>) dst(%arg6 : memref<32x1024xf32, #tpu.memory_space<vmem>>)
    %add3A_165 = arith.constant 192 : i32
    %add3A_166 = arith.addi %mul3A_2, %add3A_165 : i32
    %dma_start3A_167 = tpu.memref_reshape %arg4 : memref<4096x4x1024xf32, #tpu.memory_space<hbm>> -> memref<16384x1024xf32, #tpu.memory_space<hbm>>
    %dma_start3A_168 = arith.constant 0 : i32
    %dma_start3A_169 = tpu.memref_slice %dma_start3A_167[%add3A_166, %dma_start3A_168] : memref<16384x1024xf32, #tpu.memory_space<hbm>> -> memref<32x1024xf32, #tpu.memory_space<hbm>>
    %dma_start3A_170 = tpu.memref_reshape %arg4 : memref<4096x4x1024xf32, #tpu.memory_space<hbm>> -> memref<16384x1024xf32, #tpu.memory_space<hbm>>
    %dma_start3A_171 = arith.constant 0 : i32
    %dma_start3A_172 = tpu.memref_slice %dma_start3A_170[%add3A_166, %dma_start3A_171] : memref<16384x1024xf32, #tpu.memory_space<hbm>> -> memref<32x1024xf32, #tpu.memory_space<hbm>>
    tpu.enqueue_dma source(%arg6 : memref<32x1024xf32, #tpu.memory_space<vmem>>) target(%dma_start3A_172 : memref<32x1024xf32, #tpu.memory_space<hbm>>) target_semaphore(%arg12 : memref<!tpu.dma_semaphore, #tpu.memory_space<semaphore_mem>>)
    %dma_wait3A_173 = tpu.memref_reshape %arg4 : memref<4096x4x1024xf32, #tpu.memory_space<hbm>> -> memref<16384x1024xf32, #tpu.memory_space<hbm>>
    %dma_wait3A_174 = arith.constant 0 : i32
    %dma_wait3A_175 = tpu.memref_slice %dma_wait3A_173[%add3A_166, %dma_wait3A_174] : memref<16384x1024xf32, #tpu.memory_space<hbm>> -> memref<32x1024xf32, #tpu.memory_space<hbm>>
    %dma_wait3A_176 = tpu.memref_reshape %arg4 : memref<4096x4x1024xf32, #tpu.memory_space<hbm>> -> memref<16384x1024xf32, #tpu.memory_space<hbm>>
    %dma_wait3A_177 = arith.constant 0 : i32
    %dma_wait3A_178 = tpu.memref_slice %dma_wait3A_176[%add3A_166, %dma_wait3A_177] : memref<16384x1024xf32, #tpu.memory_space<hbm>> -> memref<32x1024xf32, #tpu.memory_space<hbm>>
    tpu.wait_dma2 semaphore(%arg12 : memref<!tpu.dma_semaphore, #tpu.memory_space<semaphore_mem>>) src(%arg6 : memref<32x1024xf32, #tpu.memory_space<vmem>>) dst(%dma_wait3A_178 : memref<32x1024xf32, #tpu.memory_space<hbm>>)
    %dma_start3A_179 = arith.constant 288 : i32
    %dma_start3A_180 = tpu.memref_slice %arg5[%dma_start3A_179] : memref<512xi32, #tpu.memory_space<vmem>> -> memref<32xi32, #tpu.memory_space<vmem>>
    %dma_start3A_181 = arith.constant 0 : i32
    %dma_start3A_182 = arith.constant 0 : i32
    %dma_start3A_183 = tpu.memref_slice %arg3[%dma_start3A_181, %dma_start3A_182] : memref<8192x1024xf32, #tpu.memory_space<hbm>> -> memref<8192x1024xf32, #tpu.memory_space<hbm>>
    tpu.enqueue_indirect_dma source(%dma_start3A_183 : memref<8192x1024xf32, #tpu.memory_space<hbm>>) target(%arg6 : memref<32x1024xf32, #tpu.memory_space<vmem>>) offsets(%dma_start3A_180 : memref<32xi32, #tpu.memory_space<vmem>>) semaphore(%arg9 : memref<!tpu.dma_semaphore, #tpu.memory_space<semaphore_mem>>)
    %dma_wait3A_184 = arith.constant 224 : i32
    %dma_wait3A_185 = tpu.memref_slice %arg5[%dma_wait3A_184] : memref<512xi32, #tpu.memory_space<vmem>> -> memref<32xi32, #tpu.memory_space<vmem>>
    %dma_wait3A_186 = arith.constant 0 : i32
    %dma_wait3A_187 = arith.constant 0 : i32
    %dma_wait3A_188 = tpu.memref_slice %arg3[%dma_wait3A_186, %dma_wait3A_187] : memref<8192x1024xf32, #tpu.memory_space<hbm>> -> memref<8192x1024xf32, #tpu.memory_space<hbm>>
    tpu.wait_indirect_dma semaphore(%arg10 : memref<!tpu.dma_semaphore, #tpu.memory_space<semaphore_mem>>) src(%dma_wait3A_188 : memref<8192x1024xf32, #tpu.memory_space<hbm>>) dst(%arg7 : memref<32x1024xf32, #tpu.memory_space<vmem>>)
    %add3A_189 = arith.constant 224 : i32
    %add3A_190 = arith.addi %mul3A_2, %add3A_189 : i32
    %dma_start3A_191 = tpu.memref_reshape %arg4 : memref<4096x4x1024xf32, #tpu.memory_space<hbm>> -> memref<16384x1024xf32, #tpu.memory_space<hbm>>
    %dma_start3A_192 = arith.constant 0 : i32
    %dma_start3A_193 = tpu.memref_slice %dma_start3A_191[%add3A_190, %dma_start3A_192] : memref<16384x1024xf32, #tpu.memory_space<hbm>> -> memref<32x1024xf32, #tpu.memory_space<hbm>>
    %dma_start3A_194 = tpu.memref_reshape %arg4 : memref<4096x4x1024xf32, #tpu.memory_space<hbm>> -> memref<16384x1024xf32, #tpu.memory_space<hbm>>
    %dma_start3A_195 = arith.constant 0 : i32
    %dma_start3A_196 = tpu.memref_slice %dma_start3A_194[%add3A_190, %dma_start3A_195] : memref<16384x1024xf32, #tpu.memory_space<hbm>> -> memref<32x1024xf32, #tpu.memory_space<hbm>>
    tpu.enqueue_dma source(%arg7 : memref<32x1024xf32, #tpu.memory_space<vmem>>) target(%dma_start3A_196 : memref<32x1024xf32, #tpu.memory_space<hbm>>) target_semaphore(%arg13 : memref<!tpu.dma_semaphore, #tpu.memory_space<semaphore_mem>>)
    %dma_wait3A_197 = tpu.memref_reshape %arg4 : memref<4096x4x1024xf32, #tpu.memory_space<hbm>> -> memref<16384x1024xf32, #tpu.memory_space<hbm>>
    %dma_wait3A_198 = arith.constant 0 : i32
    %dma_wait3A_199 = tpu.memref_slice %dma_wait3A_197[%add3A_190, %dma_wait3A_198] : memref<16384x1024xf32, #tpu.memory_space<hbm>> -> memref<32x1024xf32, #tpu.memory_space<hbm>>
    %dma_wait3A_200 = tpu.memref_reshape %arg4 : memref<4096x4x1024xf32, #tpu.memory_space<hbm>> -> memref<16384x1024xf32, #tpu.memory_space<hbm>>
    %dma_wait3A_201 = arith.constant 0 : i32
    %dma_wait3A_202 = tpu.memref_slice %dma_wait3A_200[%add3A_190, %dma_wait3A_201] : memref<16384x1024xf32, #tpu.memory_space<hbm>> -> memref<32x1024xf32, #tpu.memory_space<hbm>>
    tpu.wait_dma2 semaphore(%arg13 : memref<!tpu.dma_semaphore, #tpu.memory_space<semaphore_mem>>) src(%arg7 : memref<32x1024xf32, #tpu.memory_space<vmem>>) dst(%dma_wait3A_202 : memref<32x1024xf32, #tpu.memory_space<hbm>>)
    %dma_start3A_203 = arith.constant 320 : i32
    %dma_start3A_204 = tpu.memref_slice %arg5[%dma_start3A_203] : memref<512xi32, #tpu.memory_space<vmem>> -> memref<32xi32, #tpu.memory_space<vmem>>
    %dma_start3A_205 = arith.constant 0 : i32
    %dma_start3A_206 = arith.constant 0 : i32
    %dma_start3A_207 = tpu.memref_slice %arg3[%dma_start3A_205, %dma_start3A_206] : memref<8192x1024xf32, #tpu.memory_space<hbm>> -> memref<8192x1024xf32, #tpu.memory_space<hbm>>
    tpu.enqueue_indirect_dma source(%dma_start3A_207 : memref<8192x1024xf32, #tpu.memory_space<hbm>>) target(%arg7 : memref<32x1024xf32, #tpu.memory_space<vmem>>) offsets(%dma_start3A_204 : memref<32xi32, #tpu.memory_space<vmem>>) semaphore(%arg10 : memref<!tpu.dma_semaphore, #tpu.memory_space<semaphore_mem>>)
    %dma_wait3A_208 = arith.constant 256 : i32
    %dma_wait3A_209 = tpu.memref_slice %arg5[%dma_wait3A_208] : memref<512xi32, #tpu.memory_space<vmem>> -> memref<32xi32, #tpu.memory_space<vmem>>
    %dma_wait3A_210 = arith.constant 0 : i32
    %dma_wait3A_211 = arith.constant 0 : i32
    %dma_wait3A_212 = tpu.memref_slice %arg3[%dma_wait3A_210, %dma_wait3A_211] : memref<8192x1024xf32, #tpu.memory_space<hbm>> -> memref<8192x1024xf32, #tpu.memory_space<hbm>>
    tpu.wait_indirect_dma semaphore(%arg11 : memref<!tpu.dma_semaphore, #tpu.memory_space<semaphore_mem>>) src(%dma_wait3A_212 : memref<8192x1024xf32, #tpu.memory_space<hbm>>) dst(%arg8 : memref<32x1024xf32, #tpu.memory_space<vmem>>)
    %add3A_213 = arith.constant 256 : i32
    %add3A_214 = arith.addi %mul3A_2, %add3A_213 : i32
    %dma_start3A_215 = tpu.memref_reshape %arg4 : memref<4096x4x1024xf32, #tpu.memory_space<hbm>> -> memref<16384x1024xf32, #tpu.memory_space<hbm>>
    %dma_start3A_216 = arith.constant 0 : i32
    %dma_start3A_217 = tpu.memref_slice %dma_start3A_215[%add3A_214, %dma_start3A_216] : memref<16384x1024xf32, #tpu.memory_space<hbm>> -> memref<32x1024xf32, #tpu.memory_space<hbm>>
    %dma_start3A_218 = tpu.memref_reshape %arg4 : memref<4096x4x1024xf32, #tpu.memory_space<hbm>> -> memref<16384x1024xf32, #tpu.memory_space<hbm>>
    %dma_start3A_219 = arith.constant 0 : i32
    %dma_start3A_220 = tpu.memref_slice %dma_start3A_218[%add3A_214, %dma_start3A_219] : memref<16384x1024xf32, #tpu.memory_space<hbm>> -> memref<32x1024xf32, #tpu.memory_space<hbm>>
    tpu.enqueue_dma source(%arg8 : memref<32x1024xf32, #tpu.memory_space<vmem>>) target(%dma_start3A_220 : memref<32x1024xf32, #tpu.memory_space<hbm>>) target_semaphore(%arg14 : memref<!tpu.dma_semaphore, #tpu.memory_space<semaphore_mem>>)
    %dma_wait3A_221 = tpu.memref_reshape %arg4 : memref<4096x4x1024xf32, #tpu.memory_space<hbm>> -> memref<16384x1024xf32, #tpu.memory_space<hbm>>
    %dma_wait3A_222 = arith.constant 0 : i32
    %dma_wait3A_223 = tpu.memref_slice %dma_wait3A_221[%add3A_214, %dma_wait3A_222] : memref<16384x1024xf32, #tpu.memory_space<hbm>> -> memref<32x1024xf32, #tpu.memory_space<hbm>>
    %dma_wait3A_224 = tpu.memref_reshape %arg4 : memref<4096x4x1024xf32, #tpu.memory_space<hbm>> -> memref<16384x1024xf32, #tpu.memory_space<hbm>>
    %dma_wait3A_225 = arith.constant 0 : i32
    %dma_wait3A_226 = tpu.memref_slice %dma_wait3A_224[%add3A_214, %dma_wait3A_225] : memref<16384x1024xf32, #tpu.memory_space<hbm>> -> memref<32x1024xf32, #tpu.memory_space<hbm>>
    tpu.wait_dma2 semaphore(%arg14 : memref<!tpu.dma_semaphore, #tpu.memory_space<semaphore_mem>>) src(%arg8 : memref<32x1024xf32, #tpu.memory_space<vmem>>) dst(%dma_wait3A_226 : memref<32x1024xf32, #tpu.memory_space<hbm>>)
    %dma_start3A_227 = arith.constant 352 : i32
    %dma_start3A_228 = tpu.memref_slice %arg5[%dma_start3A_227] : memref<512xi32, #tpu.memory_space<vmem>> -> memref<32xi32, #tpu.memory_space<vmem>>
    %dma_start3A_229 = arith.constant 0 : i32
    %dma_start3A_230 = arith.constant 0 : i32
    %dma_start3A_231 = tpu.memref_slice %arg3[%dma_start3A_229, %dma_start3A_230] : memref<8192x1024xf32, #tpu.memory_space<hbm>> -> memref<8192x1024xf32, #tpu.memory_space<hbm>>
    tpu.enqueue_indirect_dma source(%dma_start3A_231 : memref<8192x1024xf32, #tpu.memory_space<hbm>>) target(%arg8 : memref<32x1024xf32, #tpu.memory_space<vmem>>) offsets(%dma_start3A_228 : memref<32xi32, #tpu.memory_space<vmem>>) semaphore(%arg11 : memref<!tpu.dma_semaphore, #tpu.memory_space<semaphore_mem>>)
    %dma_wait3A_232 = arith.constant 288 : i32
    %dma_wait3A_233 = tpu.memref_slice %arg5[%dma_wait3A_232] : memref<512xi32, #tpu.memory_space<vmem>> -> memref<32xi32, #tpu.memory_space<vmem>>
    %dma_wait3A_234 = arith.constant 0 : i32
    %dma_wait3A_235 = arith.constant 0 : i32
    %dma_wait3A_236 = tpu.memref_slice %arg3[%dma_wait3A_234, %dma_wait3A_235] : memref<8192x1024xf32, #tpu.memory_space<hbm>> -> memref<8192x1024xf32, #tpu.memory_space<hbm>>
    tpu.wait_indirect_dma semaphore(%arg9 : memref<!tpu.dma_semaphore, #tpu.memory_space<semaphore_mem>>) src(%dma_wait3A_236 : memref<8192x1024xf32, #tpu.memory_space<hbm>>) dst(%arg6 : memref<32x1024xf32, #tpu.memory_space<vmem>>)
    %add3A_237 = arith.constant 288 : i32
    %add3A_238 = arith.addi %mul3A_2, %add3A_237 : i32
    %dma_start3A_239 = tpu.memref_reshape %arg4 : memref<4096x4x1024xf32, #tpu.memory_space<hbm>> -> memref<16384x1024xf32, #tpu.memory_space<hbm>>
    %dma_start3A_240 = arith.constant 0 : i32
    %dma_start3A_241 = tpu.memref_slice %dma_start3A_239[%add3A_238, %dma_start3A_240] : memref<16384x1024xf32, #tpu.memory_space<hbm>> -> memref<32x1024xf32, #tpu.memory_space<hbm>>
    %dma_start3A_242 = tpu.memref_reshape %arg4 : memref<4096x4x1024xf32, #tpu.memory_space<hbm>> -> memref<16384x1024xf32, #tpu.memory_space<hbm>>
    %dma_start3A_243 = arith.constant 0 : i32
    %dma_start3A_244 = tpu.memref_slice %dma_start3A_242[%add3A_238, %dma_start3A_243] : memref<16384x1024xf32, #tpu.memory_space<hbm>> -> memref<32x1024xf32, #tpu.memory_space<hbm>>
    tpu.enqueue_dma source(%arg6 : memref<32x1024xf32, #tpu.memory_space<vmem>>) target(%dma_start3A_244 : memref<32x1024xf32, #tpu.memory_space<hbm>>) target_semaphore(%arg12 : memref<!tpu.dma_semaphore, #tpu.memory_space<semaphore_mem>>)
    %dma_wait3A_245 = tpu.memref_reshape %arg4 : memref<4096x4x1024xf32, #tpu.memory_space<hbm>> -> memref<16384x1024xf32, #tpu.memory_space<hbm>>
    %dma_wait3A_246 = arith.constant 0 : i32
    %dma_wait3A_247 = tpu.memref_slice %dma_wait3A_245[%add3A_238, %dma_wait3A_246] : memref<16384x1024xf32, #tpu.memory_space<hbm>> -> memref<32x1024xf32, #tpu.memory_space<hbm>>
    %dma_wait3A_248 = tpu.memref_reshape %arg4 : memref<4096x4x1024xf32, #tpu.memory_space<hbm>> -> memref<16384x1024xf32, #tpu.memory_space<hbm>>
    %dma_wait3A_249 = arith.constant 0 : i32
    %dma_wait3A_250 = tpu.memref_slice %dma_wait3A_248[%add3A_238, %dma_wait3A_249] : memref<16384x1024xf32, #tpu.memory_space<hbm>> -> memref<32x1024xf32, #tpu.memory_space<hbm>>
    tpu.wait_dma2 semaphore(%arg12 : memref<!tpu.dma_semaphore, #tpu.memory_space<semaphore_mem>>) src(%arg6 : memref<32x1024xf32, #tpu.memory_space<vmem>>) dst(%dma_wait3A_250 : memref<32x1024xf32, #tpu.memory_space<hbm>>)
    %dma_start3A_251 = arith.constant 384 : i32
    %dma_start3A_252 = tpu.memref_slice %arg5[%dma_start3A_251] : memref<512xi32, #tpu.memory_space<vmem>> -> memref<32xi32, #tpu.memory_space<vmem>>
    %dma_start3A_253 = arith.constant 0 : i32
    %dma_start3A_254 = arith.constant 0 : i32
    %dma_start3A_255 = tpu.memref_slice %arg3[%dma_start3A_253, %dma_start3A_254] : memref<8192x1024xf32, #tpu.memory_space<hbm>> -> memref<8192x1024xf32, #tpu.memory_space<hbm>>
    tpu.enqueue_indirect_dma source(%dma_start3A_255 : memref<8192x1024xf32, #tpu.memory_space<hbm>>) target(%arg6 : memref<32x1024xf32, #tpu.memory_space<vmem>>) offsets(%dma_start3A_252 : memref<32xi32, #tpu.memory_space<vmem>>) semaphore(%arg9 : memref<!tpu.dma_semaphore, #tpu.memory_space<semaphore_mem>>)
    %dma_wait3A_256 = arith.constant 320 : i32
    %dma_wait3A_257 = tpu.memref_slice %arg5[%dma_wait3A_256] : memref<512xi32, #tpu.memory_space<vmem>> -> memref<32xi32, #tpu.memory_space<vmem>>
    %dma_wait3A_258 = arith.constant 0 : i32
    %dma_wait3A_259 = arith.constant 0 : i32
    %dma_wait3A_260 = tpu.memref_slice %arg3[%dma_wait3A_258, %dma_wait3A_259] : memref<8192x1024xf32, #tpu.memory_space<hbm>> -> memref<8192x1024xf32, #tpu.memory_space<hbm>>
    tpu.wait_indirect_dma semaphore(%arg10 : memref<!tpu.dma_semaphore, #tpu.memory_space<semaphore_mem>>) src(%dma_wait3A_260 : memref<8192x1024xf32, #tpu.memory_space<hbm>>) dst(%arg7 : memref<32x1024xf32, #tpu.memory_space<vmem>>)
    %add3A_261 = arith.constant 320 : i32
    %add3A_262 = arith.addi %mul3A_2, %add3A_261 : i32
    %dma_start3A_263 = tpu.memref_reshape %arg4 : memref<4096x4x1024xf32, #tpu.memory_space<hbm>> -> memref<16384x1024xf32, #tpu.memory_space<hbm>>
    %dma_start3A_264 = arith.constant 0 : i32
    %dma_start3A_265 = tpu.memref_slice %dma_start3A_263[%add3A_262, %dma_start3A_264] : memref<16384x1024xf32, #tpu.memory_space<hbm>> -> memref<32x1024xf32, #tpu.memory_space<hbm>>
    %dma_start3A_266 = tpu.memref_reshape %arg4 : memref<4096x4x1024xf32, #tpu.memory_space<hbm>> -> memref<16384x1024xf32, #tpu.memory_space<hbm>>
    %dma_start3A_267 = arith.constant 0 : i32
    %dma_start3A_268 = tpu.memref_slice %dma_start3A_266[%add3A_262, %dma_start3A_267] : memref<16384x1024xf32, #tpu.memory_space<hbm>> -> memref<32x1024xf32, #tpu.memory_space<hbm>>
    tpu.enqueue_dma source(%arg7 : memref<32x1024xf32, #tpu.memory_space<vmem>>) target(%dma_start3A_268 : memref<32x1024xf32, #tpu.memory_space<hbm>>) target_semaphore(%arg13 : memref<!tpu.dma_semaphore, #tpu.memory_space<semaphore_mem>>)
    %dma_wait3A_269 = tpu.memref_reshape %arg4 : memref<4096x4x1024xf32, #tpu.memory_space<hbm>> -> memref<16384x1024xf32, #tpu.memory_space<hbm>>
    %dma_wait3A_270 = arith.constant 0 : i32
    %dma_wait3A_271 = tpu.memref_slice %dma_wait3A_269[%add3A_262, %dma_wait3A_270] : memref<16384x1024xf32, #tpu.memory_space<hbm>> -> memref<32x1024xf32, #tpu.memory_space<hbm>>
    %dma_wait3A_272 = tpu.memref_reshape %arg4 : memref<4096x4x1024xf32, #tpu.memory_space<hbm>> -> memref<16384x1024xf32, #tpu.memory_space<hbm>>
    %dma_wait3A_273 = arith.constant 0 : i32
    %dma_wait3A_274 = tpu.memref_slice %dma_wait3A_272[%add3A_262, %dma_wait3A_273] : memref<16384x1024xf32, #tpu.memory_space<hbm>> -> memref<32x1024xf32, #tpu.memory_space<hbm>>
    tpu.wait_dma2 semaphore(%arg13 : memref<!tpu.dma_semaphore, #tpu.memory_space<semaphore_mem>>) src(%arg7 : memref<32x1024xf32, #tpu.memory_space<vmem>>) dst(%dma_wait3A_274 : memref<32x1024xf32, #tpu.memory_space<hbm>>)
    %dma_start3A_275 = arith.constant 416 : i32
    %dma_start3A_276 = tpu.memref_slice %arg5[%dma_start3A_275] : memref<512xi32, #tpu.memory_space<vmem>> -> memref<32xi32, #tpu.memory_space<vmem>>
    %dma_start3A_277 = arith.constant 0 : i32
    %dma_start3A_278 = arith.constant 0 : i32
    %dma_start3A_279 = tpu.memref_slice %arg3[%dma_start3A_277, %dma_start3A_278] : memref<8192x1024xf32, #tpu.memory_space<hbm>> -> memref<8192x1024xf32, #tpu.memory_space<hbm>>
    tpu.enqueue_indirect_dma source(%dma_start3A_279 : memref<8192x1024xf32, #tpu.memory_space<hbm>>) target(%arg7 : memref<32x1024xf32, #tpu.memory_space<vmem>>) offsets(%dma_start3A_276 : memref<32xi32, #tpu.memory_space<vmem>>) semaphore(%arg10 : memref<!tpu.dma_semaphore, #tpu.memory_space<semaphore_mem>>)
    %dma_wait3A_280 = arith.constant 352 : i32
    %dma_wait3A_281 = tpu.memref_slice %arg5[%dma_wait3A_280] : memref<512xi32, #tpu.memory_space<vmem>> -> memref<32xi32, #tpu.memory_space<vmem>>
    %dma_wait3A_282 = arith.constant 0 : i32
    %dma_wait3A_283 = arith.constant 0 : i32
    %dma_wait3A_284 = tpu.memref_slice %arg3[%dma_wait3A_282, %dma_wait3A_283] : memref<8192x1024xf32, #tpu.memory_space<hbm>> -> memref<8192x1024xf32, #tpu.memory_space<hbm>>
    tpu.wait_indirect_dma semaphore(%arg11 : memref<!tpu.dma_semaphore, #tpu.memory_space<semaphore_mem>>) src(%dma_wait3A_284 : memref<8192x1024xf32, #tpu.memory_space<hbm>>) dst(%arg8 : memref<32x1024xf32, #tpu.memory_space<vmem>>)
    %add3A_285 = arith.constant 352 : i32
    %add3A_286 = arith.addi %mul3A_2, %add3A_285 : i32
    %dma_start3A_287 = tpu.memref_reshape %arg4 : memref<4096x4x1024xf32, #tpu.memory_space<hbm>> -> memref<16384x1024xf32, #tpu.memory_space<hbm>>
    %dma_start3A_288 = arith.constant 0 : i32
    %dma_start3A_289 = tpu.memref_slice %dma_start3A_287[%add3A_286, %dma_start3A_288] : memref<16384x1024xf32, #tpu.memory_space<hbm>> -> memref<32x1024xf32, #tpu.memory_space<hbm>>
    %dma_start3A_290 = tpu.memref_reshape %arg4 : memref<4096x4x1024xf32, #tpu.memory_space<hbm>> -> memref<16384x1024xf32, #tpu.memory_space<hbm>>
    %dma_start3A_291 = arith.constant 0 : i32
    %dma_start3A_292 = tpu.memref_slice %dma_start3A_290[%add3A_286, %dma_start3A_291] : memref<16384x1024xf32, #tpu.memory_space<hbm>> -> memref<32x1024xf32, #tpu.memory_space<hbm>>
    tpu.enqueue_dma source(%arg8 : memref<32x1024xf32, #tpu.memory_space<vmem>>) target(%dma_start3A_292 : memref<32x1024xf32, #tpu.memory_space<hbm>>) target_semaphore(%arg14 : memref<!tpu.dma_semaphore, #tpu.memory_space<semaphore_mem>>)
    %dma_wait3A_293 = tpu.memref_reshape %arg4 : memref<4096x4x1024xf32, #tpu.memory_space<hbm>> -> memref<16384x1024xf32, #tpu.memory_space<hbm>>
    %dma_wait3A_294 = arith.constant 0 : i32
    %dma_wait3A_295 = tpu.memref_slice %dma_wait3A_293[%add3A_286, %dma_wait3A_294] : memref<16384x1024xf32, #tpu.memory_space<hbm>> -> memref<32x1024xf32, #tpu.memory_space<hbm>>
    %dma_wait3A_296 = tpu.memref_reshape %arg4 : memref<4096x4x1024xf32, #tpu.memory_space<hbm>> -> memref<16384x1024xf32, #tpu.memory_space<hbm>>
    %dma_wait3A_297 = arith.constant 0 : i32
    %dma_wait3A_298 = tpu.memref_slice %dma_wait3A_296[%add3A_286, %dma_wait3A_297] : memref<16384x1024xf32, #tpu.memory_space<hbm>> -> memref<32x1024xf32, #tpu.memory_space<hbm>>
    tpu.wait_dma2 semaphore(%arg14 : memref<!tpu.dma_semaphore, #tpu.memory_space<semaphore_mem>>) src(%arg8 : memref<32x1024xf32, #tpu.memory_space<vmem>>) dst(%dma_wait3A_298 : memref<32x1024xf32, #tpu.memory_space<hbm>>)
    %dma_start3A_299 = arith.constant 448 : i32
    %dma_start3A_300 = tpu.memref_slice %arg5[%dma_start3A_299] : memref<512xi32, #tpu.memory_space<vmem>> -> memref<32xi32, #tpu.memory_space<vmem>>
    %dma_start3A_301 = arith.constant 0 : i32
    %dma_start3A_302 = arith.constant 0 : i32
    %dma_start3A_303 = tpu.memref_slice %arg3[%dma_start3A_301, %dma_start3A_302] : memref<8192x1024xf32, #tpu.memory_space<hbm>> -> memref<8192x1024xf32, #tpu.memory_space<hbm>>
    tpu.enqueue_indirect_dma source(%dma_start3A_303 : memref<8192x1024xf32, #tpu.memory_space<hbm>>) target(%arg8 : memref<32x1024xf32, #tpu.memory_space<vmem>>) offsets(%dma_start3A_300 : memref<32xi32, #tpu.memory_space<vmem>>) semaphore(%arg11 : memref<!tpu.dma_semaphore, #tpu.memory_space<semaphore_mem>>)
    %dma_wait3A_304 = arith.constant 384 : i32
    %dma_wait3A_305 = tpu.memref_slice %arg5[%dma_wait3A_304] : memref<512xi32, #tpu.memory_space<vmem>> -> memref<32xi32, #tpu.memory_space<vmem>>
    %dma_wait3A_306 = arith.constant 0 : i32
    %dma_wait3A_307 = arith.constant 0 : i32
    %dma_wait3A_308 = tpu.memref_slice %arg3[%dma_wait3A_306, %dma_wait3A_307] : memref<8192x1024xf32, #tpu.memory_space<hbm>> -> memref<8192x1024xf32, #tpu.memory_space<hbm>>
    tpu.wait_indirect_dma semaphore(%arg9 : memref<!tpu.dma_semaphore, #tpu.memory_space<semaphore_mem>>) src(%dma_wait3A_308 : memref<8192x1024xf32, #tpu.memory_space<hbm>>) dst(%arg6 : memref<32x1024xf32, #tpu.memory_space<vmem>>)
    %add3A_309 = arith.constant 384 : i32
    %add3A_310 = arith.addi %mul3A_2, %add3A_309 : i32
    %dma_start3A_311 = tpu.memref_reshape %arg4 : memref<4096x4x1024xf32, #tpu.memory_space<hbm>> -> memref<16384x1024xf32, #tpu.memory_space<hbm>>
    %dma_start3A_312 = arith.constant 0 : i32
    %dma_start3A_313 = tpu.memref_slice %dma_start3A_311[%add3A_310, %dma_start3A_312] : memref<16384x1024xf32, #tpu.memory_space<hbm>> -> memref<32x1024xf32, #tpu.memory_space<hbm>>
    %dma_start3A_314 = tpu.memref_reshape %arg4 : memref<4096x4x1024xf32, #tpu.memory_space<hbm>> -> memref<16384x1024xf32, #tpu.memory_space<hbm>>
    %dma_start3A_315 = arith.constant 0 : i32
    %dma_start3A_316 = tpu.memref_slice %dma_start3A_314[%add3A_310, %dma_start3A_315] : memref<16384x1024xf32, #tpu.memory_space<hbm>> -> memref<32x1024xf32, #tpu.memory_space<hbm>>
    tpu.enqueue_dma source(%arg6 : memref<32x1024xf32, #tpu.memory_space<vmem>>) target(%dma_start3A_316 : memref<32x1024xf32, #tpu.memory_space<hbm>>) target_semaphore(%arg12 : memref<!tpu.dma_semaphore, #tpu.memory_space<semaphore_mem>>)
    %dma_wait3A_317 = tpu.memref_reshape %arg4 : memref<4096x4x1024xf32, #tpu.memory_space<hbm>> -> memref<16384x1024xf32, #tpu.memory_space<hbm>>
    %dma_wait3A_318 = arith.constant 0 : i32
    %dma_wait3A_319 = tpu.memref_slice %dma_wait3A_317[%add3A_310, %dma_wait3A_318] : memref<16384x1024xf32, #tpu.memory_space<hbm>> -> memref<32x1024xf32, #tpu.memory_space<hbm>>
    %dma_wait3A_320 = tpu.memref_reshape %arg4 : memref<4096x4x1024xf32, #tpu.memory_space<hbm>> -> memref<16384x1024xf32, #tpu.memory_space<hbm>>
    %dma_wait3A_321 = arith.constant 0 : i32
    %dma_wait3A_322 = tpu.memref_slice %dma_wait3A_320[%add3A_310, %dma_wait3A_321] : memref<16384x1024xf32, #tpu.memory_space<hbm>> -> memref<32x1024xf32, #tpu.memory_space<hbm>>
    tpu.wait_dma2 semaphore(%arg12 : memref<!tpu.dma_semaphore, #tpu.memory_space<semaphore_mem>>) src(%arg6 : memref<32x1024xf32, #tpu.memory_space<vmem>>) dst(%dma_wait3A_322 : memref<32x1024xf32, #tpu.memory_space<hbm>>)
    %dma_start3A_323 = arith.constant 480 : i32
    %dma_start3A_324 = tpu.memref_slice %arg5[%dma_start3A_323] : memref<512xi32, #tpu.memory_space<vmem>> -> memref<32xi32, #tpu.memory_space<vmem>>
    %dma_start3A_325 = arith.constant 0 : i32
    %dma_start3A_326 = arith.constant 0 : i32
    %dma_start3A_327 = tpu.memref_slice %arg3[%dma_start3A_325, %dma_start3A_326] : memref<8192x1024xf32, #tpu.memory_space<hbm>> -> memref<8192x1024xf32, #tpu.memory_space<hbm>>
    tpu.enqueue_indirect_dma source(%dma_start3A_327 : memref<8192x1024xf32, #tpu.memory_space<hbm>>) target(%arg6 : memref<32x1024xf32, #tpu.memory_space<vmem>>) offsets(%dma_start3A_324 : memref<32xi32, #tpu.memory_space<vmem>>) semaphore(%arg9 : memref<!tpu.dma_semaphore, #tpu.memory_space<semaphore_mem>>)
    %dma_wait3A_328 = arith.constant 416 : i32
    %dma_wait3A_329 = tpu.memref_slice %arg5[%dma_wait3A_328] : memref<512xi32, #tpu.memory_space<vmem>> -> memref<32xi32, #tpu.memory_space<vmem>>
    %dma_wait3A_330 = arith.constant 0 : i32
    %dma_wait3A_331 = arith.constant 0 : i32
    %dma_wait3A_332 = tpu.memref_slice %arg3[%dma_wait3A_330, %dma_wait3A_331] : memref<8192x1024xf32, #tpu.memory_space<hbm>> -> memref<8192x1024xf32, #tpu.memory_space<hbm>>
    tpu.wait_indirect_dma semaphore(%arg10 : memref<!tpu.dma_semaphore, #tpu.memory_space<semaphore_mem>>) src(%dma_wait3A_332 : memref<8192x1024xf32, #tpu.memory_space<hbm>>) dst(%arg7 : memref<32x1024xf32, #tpu.memory_space<vmem>>)
    %add3A_333 = arith.constant 416 : i32
    %add3A_334 = arith.addi %mul3A_2, %add3A_333 : i32
    %dma_start3A_335 = tpu.memref_reshape %arg4 : memref<4096x4x1024xf32, #tpu.memory_space<hbm>> -> memref<16384x1024xf32, #tpu.memory_space<hbm>>
    %dma_start3A_336 = arith.constant 0 : i32
    %dma_start3A_337 = tpu.memref_slice %dma_start3A_335[%add3A_334, %dma_start3A_336] : memref<16384x1024xf32, #tpu.memory_space<hbm>> -> memref<32x1024xf32, #tpu.memory_space<hbm>>
    %dma_start3A_338 = tpu.memref_reshape %arg4 : memref<4096x4x1024xf32, #tpu.memory_space<hbm>> -> memref<16384x1024xf32, #tpu.memory_space<hbm>>
    %dma_start3A_339 = arith.constant 0 : i32
    %dma_start3A_340 = tpu.memref_slice %dma_start3A_338[%add3A_334, %dma_start3A_339] : memref<16384x1024xf32, #tpu.memory_space<hbm>> -> memref<32x1024xf32, #tpu.memory_space<hbm>>
    tpu.enqueue_dma source(%arg7 : memref<32x1024xf32, #tpu.memory_space<vmem>>) target(%dma_start3A_340 : memref<32x1024xf32, #tpu.memory_space<hbm>>) target_semaphore(%arg13 : memref<!tpu.dma_semaphore, #tpu.memory_space<semaphore_mem>>)
    %dma_wait3A_341 = arith.constant 448 : i32
    %dma_wait3A_342 = tpu.memref_slice %arg5[%dma_wait3A_341] : memref<512xi32, #tpu.memory_space<vmem>> -> memref<32xi32, #tpu.memory_space<vmem>>
    %dma_wait3A_343 = arith.constant 0 : i32
    %dma_wait3A_344 = arith.constant 0 : i32
    %dma_wait3A_345 = tpu.memref_slice %arg3[%dma_wait3A_343, %dma_wait3A_344] : memref<8192x1024xf32, #tpu.memory_space<hbm>> -> memref<8192x1024xf32, #tpu.memory_space<hbm>>
    tpu.wait_indirect_dma semaphore(%arg11 : memref<!tpu.dma_semaphore, #tpu.memory_space<semaphore_mem>>) src(%dma_wait3A_345 : memref<8192x1024xf32, #tpu.memory_space<hbm>>) dst(%arg8 : memref<32x1024xf32, #tpu.memory_space<vmem>>)
    %add3A_346 = arith.constant 448 : i32
    %add3A_347 = arith.addi %mul3A_2, %add3A_346 : i32
    %dma_start3A_348 = tpu.memref_reshape %arg4 : memref<4096x4x1024xf32, #tpu.memory_space<hbm>> -> memref<16384x1024xf32, #tpu.memory_space<hbm>>
    %dma_start3A_349 = arith.constant 0 : i32
    %dma_start3A_350 = tpu.memref_slice %dma_start3A_348[%add3A_347, %dma_start3A_349] : memref<16384x1024xf32, #tpu.memory_space<hbm>> -> memref<32x1024xf32, #tpu.memory_space<hbm>>
    %dma_start3A_351 = tpu.memref_reshape %arg4 : memref<4096x4x1024xf32, #tpu.memory_space<hbm>> -> memref<16384x1024xf32, #tpu.memory_space<hbm>>
    %dma_start3A_352 = arith.constant 0 : i32
    %dma_start3A_353 = tpu.memref_slice %dma_start3A_351[%add3A_347, %dma_start3A_352] : memref<16384x1024xf32, #tpu.memory_space<hbm>> -> memref<32x1024xf32, #tpu.memory_space<hbm>>
    tpu.enqueue_dma source(%arg8 : memref<32x1024xf32, #tpu.memory_space<vmem>>) target(%dma_start3A_353 : memref<32x1024xf32, #tpu.memory_space<hbm>>) target_semaphore(%arg14 : memref<!tpu.dma_semaphore, #tpu.memory_space<semaphore_mem>>)
    %dma_wait3A_354 = arith.constant 480 : i32
    %dma_wait3A_355 = tpu.memref_slice %arg5[%dma_wait3A_354] : memref<512xi32, #tpu.memory_space<vmem>> -> memref<32xi32, #tpu.memory_space<vmem>>
    %dma_wait3A_356 = arith.constant 0 : i32
    %dma_wait3A_357 = arith.constant 0 : i32
    %dma_wait3A_358 = tpu.memref_slice %arg3[%dma_wait3A_356, %dma_wait3A_357] : memref<8192x1024xf32, #tpu.memory_space<hbm>> -> memref<8192x1024xf32, #tpu.memory_space<hbm>>
    tpu.wait_indirect_dma semaphore(%arg9 : memref<!tpu.dma_semaphore, #tpu.memory_space<semaphore_mem>>) src(%dma_wait3A_358 : memref<8192x1024xf32, #tpu.memory_space<hbm>>) dst(%arg6 : memref<32x1024xf32, #tpu.memory_space<vmem>>)
    %add3A_359 = arith.constant 480 : i32
    %add3A_360 = arith.addi %mul3A_2, %add3A_359 : i32
    %dma_start3A_361 = tpu.memref_reshape %arg4 : memref<4096x4x1024xf32, #tpu.memory_space<hbm>> -> memref<16384x1024xf32, #tpu.memory_space<hbm>>
    %dma_start3A_362 = arith.constant 0 : i32
    %dma_start3A_363 = tpu.memref_slice %dma_start3A_361[%add3A_360, %dma_start3A_362] : memref<16384x1024xf32, #tpu.memory_space<hbm>> -> memref<32x1024xf32, #tpu.memory_space<hbm>>
    %dma_start3A_364 = tpu.memref_reshape %arg4 : memref<4096x4x1024xf32, #tpu.memory_space<hbm>> -> memref<16384x1024xf32, #tpu.memory_space<hbm>>
    %dma_start3A_365 = arith.constant 0 : i32
    %dma_start3A_366 = tpu.memref_slice %dma_start3A_364[%add3A_360, %dma_start3A_365] : memref<16384x1024xf32, #tpu.memory_space<hbm>> -> memref<32x1024xf32, #tpu.memory_space<hbm>>
    tpu.enqueue_dma source(%arg6 : memref<32x1024xf32, #tpu.memory_space<vmem>>) target(%dma_start3A_366 : memref<32x1024xf32, #tpu.memory_space<hbm>>) target_semaphore(%arg12 : memref<!tpu.dma_semaphore, #tpu.memory_space<semaphore_mem>>)
    %dma_wait3A_367 = tpu.memref_reshape %arg4 : memref<4096x4x1024xf32, #tpu.memory_space<hbm>> -> memref<16384x1024xf32, #tpu.memory_space<hbm>>
    %dma_wait3A_368 = arith.constant 0 : i32
    %dma_wait3A_369 = tpu.memref_slice %dma_wait3A_367[%add3A_360, %dma_wait3A_368] : memref<16384x1024xf32, #tpu.memory_space<hbm>> -> memref<32x1024xf32, #tpu.memory_space<hbm>>
    %dma_wait3A_370 = tpu.memref_reshape %arg4 : memref<4096x4x1024xf32, #tpu.memory_space<hbm>> -> memref<16384x1024xf32, #tpu.memory_space<hbm>>
    %dma_wait3A_371 = arith.constant 0 : i32
    %dma_wait3A_372 = tpu.memref_slice %dma_wait3A_370[%add3A_360, %dma_wait3A_371] : memref<16384x1024xf32, #tpu.memory_space<hbm>> -> memref<32x1024xf32, #tpu.memory_space<hbm>>
    tpu.wait_dma2 semaphore(%arg12 : memref<!tpu.dma_semaphore, #tpu.memory_space<semaphore_mem>>) src(%arg6 : memref<32x1024xf32, #tpu.memory_space<vmem>>) dst(%dma_wait3A_372 : memref<32x1024xf32, #tpu.memory_space<hbm>>)
    %dma_wait3A_373 = tpu.memref_reshape %arg4 : memref<4096x4x1024xf32, #tpu.memory_space<hbm>> -> memref<16384x1024xf32, #tpu.memory_space<hbm>>
    %dma_wait3A_374 = arith.constant 0 : i32
    %dma_wait3A_375 = tpu.memref_slice %dma_wait3A_373[%add3A_334, %dma_wait3A_374] : memref<16384x1024xf32, #tpu.memory_space<hbm>> -> memref<32x1024xf32, #tpu.memory_space<hbm>>
    %dma_wait3A_376 = tpu.memref_reshape %arg4 : memref<4096x4x1024xf32, #tpu.memory_space<hbm>> -> memref<16384x1024xf32, #tpu.memory_space<hbm>>
    %dma_wait3A_377 = arith.constant 0 : i32
    %dma_wait3A_378 = tpu.memref_slice %dma_wait3A_376[%add3A_334, %dma_wait3A_377] : memref<16384x1024xf32, #tpu.memory_space<hbm>> -> memref<32x1024xf32, #tpu.memory_space<hbm>>
    tpu.wait_dma2 semaphore(%arg13 : memref<!tpu.dma_semaphore, #tpu.memory_space<semaphore_mem>>) src(%arg7 : memref<32x1024xf32, #tpu.memory_space<vmem>>) dst(%dma_wait3A_378 : memref<32x1024xf32, #tpu.memory_space<hbm>>)
    %dma_wait3A_379 = tpu.memref_reshape %arg4 : memref<4096x4x1024xf32, #tpu.memory_space<hbm>> -> memref<16384x1024xf32, #tpu.memory_space<hbm>>
    %dma_wait3A_380 = arith.constant 0 : i32
    %dma_wait3A_381 = tpu.memref_slice %dma_wait3A_379[%add3A_347, %dma_wait3A_380] : memref<16384x1024xf32, #tpu.memory_space<hbm>> -> memref<32x1024xf32, #tpu.memory_space<hbm>>
    %dma_wait3A_382 = tpu.memref_reshape %arg4 : memref<4096x4x1024xf32, #tpu.memory_space<hbm>> -> memref<16384x1024xf32, #tpu.memory_space<hbm>>
    %dma_wait3A_383 = arith.constant 0 : i32
    %dma_wait3A_384 = tpu.memref_slice %dma_wait3A_382[%add3A_347, %dma_wait3A_383] : memref<16384x1024xf32, #tpu.memory_space<hbm>> -> memref<32x1024xf32, #tpu.memory_space<hbm>>
    tpu.wait_dma2 semaphore(%arg14 : memref<!tpu.dma_semaphore, #tpu.memory_space<semaphore_mem>>) src(%arg8 : memref<32x1024xf32, #tpu.memory_space<vmem>>) dst(%dma_wait3A_384 : memref<32x1024xf32, #tpu.memory_space<hbm>>)
    return
  }
}

</mosaic_0001>

<sc_bundles>
// kernel: kernel.3.cloned.1.call-start
scs
__scs_entry_jumppad:
0x0: {  	(pc) =	sbr.rel $0x88, $3  }
0x1: {  	(tag) =	ssettag $0x0;
	lr =	simm.s32 $0x1  }
0x2: {  	[smem:$0x3F9F] =	sst lr;
	_ =	strace $0xD0000000  }
0x3: {  	_ = 	snop  }
0x4: {  	_ = 	snop  }
0x5: {  	_ = 	snop  }
0x6: {  	_ = 	snop  }
0x7: {  	_ = 	snop  }
__scs_overlays_trampoline_lowered:
0x8: {  	[smem:$0x3FAE] =	sst s0  }
0x9: {  	[smem:$0x3FAF] =	sst s1  }
0xa: {  	[smem:$0x3FB0] =	sst s2  }
0xb: {  	[smem:$0x3FB1] =	sst s3  }
0xc: {  	[smem:$0x3FB2] =	sst s4  }
0xd: {  	[smem:$0x3FB3] =	sst s5  }
0xe: {  	[smem:$0x3FB4] =	sst s6  }
0xf: {  	[smem:$0x3FB5] =	sst s7  }
0x10: {  	[smem:$0x3FB6] =	sst s8  }
0x11: {  	[smem:$0x3FB7] =	sst s9;
	s0 =	simm.s32 @!p0 $0x0  }
0x12: {  	s1 =	sld [smem:$0x3F9D];
	s0 =	simm.s32 @p0 $0x1  }
0x13: {  	[smem:$0x3FB8] =	sst s0;
	s0 =	simm.s32 @!p1 $0x0  }
0x14: {  	s2 =	sld [smem:$0x3F9C];
	s0 =	simm.s32 @p1 $0x1  }
0x15: {  	[smem:$0x3FB9] =	sst s0;
	s0 =	simm.s32 @!p2 $0x0  }
0x16: {  	s3 =	sld [smem:$0x3FDB];
	s0 =	simm.s32 @p2 $0x1  }
0x17: {  	s4 =	simm.s32 $0x1BF5;
	[smem:$0x3FBB] =	sst s0  }
0x18: {  	s0 =	sld [smem:$0x3F9E];
	_ =	swait.ge [sflag:s4], $0x0  }
0x19: {  	s7 =	sld [smem:$0x3F9F]  }
0x1a: {  	s8 =	sadd.s32 $0xFFFFE003, lr  }
0x1b: {  	s9 =	sadd.s32 $0xFFFFFEF7, lr;
	s5 =	simm.s32 $0xFFFFFFFF;
	p2 =	slt.u32 s8, $0xFFFFF086  }
0x1c: {  	p1 =	slt.u32 s9, $0xF7A;
	s5 =	simm.s32 @!p2 $0x0  }
0x1d: {  	s5 =	simm.s32 @p1 $0x1;
	p0 =	seq.s32 s7, s2  }
0x1e: {  	s7 =	smul.u32 @!p0 $0xF7A, s2;
	p2 =	seq.s32 @!p0 s5, $0x0  }
0x1f: {  	s9 =	smul.u32 $0xF7A, s1;
	s8 =	simm.s32 @!p0 $0x1BF5;
	p2 =	por !p2, p0  }
0x20: {  	[sflag:s8] =	ssyncset.s32 @!p0 $0xFFFFF086;
	s6 =	sadd.s32 @!p0 s3, s7;
	s7 =	simm.s32 @!p0 $0x108  }
0x21: {  	s3 =	sadd.s32 s3, s9;
	s6 =	sadd.s32 @!p0 $0x88, s6;
	s7 =	simm.s32 @p2 $0x1082  }
0x22: {  	[simem:s7], [sflag:s8] =	dma.local @!p0 [hbm:s6], $0xF7A  }
0x23: {  	s9 =	sor.u32 $0xD0000000, s2;
	s6 =	simm.s32 $0x108;
	_ =	swait.ge @!p0 [sflag:s8], $0x0  }
0x24: {  	s3 =	sadd.s32 $0x88, s3;
	s6 =	simm.s32 @!p1 $0x1082;
	[sflag:s4] =	ssyncset.s32 $0xFFFFF086  }
0x25: {  	[simem:s6], [sflag:s4] =	dma.local [hbm:s3], $0xF7A  }
0x26: {  	[smem:$0x3F9F] =	sst s1;
	(tag) =	ssettag s2;
	_ =	strace s9  }
0x27: {  	s1 =	sld [smem:$0x3FAF]  }
0x28: {  	s2 =	sld [smem:$0x3FB0]  }
0x29: {  	s4 =	sld [smem:$0x3FB2]  }
0x2a: {  	p0 =	seq.s32 s5, $0x0;
	s5 =	sld [smem:$0x3FB3]  }
0x2b: {  	s6 =	sld [smem:$0x3FB4]  }
0x2c: {  	s7 =	sld [smem:$0x3FB5]  }
0x2d: {  	s3 =	simm.s32 $0x108;
	s8 =	sld [smem:$0x3FB6]  }
0x2e: {  	s3 =	simm.s32 @!p0 $0x1082;
	s9 =	sld [smem:$0x3FB7]  }
0x2f: {  	lr =	sadd.s32 s0, s3;
	s0 =	sld [smem:$0x3FAE]  }
0x30: {  	s3 =	sld [smem:$0x3FB1]  }
0x31: {  	[smem:$0x3FBA] =	sst s10  }
0x32: {  	s10 =	sld [smem:$0x3FB8];
	_ =	sdelay $0x3  }
0x33: {  	p0 =	seq.s32 s10, $0x1;
	s10 =	sld [smem:$0x3FBA];
	_ =	sdelay $0x3  }
0x34: {  	[smem:$0x3FBA] =	sst s10  }
0x35: {  	s10 =	sld [smem:$0x3FB9];
	_ =	sdelay $0x3  }
0x36: {  	p1 =	seq.s32 s10, $0x1;
	s10 =	sld [smem:$0x3FBA];
	_ =	sdelay $0x3  }
0x37: {  	[smem:$0x3FBA] =	sst s10  }
0x38: {  	s10 =	sld [smem:$0x3FBB]  }
0x39: {  	_ = 	snop;
	(pc) =	sbr.ind lr, $3  }
0x3a: {  	_ = 	snop  }
0x3b: {  	_ = 	snop  }
0x3c: {  	p2 =	seq.s32 s10, $0x1;
	s10 =	sld [smem:$0x3FBA]  }
0x3d: {  	_ =	shalt  }
0x3e: {  	_ =	shalt  }
0x3f: {  	_ =	shalt  }
0x40: {  	_ =	shalt  }
0x41: {  	_ =	shalt  }
0x42: {  	_ =	shalt  }
0x43: {  	_ =	shalt  }
0x44: {  	_ =	shalt  }
0x45: {  	_ =	shalt  }
0x46: {  	_ =	shalt  }
0x47: {  	_ =	shalt  }
0x48: {  	_ =	shalt  }
0x49: {  	_ =	shalt  }
0x4a: {  	_ =	shalt  }
0x4b: {  	_ =	shalt  }
0x4c: {  	_ =	shalt  }
0x4d: {  	_ =	shalt  }
0x4e: {  	_ =	shalt  }
0x4f: {  	_ =	shalt  }
0x50: {  	_ =	shalt  }
0x51: {  	_ =	shalt  }
0x52: {  	_ =	shalt  }
0x53: {  	_ =	shalt  }
0x54: {  	_ =	shalt  }
0x55: {  	_ =	shalt  }
0x56: {  	_ =	shalt  }
0x57: {  	_ =	shalt  }
0x58: {  	_ =	shalt  }
0x59: {  	_ =	shalt  }
0x5a: {  	_ =	shalt  }
0x5b: {  	_ =	shalt  }
0x5c: {  	_ =	shalt  }
0x5d: {  	_ =	shalt  }
0x5e: {  	_ =	shalt  }
0x5f: {  	_ =	shalt  }
0x60: {  	_ =	shalt  }
0x61: {  	_ =	shalt  }
0x62: {  	_ =	shalt  }
0x63: {  	_ =	shalt  }
0x64: {  	_ =	shalt  }
0x65: {  	_ =	shalt  }
0x66: {  	_ =	shalt  }
0x67: {  	_ =	shalt  }
0x68: {  	_ =	shalt  }
0x69: {  	_ =	shalt  }
0x6a: {  	_ =	shalt  }
0x6b: {  	_ =	shalt  }
0x6c: {  	_ =	shalt  }
0x6d: {  	_ =	shalt  }
0x6e: {  	_ =	shalt  }
0x6f: {  	_ =	shalt  }
0x70: {  	_ =	shalt  }
0x71: {  	_ =	shalt  }
0x72: {  	_ =	shalt  }
0x73: {  	_ =	shalt  }
0x74: {  	_ =	shalt  }
0x75: {  	_ =	shalt  }
0x76: {  	_ =	shalt  }
0x77: {  	_ =	shalt  }
0x78: {  	_ =	shalt  }
0x79: {  	_ =	shalt  }
0x7a: {  	_ =	shalt  }
0x7b: {  	_ =	shalt  }
0x7c: {  	_ =	shalt  }
0x7d: {  	_ =	shalt  }
0x7e: {  	_ =	shalt  }
0x7f: {  	_ =	shalt  }
0x80: {  	_ =	shalt  }
0x81: {  	_ =	shalt  }
0x82: {  	_ =	shalt  }
0x83: {  	_ =	shalt  }
0x84: {  	_ =	shalt  }
0x85: {  	_ =	shalt  }
0x86: {  	_ =	shalt  }
0x87: {  	_ =	shalt  }
.Lfunc_end0:
.L_simem_size_0:
called_computation_lowered:
.L_overlay_start_0:
0x88: {  	s2 =	sld [smem:$0x3FD9]  }
0x89: {  	s3 =	sld [smem:$0x3FFE];
	_ =	sdelay $0x1  }
0x8a: {  	s1 =	srdreg.scid  }
0x8b: {  	s0 =	sand.u32 $0x1, s1  }
0x8c: {  	s15 =	sshll.u32 s0, $0xA;
	s2 =	sadd.s32 s3, s2  }
0x8d: {  	s2 =	sadd.s32 s2, s15  }
0x8e: {  	[smem:$0x3FC6] =	sst s2  }
0x8f: {  	_ = 	snop  }
0x90: {  	s2 =	sld [smem:$0x3FD0];
	_ =	sdelay $0x2  }
0x91: {  	s4 =	simm.s32 $0xA;
	s5 =	simm.s32 $0x10;
	s16 =	sld [smem:$0x3FC8]  }
0x92: {  	[smem:s5], [sflag:s4] =	dma.local [hbm:s2], $0x1  }
0x93: {  	_ =	swait.eq [sflag:s4], $0x1  }
0x94: {  	[sflag:s4] =	ssyncset.done $0x0  }
0x95: {  	s17 =	sld [smem:$0x10];
	[sflag:s4] =	ssyncadd.s32 $0xFFFFFFFF  }
0x96: {  	s18 =	sld [smem:$0x11];
	(tm) =	ssettm $0x1  }
0x97: {  	s19 =	sld [smem:$0x3FFB];
	_ =	sdelay $0x3  }
0x98: {  	_ =	strace s19  }
0x99: {  	s5 =	sld [smem:$0x3FFC];
	_ =	sdelay $0x3  }
0x9a: {  	_ =	strace s5  }
0x9b: {  	s5 =	sld [smem:$0x3FFD];
	_ =	sdelay $0x3  }
0x9c: {  	_ =	strace s5  }
0x9d: {  	_ =	strace $0x8FFFFFFF  }
0x9e: {  	s20 =	sld [smem:$0x3FDB];
	_ =	sdelay $0x1  }
0x9f: {  	s6 =	simm.s32 $_scs_section_size  }
0xa0: {  	s7 =	simm.s32 $_size__tile_overlayer_lowered;
	s8 =	simm.s32 $_tile_overlayer_lowered  }
0xa1: {  	s23 =	simm.s32 $0x1BFF;
	s22 =	sshll.u32 s8, $0x1;
	s5 =	sadd.s32 s6, s20  }
0xa2: {  	s9 =	simm.s32 $0x0;
	s21 =	sshll.u32 s7, $0x1;
	s7 =	sadd.s32 s22, s5  }
0xa3: {  	[timem:s9], [sflag:s23] =	dma.local [hbm:s7], s21  }
0xa4: {  	_ =	swait.ge [sflag:s23], s21  }
0xa5: {  	s6 =	ssub.s32 $0x0, s21;
	[sflag:s23] =	ssyncset.done $0x0  }
0xa6: {  	[sflag:s23] =	ssyncadd.s32 s6;
	_ =	sdelay $0x1  }
0xa7: {  	s24 =	simm.s32 $0x1B8B  }
0xa8: {  	_ =	swait.ge [sflag:s24], $0x1  }
0xa9: {  	[sflag:s24] =	ssyncset.done $0x0  }
0xaa: {  	s25 =	simm.s32 $0x1B8E;
	[sflag:s24] =	ssyncadd.s32 $0xFFFFFFFF  }
0xab: {  	s26 =	simm.s32 $execute0_lowered;
	[smem:$0x3FD2] =	sst s25  }
0xac: {  	s6 =	sshll.u32 s26, $0x1;
	_ =	strace $0x80000046;
	[dreg:$0x1] =	wrdreg $0xFFFFFFFF  }
0xad: {  	s28 =	simm.s32 $_size_execute0_lowered;
	s5 =	sadd.s32 s5, s6;
	[dreg:$0x0] =	wrdreg $0x0  }
0xae: {  	s6 =	sshll.u32 s28, $0x1;
	[dreg:$0x2] =	wrdreg s5  }
0xaf: {  	[dreg:$0x3] =	wrdreg s6  }
0xb0: {  	[dreg:$0x4] =	wrdreg $0xC0  }
0xb1: {  	_ =	task [dreg:s9], $0x5FFFF  }
0xb2: {  	[dreg:$0x1] =	wrdreg $0xFFFFFFFF  }
0xb3: {  	[dreg:$0x0] =	wrdreg $0x60  }
0xb4: {  	[dreg:$0x2] =	wrdreg s18  }
0xb5: {  	[dreg:$0x3] =	wrdreg s16  }
0xb6: {  	[dreg:$0x4] =	wrdreg s17  }
0xb7: {  	[dreg:$0x5] =	wrdreg $0x9  }
0xb8: {  	_ =	task.clear_ibuf [dreg:s9], $0x6FFFF;
	_ =	strace $0x90000046  }
0xb9: {  	s29 =	simm.s32 $0x9;
	_ =	strace $0x80000048  }
0xba: {  	_ =	swait.ge [sflag:s29], $0x1  }
0xbb: {  	[sflag:s29] =	ssyncadd.s32 $0xFFFFFFFF  }
0xbc: {  	_ =	strace $0x90000048  }
0xbd: {  	_ =	sfence  }
0xbe: {  	s30 =	sld [smem:$0x0];
	_ =	sdelay $0x2  }
0xbf: {  	s31 =	sshll.u32 s1, $0xD;
	s1 =	sshrl.u32 s1, $0x2  }
0xc0: {  	s3 =	sand.u32 $0x4000, s31;
	s1 =	sadd.s32 s1, s30  }
0xc1: {  	s0 =	sor.u32 s3, s0;
	s1 =	sshll.u32 s1, $0x11  }
0xc2: {  	s0 =	sor.u32 s1, s0  }
0xc3: {  	s0 =	sadd.s32 $0x8F2B, s0  }
0xc4: {  	[sflag:s0] =	ssyncadd.remote.s32 $0x1  }
0xc5: {  	_ =	sfence.sel $0xFFFF  }
0xc6: {  	[dreg:$0x0] =	wrdreg $0xFFFFFFFF;
	(pc) =	sbr.abs _section_cstart, $3  }
0xc7: {  	[dreg:$0x1] =	wrdreg $0xFFFFFFFF  }
0xc8: {  	_ =	task.clear_ibuf [dreg:s9], $0x2FFFF;
	_ =	strace $0x9FFFFFFF  }
0xc9: {  	(tm) =	ssettm $0x7FFFFFFF  }
tec
execute0_lowered:
.L_overlay_start_1:
0x0: {  	(tag) =	ssettag $0x1  }
0x1: {  	s0 =	rddreg [dreg:$0x0]  }
0x2: {  	s1 =	rddreg [dreg:$0x1]  }
0x3: {  	s2 =	rddreg [dreg:$0x2]  }
0x4: {  	s3 =	simm.s32 $0x0;
	s4 =	srdreg.scid;
	s6 =	stileid.u32  }
0x5: {  	s26 =	simm.s32 $0x200;
	s25 =	simm.s32 $0x4;
	s28 =	simm.s32 $0x0  }
0x6: {  	[smem:$0x7FF] =	sst s3;
	s4 =	sand.u32 $0x1, s4;
	s6 =	sshll.u32 s6, $0xA  }
0x7: {  	s8 =	sadd.s32 $0x300, s1;
	s5 =	ssub.s32 $0x2, s4;
	s4 =	sshll.u32 s4, $0x9  }
0x8: {  	_ =	strace $0x80000047;
	s7 =	sshrl.u32 s5, $0x1;
	s4 =	sor.u32 s4, s6  }
0x9: {  	s24 =	ssub.s32 s5, s7;
	s30 =	sshrl.u32 s4, $0x3;
	s4 =	sshll.u32 s4, $0x7  }
0xa: {  	s5 =	sadd.s32 $0x100, s1;
	s7 =	sadd.s32 $0x200, s1;
	s0 =	sadd.s32 s0, s30  }
0xb: {  	s6 =	sadd.s32 s2, s4;
	s31 =	smax.u32 s24, $0x1;
	s4 =	simm.s32 $0x1  }
0xc: {  	s24 =	simm.s32 $0x1000;
	[dreg:$0x4] =	wrdreg s0;
	s9 =	sadd.s32 $0x1000, s6  }
0xd: {  	s10 =	sadd.s32 $0x2000, s6;
	s11 =	sadd.s32 $0x3000, s6;
	s12 =	sadd.s32 $0x4000, s6  }
0xe: {  	s13 =	sadd.s32 $0x5000, s6;
	s14 =	sadd.s32 $0x6000, s6;
	s15 =	sadd.s32 $0x7000, s6  }
0xf: {  	v2 =	vlaneseq.u32;
	s16 =	sadd.s32 $0x8000, s6;
	s17 =	sadd.s32 $0x9000, s6;
	s18 =	sadd.s32 $0xA000, s6  }
0x10: {  	vm0 =	vmmov $0xffff;
	v1 =	vshrl.u32 v2, $0x3;
	s19 =	sadd.s32 $0xB000, s6;
	s20 =	sadd.s32 $0xC000, s6;
	s21 =	sadd.s32 $0xD000, s6  }
0x11: {  	v0 =	vand.u32 $0x7, v2;
	v2 =	vor.u32 $0x8, v2;
	v1 =	vmul.u32 $0x8, v1;
	s22 =	sadd.s32 $0xE000, s6;
	s23 =	sadd.s32 $0xF000, s6;
	[dreg:$0x5] =	wrdreg s31  }
.LBB2_1:
0x12: {  	[dreg:$0x6] =	wrdreg s28  }
0x13: {  	s0 =	rddreg [dreg:$0x4];
	s2 =	simm.s32 $0x7  }
0x14: {  	[tilespmem:s3], [sflag:$0x7] =	stream.linear.gather [hbm4b:s0+s3], $0x200, $0x38;
	[tilespmem:$0x18200] =	vst v63  }
0x15: {  	_ =	swait.ge [sflag:s2], $0x200  }
0x16: {  	[sflag:s2] =	ssyncset.done $0x0  }
0x17: {  	[sflag:s2] =	ssyncadd.s32 $0xFFFFFE00  }
0x18: {  	v3 =	vld [tilespmem:$0x0];
	_ =	sdelay $0x4  }
0x19: {  	v4 =	vshll.u32 v3, $0x3  }
0x1a: {  	v3 =	vand.u32 $0x7, v3;
	v4 =	vand.u32 $0xFFFFFFC0, v4  }
0x1b: {  	v3 =	vor.u32 v3, v4  }
0x1c: {  	v4 =	vperm.xlane v3, v0;
	_ =	sdelay $0x1  }
0x1d: {  	v4 =	vadd.s32 v1, v4;
	_ =	sdelay $0x4  }
0x1e: {  	[tilespmem:s26], [sflag:$0x1] =	stream.indirect_vreg.gather [hbm4b:s1+s3], $0x80, v4, vm0, $0xb8;
	[tilespmem:$0x18200] =	vst v63  }
0x1f: {  	s31 =	simm.s32 $0xA00;
	v3 =	vperm.xlane v3, v2  }
0x20: {  	[tilespmem:s31], [sflag:$0x1] =	stream.indirect_vreg.gather [hbm4b:s5+s3], $0x80, v4, vm0, $0xb8;
	[tilespmem:$0x18200] =	vst v63  }
0x21: {  	s2 =	simm.s32 $0x1200;
	v3 =	vadd.s32 v1, v3  }
0x22: {  	[tilespmem:s2], [sflag:$0x1] =	stream.indirect_vreg.gather [hbm4b:s7+s3], $0x80, v4, vm0, $0xb8;
	[tilespmem:$0x18200] =	vst v63  }
0x23: {  	s31 =	simm.s32 $0x1A00  }
0x24: {  	[tilespmem:s31], [sflag:$0x1] =	stream.indirect_vreg.gather [hbm4b:s8+s3], $0x80, v4, vm0, $0xb8;
	[tilespmem:$0x18200] =	vst v63  }
0x25: {  	s2 =	simm.s32 $0x2200  }
0x26: {  	[tilespmem:s2], [sflag:$0x1] =	stream.indirect_vreg.gather [hbm4b:s1+s3], $0x80, v3, vm0, $0xb8;
	[tilespmem:$0x18200] =	vst v63  }
0x27: {  	s31 =	simm.s32 $0x2A00  }
0x28: {  	[tilespmem:s31], [sflag:$0x1] =	stream.indirect_vreg.gather [hbm4b:s5+s3], $0x80, v3, vm0, $0xb8;
	[tilespmem:$0x18200] =	vst v63  }
0x29: {  	s2 =	simm.s32 $0x3200  }
0x2a: {  	[tilespmem:s2], [sflag:$0x1] =	stream.indirect_vreg.gather [hbm4b:s7+s3], $0x80, v3, vm0, $0xb8;
	[tilespmem:$0x18200] =	vst v63  }
0x2b: {  	s31 =	simm.s32 $0x3A00  }
0x2c: {  	[tilespmem:s31], [sflag:$0x1] =	stream.indirect_vreg.gather [hbm4b:s8+s3], $0x80, v3, vm0, $0xb8;
	[tilespmem:$0x18200] =	vst v63  }
0x2d: {  	v3 =	vld [tilespmem:$0x10];
	_ =	sdelay $0x4  }
0x2e: {  	v59 =	vshll.u32 v3, $0x3  }
0x2f: {  	v3 =	vand.u32 $0x7, v3;
	v4 =	vand.u32 $0xFFFFFFC0, v59  }
0x30: {  	v3 =	vor.u32 v3, v4  }
0x31: {  	v4 =	vperm.xlane v3, v0;
	_ =	sdelay $0x1  }
0x32: {  	v4 =	vadd.s32 v1, v4;
	_ =	sdelay $0x3  }
0x33: {  	s2 =	simm.s32 $0x4200  }
0x34: {  	[tilespmem:s2], [sflag:$0x1] =	stream.indirect_vreg.gather [hbm4b:s1+s3], $0x80, v4, vm0, $0xb8;
	[tilespmem:$0x18200] =	vst v63  }
0x35: {  	s31 =	simm.s32 $0x4A00;
	v3 =	vperm.xlane v3, v2  }
0x36: {  	[tilespmem:s31], [sflag:$0x1] =	stream.indirect_vreg.gather [hbm4b:s5+s3], $0x80, v4, vm0, $0xb8;
	[tilespmem:$0x18200] =	vst v63  }
0x37: {  	v3 =	vadd.s32 v1, v3;
	s2 =	simm.s32 $0x5200  }
0x38: {  	[tilespmem:s2], [sflag:$0x1] =	stream.indirect_vreg.gather [hbm4b:s7+s3], $0x80, v4, vm0, $0xb8;
	[tilespmem:$0x18200] =	vst v63  }
0x39: {  	s31 =	simm.s32 $0x5A00  }
0x3a: {  	[tilespmem:s31], [sflag:$0x1] =	stream.indirect_vreg.gather [hbm4b:s8+s3], $0x80, v4, vm0, $0xb8;
	[tilespmem:$0x18200] =	vst v63  }
0x3b: {  	s2 =	simm.s32 $0x6200  }
0x3c: {  	[tilespmem:s2], [sflag:$0x1] =	stream.indirect_vreg.gather [hbm4b:s1+s3], $0x80, v3, vm0, $0xb8;
	[tilespmem:$0x18200] =	vst v63  }
0x3d: {  	s31 =	simm.s32 $0x6A00  }
0x3e: {  	[tilespmem:s31], [sflag:$0x1] =	stream.indirect_vreg.gather [hbm4b:s5+s3], $0x80, v3, vm0, $0xb8;
	[tilespmem:$0x18200] =	vst v63  }
0x3f: {  	s2 =	simm.s32 $0x7200  }
0x40: {  	[tilespmem:s2], [sflag:$0x1] =	stream.indirect_vreg.gather [hbm4b:s7+s3], $0x80, v3, vm0, $0xb8;
	[tilespmem:$0x18200] =	vst v63  }
0x41: {  	s31 =	simm.s32 $0x7A00  }
0x42: {  	[tilespmem:s31], [sflag:$0x1] =	stream.indirect_vreg.gather [hbm4b:s8+s3], $0x80, v3, vm0, $0xb8;
	[tilespmem:$0x18200] =	vst v63  }
0x43: {  	v3 =	vld [tilespmem:$0x20];
	_ =	sdelay $0x4  }
0x44: {  	v60 =	vshll.u32 v3, $0x3  }
0x45: {  	v3 =	vand.u32 $0x7, v3;
	v4 =	vand.u32 $0xFFFFFFC0, v60  }
0x46: {  	v3 =	vor.u32 v3, v4  }
0x47: {  	v4 =	vperm.xlane v3, v0;
	_ =	sdelay $0x1  }
0x48: {  	v4 =	vadd.s32 v1, v4;
	_ =	sdelay $0x3  }
0x49: {  	s2 =	simm.s32 $0x8200  }
0x4a: {  	[tilespmem:s2], [sflag:$0x2] =	stream.indirect_vreg.gather [hbm4b:s1+s3], $0x80, v4, vm0, $0xb8;
	[tilespmem:$0x18200] =	vst v63  }
0x4b: {  	s31 =	simm.s32 $0x8A00;
	v3 =	vperm.xlane v3, v2  }
0x4c: {  	[tilespmem:s31], [sflag:$0x2] =	stream.indirect_vreg.gather [hbm4b:s5+s3], $0x80, v4, vm0, $0xb8;
	[tilespmem:$0x18200] =	vst v63  }
0x4d: {  	v3 =	vadd.s32 v1, v3;
	s2 =	simm.s32 $0x9200  }
0x4e: {  	[tilespmem:s2], [sflag:$0x2] =	stream.indirect_vreg.gather [hbm4b:s7+s3], $0x80, v4, vm0, $0xb8;
	[tilespmem:$0x18200] =	vst v63  }
0x4f: {  	s31 =	simm.s32 $0x9A00  }
0x50: {  	[tilespmem:s31], [sflag:$0x2] =	stream.indirect_vreg.gather [hbm4b:s8+s3], $0x80, v4, vm0, $0xb8;
	[tilespmem:$0x18200] =	vst v63  }
0x51: {  	s2 =	simm.s32 $0xA200  }
0x52: {  	[tilespmem:s2], [sflag:$0x2] =	stream.indirect_vreg.gather [hbm4b:s1+s3], $0x80, v3, vm0, $0xb8;
	[tilespmem:$0x18200] =	vst v63  }
0x53: {  	s31 =	simm.s32 $0xAA00  }
0x54: {  	[tilespmem:s31], [sflag:$0x2] =	stream.indirect_vreg.gather [hbm4b:s5+s3], $0x80, v3, vm0, $0xb8;
	[tilespmem:$0x18200] =	vst v63  }
0x55: {  	s2 =	simm.s32 $0xB200  }
0x56: {  	[tilespmem:s2], [sflag:$0x2] =	stream.indirect_vreg.gather [hbm4b:s7+s3], $0x80, v3, vm0, $0xb8;
	[tilespmem:$0x18200] =	vst v63  }
0x57: {  	s31 =	simm.s32 $0xBA00  }
0x58: {  	[tilespmem:s31], [sflag:$0x2] =	stream.indirect_vreg.gather [hbm4b:s8+s3], $0x80, v3, vm0, $0xb8;
	[tilespmem:$0x18200] =	vst v63  }
0x59: {  	v3 =	vld [tilespmem:$0x30];
	_ =	sdelay $0x4  }
0x5a: {  	v61 =	vshll.u32 v3, $0x3  }
0x5b: {  	v3 =	vand.u32 $0x7, v3;
	v4 =	vand.u32 $0xFFFFFFC0, v61  }
0x5c: {  	v3 =	vor.u32 v3, v4  }
0x5d: {  	v4 =	vperm.xlane v3, v0;
	_ =	sdelay $0x1  }
0x5e: {  	v4 =	vadd.s32 v1, v4;
	_ =	sdelay $0x3  }
0x5f: {  	s2 =	simm.s32 $0xC200  }
0x60: {  	[tilespmem:s2], [sflag:$0x2] =	stream.indirect_vreg.gather [hbm4b:s1+s3], $0x80, v4, vm0, $0xb8;
	[tilespmem:$0x18200] =	vst v63  }
0x61: {  	s31 =	simm.s32 $0xCA00;
	v3 =	vperm.xlane v3, v2  }
0x62: {  	[tilespmem:s31], [sflag:$0x2] =	stream.indirect_vreg.gather [hbm4b:s5+s3], $0x80, v4, vm0, $0xb8;
	[tilespmem:$0x18200] =	vst v63  }
0x63: {  	v3 =	vadd.s32 v1, v3;
	s2 =	simm.s32 $0xD200  }
0x64: {  	[tilespmem:s2], [sflag:$0x2] =	stream.indirect_vreg.gather [hbm4b:s7+s3], $0x80, v4, vm0, $0xb8;
	[tilespmem:$0x18200] =	vst v63  }
0x65: {  	s31 =	simm.s32 $0xDA00  }
0x66: {  	[tilespmem:s31], [sflag:$0x2] =	stream.indirect_vreg.gather [hbm4b:s8+s3], $0x80, v4, vm0, $0xb8;
	[tilespmem:$0x18200] =	vst v63  }
0x67: {  	s2 =	simm.s32 $0xE200  }
0x68: {  	[tilespmem:s2], [sflag:$0x2] =	stream.indirect_vreg.gather [hbm4b:s1+s3], $0x80, v3, vm0, $0xb8;
	[tilespmem:$0x18200] =	vst v63  }
0x69: {  	s31 =	simm.s32 $0xEA00  }
0x6a: {  	[tilespmem:s31], [sflag:$0x2] =	stream.indirect_vreg.gather [hbm4b:s5+s3], $0x80, v3, vm0, $0xb8;
	[tilespmem:$0x18200] =	vst v63  }
0x6b: {  	s2 =	simm.s32 $0xF200  }
0x6c: {  	[tilespmem:s2], [sflag:$0x2] =	stream.indirect_vreg.gather [hbm4b:s7+s3], $0x80, v3, vm0, $0xb8;
	[tilespmem:$0x18200] =	vst v63  }
0x6d: {  	s31 =	simm.s32 $0xFA00  }
0x6e: {  	[tilespmem:s31], [sflag:$0x2] =	stream.indirect_vreg.gather [hbm4b:s8+s3], $0x80, v3, vm0, $0xb8;
	[tilespmem:$0x18200] =	vst v63  }
0x6f: {  	v3 =	vld [tilespmem:$0x40];
	_ =	sdelay $0x4  }
0x70: {  	v62 =	vshll.u32 v3, $0x3  }
0x71: {  	v3 =	vand.u32 $0x7, v3;
	v4 =	vand.u32 $0xFFFFFFC0, v62  }
0x72: {  	v3 =	vor.u32 v3, v4  }
0x73: {  	v4 =	vperm.xlane v3, v0;
	_ =	sdelay $0x1  }
0x74: {  	v4 =	vadd.s32 v1, v4;
	_ =	sdelay $0x3  }
0x75: {  	s2 =	simm.s32 $0x10200  }
0x76: {  	[tilespmem:s2], [sflag:$0x3] =	stream.indirect_vreg.gather [hbm4b:s1+s3], $0x80, v4, vm0, $0xb8;
	[tilespmem:$0x18200] =	vst v63  }
0x77: {  	s31 =	simm.s32 $0x10A00;
	v3 =	vperm.xlane v3, v2  }
0x78: {  	[tilespmem:s31], [sflag:$0x3] =	stream.indirect_vreg.gather [hbm4b:s5+s3], $0x80, v4, vm0, $0xb8;
	[tilespmem:$0x18200] =	vst v63  }
0x79: {  	v3 =	vadd.s32 v1, v3;
	s2 =	simm.s32 $0x11200  }
0x7a: {  	[tilespmem:s2], [sflag:$0x3] =	stream.indirect_vreg.gather [hbm4b:s7+s3], $0x80, v4, vm0, $0xb8;
	[tilespmem:$0x18200] =	vst v63  }
0x7b: {  	s31 =	simm.s32 $0x11A00  }
0x7c: {  	[tilespmem:s31], [sflag:$0x3] =	stream.indirect_vreg.gather [hbm4b:s8+s3], $0x80, v4, vm0, $0xb8;
	[tilespmem:$0x18200] =	vst v63  }
0x7d: {  	s2 =	simm.s32 $0x12200  }
0x7e: {  	[tilespmem:s2], [sflag:$0x3] =	stream.indirect_vreg.gather [hbm4b:s1+s3], $0x80, v3, vm0, $0xb8;
	[tilespmem:$0x18200] =	vst v63  }
0x7f: {  	s31 =	simm.s32 $0x12A00  }
0x80: {  	[tilespmem:s31], [sflag:$0x3] =	stream.indirect_vreg.gather [hbm4b:s5+s3], $0x80, v3, vm0, $0xb8;
	[tilespmem:$0x18200] =	vst v63  }
0x81: {  	s2 =	simm.s32 $0x13200  }
0x82: {  	[tilespmem:s2], [sflag:$0x3] =	stream.indirect_vreg.gather [hbm4b:s7+s3], $0x80, v3, vm0, $0xb8;
	[tilespmem:$0x18200] =	vst v63  }
0x83: {  	s31 =	simm.s32 $0x13A00  }
0x84: {  	[tilespmem:s31], [sflag:$0x3] =	stream.indirect_vreg.gather [hbm4b:s8+s3], $0x80, v3, vm0, $0xb8;
	[tilespmem:$0x18200] =	vst v63  }
0x85: {  	v3 =	vld [tilespmem:$0x50];
	_ =	sdelay $0x4  }
0x86: {  	v63 =	vshll.u32 v3, $0x3  }
0x87: {  	v3 =	vand.u32 $0x7, v3;
	v4 =	vand.u32 $0xFFFFFFC0, v63  }
0x88: {  	v3 =	vor.u32 v3, v4  }
0x89: {  	v4 =	vperm.xlane v3, v0;
	_ =	sdelay $0x1  }
0x8a: {  	v4 =	vadd.s32 v1, v4;
	_ =	sdelay $0x3  }
0x8b: {  	s2 =	simm.s32 $0x14200  }
0x8c: {  	[tilespmem:s2], [sflag:$0x3] =	stream.indirect_vreg.gather [hbm4b:s1+s3], $0x80, v4, vm0, $0xb8;
	[tilespmem:$0x18200] =	vst v63  }
0x8d: {  	s31 =	simm.s32 $0x14A00;
	v3 =	vperm.xlane v3, v2  }
0x8e: {  	[tilespmem:s31], [sflag:$0x3] =	stream.indirect_vreg.gather [hbm4b:s5+s3], $0x80, v4, vm0, $0xb8;
	[tilespmem:$0x18200] =	vst v63  }
0x8f: {  	v3 =	vadd.s32 v1, v3;
	s2 =	simm.s32 $0x15200  }
0x90: {  	[tilespmem:s2], [sflag:$0x3] =	stream.indirect_vreg.gather [hbm4b:s7+s3], $0x80, v4, vm0, $0xb8;
	[tilespmem:$0x18200] =	vst v63  }
0x91: {  	s31 =	simm.s32 $0x15A00  }
0x92: {  	[tilespmem:s31], [sflag:$0x3] =	stream.indirect_vreg.gather [hbm4b:s8+s3], $0x80, v4, vm0, $0xb8;
	[tilespmem:$0x18200] =	vst v63  }
0x93: {  	s2 =	simm.s32 $0x16200  }
0x94: {  	[tilespmem:s2], [sflag:$0x3] =	stream.indirect_vreg.gather [hbm4b:s1+s3], $0x80, v3, vm0, $0xb8;
	[tilespmem:$0x18200] =	vst v63  }
0x95: {  	s31 =	simm.s32 $0x16A00  }
0x96: {  	[tilespmem:s31], [sflag:$0x3] =	stream.indirect_vreg.gather [hbm4b:s5+s3], $0x80, v3, vm0, $0xb8;
	[tilespmem:$0x18200] =	vst v63  }
0x97: {  	s2 =	simm.s32 $0x17200  }
0x98: {  	[tilespmem:s2], [sflag:$0x3] =	stream.indirect_vreg.gather [hbm4b:s7+s3], $0x80, v3, vm0, $0xb8;
	[tilespmem:$0x18200] =	vst v63  }
0x99: {  	s31 =	simm.s32 $0x17A00  }
0x9a: {  	[tilespmem:s31], [sflag:$0x3] =	stream.indirect_vreg.gather [hbm4b:s8+s3], $0x80, v3, vm0, $0xb8;
	[tilespmem:$0x18200] =	vst v63  }
0x9b: {  	_ =	swait.ge [sflag:s4], $0x8000  }
0x9c: {  	[sflag:s4] =	ssyncset.done $0x0  }
0x9d: {  	s2 =	simm.s32 $0x200;
	[sflag:s4] =	ssyncadd.s32 $0xFFFF8000  }
0x9e: {  	[hbm4b:s6+s26] =	stream.strided.scatter [tilespmem:s2], [sflag:$0x4], $0x400, s24, s26, $0x38;
	[tilespmem:$0x18200] =	vst v63  }
0x9f: {  	s31 =	simm.s32 $0x600;
	s2 =	sadd.s32 $0x40, s6  }
0xa0: {  	[hbm4b:s2+s26] =	stream.strided.scatter [tilespmem:s31], [sflag:$0x4], $0x400, s24, s26, $0x38;
	[tilespmem:$0x18200] =	vst v63  }
0xa1: {  	s2 =	simm.s32 $0xA00;
	s31 =	sadd.s32 $0x80, s6  }
0xa2: {  	[hbm4b:s31+s26] =	stream.strided.scatter [tilespmem:s2], [sflag:$0x4], $0x400, s24, s26, $0x38;
	[tilespmem:$0x18200] =	vst v63  }
0xa3: {  	s2 =	simm.s32 $0xE00;
	s31 =	sadd.s32 $0xC0, s6  }
0xa4: {  	[hbm4b:s31+s26] =	stream.strided.scatter [tilespmem:s2], [sflag:$0x4], $0x400, s24, s26, $0x38;
	[tilespmem:$0x18200] =	vst v63  }
0xa5: {  	s2 =	simm.s32 $0x1200;
	s31 =	sadd.s32 $0x100, s6  }
0xa6: {  	[hbm4b:s31+s26] =	stream.strided.scatter [tilespmem:s2], [sflag:$0x4], $0x400, s24, s26, $0x38;
	[tilespmem:$0x18200] =	vst v63  }
0xa7: {  	s28 =	simm.s32 $0x10000;
	s2 =	simm.s32 $0x1600;
	s31 =	sadd.s32 $0x140, s6  }
0xa8: {  	[hbm4b:s31+s26] =	stream.strided.scatter [tilespmem:s2], [sflag:$0x4], $0x400, s24, s26, $0x38;
	[tilespmem:$0x18200] =	vst v63  }
0xa9: {  	s29 =	simm.s32 $0x1E00;
	s2 =	simm.s32 $0x1A00;
	s31 =	sadd.s32 $0x180, s6  }
0xaa: {  	[hbm4b:s31+s26] =	stream.strided.scatter [tilespmem:s2], [sflag:$0x4], $0x400, s24, s26, $0x38;
	[tilespmem:$0x18200] =	vst v63  }
0xab: {  	s30 =	sadd.s32 $0x1C0, s6;
	s0 =	sadd.s32 $0x400, s6;
	s2 =	simm.s32 $0x2000  }
.LBB2_2:
0xac: {  	[hbm4b:s30+s26] =	stream.strided.scatter [tilespmem:s29], [sflag:$0x4], $0x400, s24, s26, $0x38;
	[tilespmem:$0x18200] =	vst v63  }
0xad: {  	s29 =	smov.u32 s2;
	s2 =	smov.u32 s28  }
0xae: {  	s31 =	sadd.s32 $0x8000, s28;
	s2 =	sshra.s32 s2, $0x2;
	s30 =	sadd.s32 $0x200, s29  }
0xaf: {  	[hbm4b:s0+s26] =	stream.strided.scatter [tilespmem:s30], [sflag:$0x4], $0x400, s24, s26, $0x38;
	[tilespmem:$0x18200] =	vst v63  }
0xb0: {  	p0 =	sne.s32 s28, $0x18000;
	s28 =	sadd.s32 $0x600, s29;
	s30 =	sadd.s32 $0x40, s0  }
0xb1: {  	[hbm4b:s30+s26] =	stream.strided.scatter [tilespmem:s28], [sflag:$0x4], $0x400, s24, s26, $0x38;
	[tilespmem:$0x18200] =	vst v63  }
0xb2: {  	s28 =	sadd.s32 $0xA00, s29;
	s30 =	sadd.s32 $0x80, s0  }
0xb3: {  	[hbm4b:s30+s26] =	stream.strided.scatter [tilespmem:s28], [sflag:$0x4], $0x400, s24, s26, $0x38;
	[tilespmem:$0x18200] =	vst v63  }
0xb4: {  	s28 =	sadd.s32 $0xE00, s29;
	s30 =	sadd.s32 $0xC0, s0  }
0xb5: {  	[hbm4b:s30+s26] =	stream.strided.scatter [tilespmem:s28], [sflag:$0x4], $0x400, s24, s26, $0x38;
	[tilespmem:$0x18200] =	vst v63  }
0xb6: {  	s28 =	sadd.s32 $0x1200, s29;
	s30 =	sadd.s32 $0x100, s0  }
0xb7: {  	[hbm4b:s30+s26] =	stream.strided.scatter [tilespmem:s28], [sflag:$0x4], $0x400, s24, s26, $0x38;
	[tilespmem:$0x18200] =	vst v63  }
.Ltmp0:
0xb8: {  	s28 =	sadd.s32 $0x1600, s29;
	s30 =	sadd.s32 $0x140, s0;
	(pc) =	sbr.rel @p0 .LBB2_2-.Ltmp0, $4  }
0xb9: {  	[hbm4b:s30+s26] =	stream.strided.scatter [tilespmem:s28], [sflag:$0x4], $0x400, s24, s26, $0x38;
	[tilespmem:$0x18200] =	vst v63  }
0xba: {  	s28 =	sadd.s32 $0x1A00, s29;
	s30 =	sadd.s32 $0x180, s0;
	s29 =	sadd.s32 $0x1E00, s29  }
0xbb: {  	[hbm4b:s30+s26] =	stream.strided.scatter [tilespmem:s28], [sflag:$0x4], $0x400, s24, s26, $0x38;
	[tilespmem:$0x18200] =	vst v63  }
0xbc: {  	s30 =	sadd.s32 $0x1C0, s0;
	s0 =	sadd.s32 $0x400, s0;
	s28 =	smov.u32 s31  }
0xbd: {  	[hbm4b:s30+s26] =	stream.strided.scatter [tilespmem:s29], [sflag:$0x4], $0x400, s24, s26, $0x38;
	[tilespmem:$0x18200] =	vst v63  }
0xbe: {  	s28 =	sadd.s32 $0x200, s2  }
0xbf: {  	[hbm4b:s0+s26] =	stream.strided.scatter [tilespmem:s28], [sflag:$0x4], $0x400, s24, s26, $0x38;
	[tilespmem:$0x18200] =	vst v63  }
0xc0: {  	s29 =	sadd.s32 $0x40, s0;
	s28 =	sadd.s32 $0x600, s2  }
0xc1: {  	[hbm4b:s29+s26] =	stream.strided.scatter [tilespmem:s28], [sflag:$0x4], $0x400, s24, s26, $0x38;
	[tilespmem:$0x18200] =	vst v63  }
0xc2: {  	s28 =	sadd.s32 $0xA00, s2;
	s29 =	sadd.s32 $0x80, s0  }
0xc3: {  	[hbm4b:s29+s26] =	stream.strided.scatter [tilespmem:s28], [sflag:$0x4], $0x400, s24, s26, $0x38;
	[tilespmem:$0x18200] =	vst v63  }
0xc4: {  	s28 =	sadd.s32 $0xE00, s2;
	s29 =	sadd.s32 $0xC0, s0  }
0xc5: {  	[hbm4b:s29+s26] =	stream.strided.scatter [tilespmem:s28], [sflag:$0x4], $0x400, s24, s26, $0x38;
	[tilespmem:$0x18200] =	vst v63  }
0xc6: {  	s28 =	sadd.s32 $0x1200, s2;
	s29 =	sadd.s32 $0x100, s0  }
0xc7: {  	[hbm4b:s29+s26] =	stream.strided.scatter [tilespmem:s28], [sflag:$0x4], $0x400, s24, s26, $0x38;
	[tilespmem:$0x18200] =	vst v63  }
0xc8: {  	s28 =	sadd.s32 $0x1600, s2;
	s29 =	sadd.s32 $0x140, s0  }
0xc9: {  	[hbm4b:s29+s26] =	stream.strided.scatter [tilespmem:s28], [sflag:$0x4], $0x400, s24, s26, $0x38;
	[tilespmem:$0x18200] =	vst v63  }
0xca: {  	s28 =	sadd.s32 $0x1A00, s2;
	s29 =	sadd.s32 $0x180, s0  }
0xcb: {  	[hbm4b:s29+s26] =	stream.strided.scatter [tilespmem:s28], [sflag:$0x4], $0x400, s24, s26, $0x38;
	[tilespmem:$0x18200] =	vst v63  }
0xcc: {  	s31 =	sadd.s32 $0x1C0, s0;
	s2 =	sadd.s32 $0x1E00, s2  }
0xcd: {  	[hbm4b:s31+s26] =	stream.strided.scatter [tilespmem:s2], [sflag:$0x4], $0x400, s24, s26, $0x38;
	[tilespmem:$0x18200] =	vst v63  }
0xce: {  	_ =	swait.ge [sflag:s25], $0x8000  }
0xcf: {  	[sflag:s25] =	ssyncset.done $0x0  }
0xd0: {  	[sflag:s25] =	ssyncadd.s32 $0xFFFF8000  }
0xd1: {  	v3 =	vld [tilespmem:$0x60];
	_ =	sdelay $0x4  }
0xd2: {  	v4 =	vshll.u32 v3, $0x3  }
0xd3: {  	v3 =	vand.u32 $0x7, v3;
	v4 =	vand.u32 $0xFFFFFFC0, v4  }
0xd4: {  	v3 =	vor.u32 v3, v4  }
0xd5: {  	v4 =	vperm.xlane v3, v0;
	_ =	sdelay $0x1  }
0xd6: {  	v4 =	vadd.s32 v1, v4;
	_ =	sdelay $0x3  }
0xd7: {  	s0 =	simm.s32 $0x0  }
0xd8: {  	[tilespmem:s26], [sflag:$0x1] =	stream.indirect_vreg.gather [hbm4b:s1+s0], $0x80, v4, vm0, $0xb8;
	[tilespmem:$0x18200] =	vst v63  }
0xd9: {  	s31 =	simm.s32 $0xA00;
	v3 =	vperm.xlane v3, v2  }
0xda: {  	[tilespmem:s31], [sflag:$0x1] =	stream.indirect_vreg.gather [hbm4b:s5+s0], $0x80, v4, vm0, $0xb8;
	[tilespmem:$0x18200] =	vst v63  }
0xdb: {  	v3 =	vadd.s32 v1, v3;
	s31 =	simm.s32 $0x1200  }
0xdc: {  	[tilespmem:s31], [sflag:$0x1] =	stream.indirect_vreg.gather [hbm4b:s7+s0], $0x80, v4, vm0, $0xb8;
	[tilespmem:$0x18200] =	vst v63  }
0xdd: {  	s31 =	simm.s32 $0x1A00  }
0xde: {  	[tilespmem:s31], [sflag:$0x1] =	stream.indirect_vreg.gather [hbm4b:s8+s0], $0x80, v4, vm0, $0xb8;
	[tilespmem:$0x18200] =	vst v63  }
0xdf: {  	s31 =	simm.s32 $0x2200  }
0xe0: {  	[tilespmem:s31], [sflag:$0x1] =	stream.indirect_vreg.gather [hbm4b:s1+s0], $0x80, v3, vm0, $0xb8;
	[tilespmem:$0x18200] =	vst v63  }
0xe1: {  	s31 =	simm.s32 $0x2A00  }
0xe2: {  	[tilespmem:s31], [sflag:$0x1] =	stream.indirect_vreg.gather [hbm4b:s5+s0], $0x80, v3, vm0, $0xb8;
	[tilespmem:$0x18200] =	vst v63  }
0xe3: {  	s31 =	simm.s32 $0x3200  }
0xe4: {  	[tilespmem:s31], [sflag:$0x1] =	stream.indirect_vreg.gather [hbm4b:s7+s0], $0x80, v3, vm0, $0xb8;
	[tilespmem:$0x18200] =	vst v63  }
0xe5: {  	s31 =	simm.s32 $0x3A00  }
0xe6: {  	[tilespmem:s31], [sflag:$0x1] =	stream.indirect_vreg.gather [hbm4b:s8+s0], $0x80, v3, vm0, $0xb8;
	[tilespmem:$0x18200] =	vst v63  }
0xe7: {  	v3 =	vld [tilespmem:$0x70];
	_ =	sdelay $0x4  }
0xe8: {  	v63 =	vshll.u32 v3, $0x3  }
0xe9: {  	v3 =	vand.u32 $0x7, v3;
	v4 =	vand.u32 $0xFFFFFFC0, v63  }
0xea: {  	v3 =	vor.u32 v3, v4  }
0xeb: {  	v4 =	vperm.xlane v3, v0;
	_ =	sdelay $0x1  }
0xec: {  	v4 =	vadd.s32 v1, v4;
	_ =	sdelay $0x3  }
0xed: {  	s31 =	simm.s32 $0x4200  }
0xee: {  	[tilespmem:s31], [sflag:$0x1] =	stream.indirect_vreg.gather [hbm4b:s1+s0], $0x80, v4, vm0, $0xb8;
	[tilespmem:$0x18200] =	vst v63  }
0xef: {  	v3 =	vperm.xlane v3, v2;
	s31 =	simm.s32 $0x4A00  }
0xf0: {  	[tilespmem:s31], [sflag:$0x1] =	stream.indirect_vreg.gather [hbm4b:s5+s0], $0x80, v4, vm0, $0xb8;
	[tilespmem:$0x18200] =	vst v63  }
0xf1: {  	v3 =	vadd.s32 v1, v3;
	s31 =	simm.s32 $0x5200  }
0xf2: {  	[tilespmem:s31], [sflag:$0x1] =	stream.indirect_vreg.gather [hbm4b:s7+s0], $0x80, v4, vm0, $0xb8;
	[tilespmem:$0x18200] =	vst v63  }
0xf3: {  	s31 =	simm.s32 $0x5A00  }
0xf4: {  	[tilespmem:s31], [sflag:$0x1] =	stream.indirect_vreg.gather [hbm4b:s8+s0], $0x80, v4, vm0, $0xb8;
	[tilespmem:$0x18200] =	vst v63  }
0xf5: {  	s31 =	simm.s32 $0x6200  }
0xf6: {  	[tilespmem:s31], [sflag:$0x1] =	stream.indirect_vreg.gather [hbm4b:s1+s0], $0x80, v3, vm0, $0xb8;
	[tilespmem:$0x18200] =	vst v63  }
0xf7: {  	s31 =	simm.s32 $0x6A00  }
0xf8: {  	[tilespmem:s31], [sflag:$0x1] =	stream.indirect_vreg.gather [hbm4b:s5+s0], $0x80, v3, vm0, $0xb8;
	[tilespmem:$0x18200] =	vst v63  }
0xf9: {  	s31 =	simm.s32 $0x7200  }
0xfa: {  	[tilespmem:s31], [sflag:$0x1] =	stream.indirect_vreg.gather [hbm4b:s7+s0], $0x80, v3, vm0, $0xb8;
	[tilespmem:$0x18200] =	vst v63  }
0xfb: {  	s2 =	simm.s32 $0x2;
	s31 =	simm.s32 $0x7A00  }
0xfc: {  	[tilespmem:s31], [sflag:$0x1] =	stream.indirect_vreg.gather [hbm4b:s8+s0], $0x80, v3, vm0, $0xb8;
	[tilespmem:$0x18200] =	vst v63  }
0xfd: {  	_ =	swait.ge [sflag:s2], $0x8000  }
0xfe: {  	[sflag:s2] =	ssyncset.done $0x0  }
0xff: {  	s31 =	simm.s32 $0x8200;
	[sflag:s2] =	ssyncadd.s32 $0xFFFF8000  }
0x100: {  	[hbm4b:s9+s26] =	stream.strided.scatter [tilespmem:s31], [sflag:$0x5], $0x400, s24, s26, $0x38;
	[tilespmem:$0x18200] =	vst v63  }
0x101: {  	s2 =	simm.s32 $0x8600;
	s31 =	sadd.s32 $0x40, s9  }
0x102: {  	[hbm4b:s31+s26] =	stream.strided.scatter [tilespmem:s2], [sflag:$0x5], $0x400, s24, s26, $0x38;
	[tilespmem:$0x18200] =	vst v63  }
0x103: {  	s2 =	simm.s32 $0x8A00;
	s31 =	sadd.s32 $0x80, s9  }
0x104: {  	[hbm4b:s31+s26] =	stream.strided.scatter [tilespmem:s2], [sflag:$0x5], $0x400, s24, s26, $0x38;
	[tilespmem:$0x18200] =	vst v63  }
0x105: {  	s2 =	simm.s32 $0x8E00;
	s31 =	sadd.s32 $0xC0, s9  }
0x106: {  	[hbm4b:s31+s26] =	stream.strided.scatter [tilespmem:s2], [sflag:$0x5], $0x400, s24, s26, $0x38;
	[tilespmem:$0x18200] =	vst v63  }
0x107: {  	s2 =	simm.s32 $0x9200;
	s31 =	sadd.s32 $0x100, s9  }
0x108: {  	[hbm4b:s31+s26] =	stream.strided.scatter [tilespmem:s2], [sflag:$0x5], $0x400, s24, s26, $0x38;
	[tilespmem:$0x18200] =	vst v63  }
0x109: {  	s30 =	sadd.s32 $0x1C0, s9;
	s2 =	simm.s32 $0x9600;
	s31 =	sadd.s32 $0x140, s9  }
0x10a: {  	[hbm4b:s31+s26] =	stream.strided.scatter [tilespmem:s2], [sflag:$0x5], $0x400, s24, s26, $0x38;
	[tilespmem:$0x18200] =	vst v63  }
0x10b: {  	s28 =	simm.s32 $0x10000;
	s2 =	simm.s32 $0x9A00;
	s31 =	sadd.s32 $0x180, s9  }
0x10c: {  	[hbm4b:s31+s26] =	stream.strided.scatter [tilespmem:s2], [sflag:$0x5], $0x400, s24, s26, $0x38;
	[tilespmem:$0x18200] =	vst v63  }
0x10d: {  	s29 =	simm.s32 $0x9E00;
	s0 =	simm.s32 $0x2000;
	s2 =	sadd.s32 $0x400, s9  }
.LBB2_4:
0x10e: {  	[hbm4b:s30+s26] =	stream.strided.scatter [tilespmem:s29], [sflag:$0x5], $0x400, s24, s26, $0x38;
	[tilespmem:$0x18200] =	vst v63  }
0x10f: {  	s29 =	smov.u32 s0;
	s0 =	smov.u32 s28  }
0x110: {  	s31 =	sadd.s32 $0x8000, s28;
	s0 =	sshra.s32 s0, $0x2;
	s30 =	sadd.s32 $0x8200, s29  }
0x111: {  	[hbm4b:s2+s26] =	stream.strided.scatter [tilespmem:s30], [sflag:$0x5], $0x400, s24, s26, $0x38;
	[tilespmem:$0x18200] =	vst v63  }
0x112: {  	p0 =	sne.s32 s28, $0x18000;
	s28 =	sadd.s32 $0x8600, s29;
	s30 =	sadd.s32 $0x40, s2  }
0x113: {  	[hbm4b:s30+s26] =	stream.strided.scatter [tilespmem:s28], [sflag:$0x5], $0x400, s24, s26, $0x38;
	[tilespmem:$0x18200] =	vst v63  }
0x114: {  	s28 =	sadd.s32 $0x8A00, s29;
	s30 =	sadd.s32 $0x80, s2  }
0x115: {  	[hbm4b:s30+s26] =	stream.strided.scatter [tilespmem:s28], [sflag:$0x5], $0x400, s24, s26, $0x38;
	[tilespmem:$0x18200] =	vst v63  }
0x116: {  	s28 =	sadd.s32 $0x8E00, s29;
	s30 =	sadd.s32 $0xC0, s2  }
0x117: {  	[hbm4b:s30+s26] =	stream.strided.scatter [tilespmem:s28], [sflag:$0x5], $0x400, s24, s26, $0x38;
	[tilespmem:$0x18200] =	vst v63  }
0x118: {  	s28 =	sadd.s32 $0x9200, s29;
	s30 =	sadd.s32 $0x100, s2  }
0x119: {  	[hbm4b:s30+s26] =	stream.strided.scatter [tilespmem:s28], [sflag:$0x5], $0x400, s24, s26, $0x38;
	[tilespmem:$0x18200] =	vst v63  }
.Ltmp1:
0x11a: {  	s28 =	sadd.s32 $0x9600, s29;
	s30 =	sadd.s32 $0x140, s2;
	(pc) =	sbr.rel @p0 .LBB2_4-.Ltmp1, $4  }
0x11b: {  	[hbm4b:s30+s26] =	stream.strided.scatter [tilespmem:s28], [sflag:$0x5], $0x400, s24, s26, $0x38;
	[tilespmem:$0x18200] =	vst v63  }
0x11c: {  	s28 =	sadd.s32 $0x9A00, s29;
	s30 =	sadd.s32 $0x180, s2;
	s29 =	sadd.s32 $0x9E00, s29  }
0x11d: {  	[hbm4b:s30+s26] =	stream.strided.scatter [tilespmem:s28], [sflag:$0x5], $0x400, s24, s26, $0x38;
	[tilespmem:$0x18200] =	vst v63  }
0x11e: {  	s30 =	sadd.s32 $0x1C0, s2;
	s2 =	sadd.s32 $0x400, s2;
	s28 =	smov.u32 s31  }
0x11f: {  	[hbm4b:s30+s26] =	stream.strided.scatter [tilespmem:s29], [sflag:$0x5], $0x400, s24, s26, $0x38;
	[tilespmem:$0x18200] =	vst v63  }
0x120: {  	s28 =	sadd.s32 $0x8200, s0  }
0x121: {  	[hbm4b:s2+s26] =	stream.strided.scatter [tilespmem:s28], [sflag:$0x5], $0x400, s24, s26, $0x38;
	[tilespmem:$0x18200] =	vst v63  }
0x122: {  	s29 =	sadd.s32 $0x40, s2;
	s28 =	sadd.s32 $0x8600, s0  }
0x123: {  	[hbm4b:s29+s26] =	stream.strided.scatter [tilespmem:s28], [sflag:$0x5], $0x400, s24, s26, $0x38;
	[tilespmem:$0x18200] =	vst v63  }
0x124: {  	s28 =	sadd.s32 $0x8A00, s0;
	s29 =	sadd.s32 $0x80, s2  }
0x125: {  	[hbm4b:s29+s26] =	stream.strided.scatter [tilespmem:s28], [sflag:$0x5], $0x400, s24, s26, $0x38;
	[tilespmem:$0x18200] =	vst v63  }
0x126: {  	s28 =	sadd.s32 $0x8E00, s0;
	s29 =	sadd.s32 $0xC0, s2  }
0x127: {  	[hbm4b:s29+s26] =	stream.strided.scatter [tilespmem:s28], [sflag:$0x5], $0x400, s24, s26, $0x38;
	[tilespmem:$0x18200] =	vst v63  }
0x128: {  	s28 =	sadd.s32 $0x9200, s0;
	s29 =	sadd.s32 $0x100, s2  }
0x129: {  	[hbm4b:s29+s26] =	stream.strided.scatter [tilespmem:s28], [sflag:$0x5], $0x400, s24, s26, $0x38;
	[tilespmem:$0x18200] =	vst v63  }
0x12a: {  	s28 =	sadd.s32 $0x9600, s0;
	s29 =	sadd.s32 $0x140, s2  }
0x12b: {  	[hbm4b:s29+s26] =	stream.strided.scatter [tilespmem:s28], [sflag:$0x5], $0x400, s24, s26, $0x38;
	[tilespmem:$0x18200] =	vst v63  }
0x12c: {  	s28 =	sadd.s32 $0x9A00, s0;
	s29 =	sadd.s32 $0x180, s2  }
0x12d: {  	[hbm4b:s29+s26] =	stream.strided.scatter [tilespmem:s28], [sflag:$0x5], $0x400, s24, s26, $0x38;
	[tilespmem:$0x18200] =	vst v63  }
0x12e: {  	s31 =	sadd.s32 $0x1C0, s2;
	s0 =	sadd.s32 $0x9E00, s0;
	s2 =	simm.s32 $0x5  }
0x12f: {  	[hbm4b:s31+s26] =	stream.strided.scatter [tilespmem:s0], [sflag:$0x5], $0x400, s24, s26, $0x38;
	[tilespmem:$0x18200] =	vst v63  }
0x130: {  	_ =	swait.ge [sflag:s2], $0x8000  }
0x131: {  	[sflag:s2] =	ssyncset.done $0x0  }
0x132: {  	[sflag:s2] =	ssyncadd.s32 $0xFFFF8000  }
0x133: {  	v3 =	vld [tilespmem:$0x80];
	_ =	sdelay $0x4  }
0x134: {  	v4 =	vshll.u32 v3, $0x3  }
0x135: {  	v3 =	vand.u32 $0x7, v3;
	v4 =	vand.u32 $0xFFFFFFC0, v4  }
0x136: {  	v3 =	vor.u32 v3, v4  }
0x137: {  	v4 =	vperm.xlane v3, v0;
	_ =	sdelay $0x1  }
0x138: {  	v4 =	vadd.s32 v1, v4;
	_ =	sdelay $0x3  }
0x139: {  	s0 =	simm.s32 $0x0;
	s31 =	simm.s32 $0x8200  }
0x13a: {  	[tilespmem:s31], [sflag:$0x2] =	stream.indirect_vreg.gather [hbm4b:s1+s0], $0x80, v4, vm0, $0xb8;
	[tilespmem:$0x18200] =	vst v63  }
0x13b: {  	v3 =	vperm.xlane v3, v2;
	s31 =	simm.s32 $0x8A00  }
0x13c: {  	[tilespmem:s31], [sflag:$0x2] =	stream.indirect_vreg.gather [hbm4b:s5+s0], $0x80, v4, vm0, $0xb8;
	[tilespmem:$0x18200] =	vst v63  }
0x13d: {  	v3 =	vadd.s32 v1, v3;
	s31 =	simm.s32 $0x9200  }
0x13e: {  	[tilespmem:s31], [sflag:$0x2] =	stream.indirect_vreg.gather [hbm4b:s7+s0], $0x80, v4, vm0, $0xb8;
	[tilespmem:$0x18200] =	vst v63  }
0x13f: {  	s31 =	simm.s32 $0x9A00  }
0x140: {  	[tilespmem:s31], [sflag:$0x2] =	stream.indirect_vreg.gather [hbm4b:s8+s0], $0x80, v4, vm0, $0xb8;
	[tilespmem:$0x18200] =	vst v63  }
0x141: {  	s31 =	simm.s32 $0xA200  }
0x142: {  	[tilespmem:s31], [sflag:$0x2] =	stream.indirect_vreg.gather [hbm4b:s1+s0], $0x80, v3, vm0, $0xb8;
	[tilespmem:$0x18200] =	vst v63  }
0x143: {  	s31 =	simm.s32 $0xAA00  }
0x144: {  	[tilespmem:s31], [sflag:$0x2] =	stream.indirect_vreg.gather [hbm4b:s5+s0], $0x80, v3, vm0, $0xb8;
	[tilespmem:$0x18200] =	vst v63  }
0x145: {  	s31 =	simm.s32 $0xB200  }
0x146: {  	[tilespmem:s31], [sflag:$0x2] =	stream.indirect_vreg.gather [hbm4b:s7+s0], $0x80, v3, vm0, $0xb8;
	[tilespmem:$0x18200] =	vst v63  }
0x147: {  	s31 =	simm.s32 $0xBA00  }
0x148: {  	[tilespmem:s31], [sflag:$0x2] =	stream.indirect_vreg.gather [hbm4b:s8+s0], $0x80, v3, vm0, $0xb8;
	[tilespmem:$0x18200] =	vst v63  }
0x149: {  	v3 =	vld [tilespmem:$0x90];
	_ =	sdelay $0x4  }
0x14a: {  	v63 =	vshll.u32 v3, $0x3  }
0x14b: {  	v3 =	vand.u32 $0x7, v3;
	v4 =	vand.u32 $0xFFFFFFC0, v63  }
0x14c: {  	v3 =	vor.u32 v3, v4  }
0x14d: {  	v4 =	vperm.xlane v3, v0;
	_ =	sdelay $0x1  }
0x14e: {  	v4 =	vadd.s32 v1, v4;
	_ =	sdelay $0x3  }
0x14f: {  	s31 =	simm.s32 $0xC200  }
0x150: {  	[tilespmem:s31], [sflag:$0x2] =	stream.indirect_vreg.gather [hbm4b:s1+s0], $0x80, v4, vm0, $0xb8;
	[tilespmem:$0x18200] =	vst v63  }
0x151: {  	v3 =	vperm.xlane v3, v2;
	s31 =	simm.s32 $0xCA00  }
0x152: {  	[tilespmem:s31], [sflag:$0x2] =	stream.indirect_vreg.gather [hbm4b:s5+s0], $0x80, v4, vm0, $0xb8;
	[tilespmem:$0x18200] =	vst v63  }
0x153: {  	v3 =	vadd.s32 v1, v3;
	s31 =	simm.s32 $0xD200  }
0x154: {  	[tilespmem:s31], [sflag:$0x2] =	stream.indirect_vreg.gather [hbm4b:s7+s0], $0x80, v4, vm0, $0xb8;
	[tilespmem:$0x18200] =	vst v63  }
0x155: {  	s31 =	simm.s32 $0xDA00  }
0x156: {  	[tilespmem:s31], [sflag:$0x2] =	stream.indirect_vreg.gather [hbm4b:s8+s0], $0x80, v4, vm0, $0xb8;
	[tilespmem:$0x18200] =	vst v63  }
0x157: {  	s31 =	simm.s32 $0xE200  }
0x158: {  	[tilespmem:s31], [sflag:$0x2] =	stream.indirect_vreg.gather [hbm4b:s1+s0], $0x80, v3, vm0, $0xb8;
	[tilespmem:$0x18200] =	vst v63  }
0x159: {  	s31 =	simm.s32 $0xEA00  }
0x15a: {  	[tilespmem:s31], [sflag:$0x2] =	stream.indirect_vreg.gather [hbm4b:s5+s0], $0x80, v3, vm0, $0xb8;
	[tilespmem:$0x18200] =	vst v63  }
0x15b: {  	s31 =	simm.s32 $0xF200  }
0x15c: {  	[tilespmem:s31], [sflag:$0x2] =	stream.indirect_vreg.gather [hbm4b:s7+s0], $0x80, v3, vm0, $0xb8;
	[tilespmem:$0x18200] =	vst v63  }
0x15d: {  	s2 =	simm.s32 $0x3;
	s31 =	simm.s32 $0xFA00  }
0x15e: {  	[tilespmem:s31], [sflag:$0x2] =	stream.indirect_vreg.gather [hbm4b:s8+s0], $0x80, v3, vm0, $0xb8;
	[tilespmem:$0x18200] =	vst v63  }
0x15f: {  	_ =	swait.ge [sflag:s2], $0x8000  }
0x160: {  	[sflag:s2] =	ssyncset.done $0x0  }
0x161: {  	s31 =	simm.s32 $0x10200;
	[sflag:s2] =	ssyncadd.s32 $0xFFFF8000  }
0x162: {  	[hbm4b:s10+s26] =	stream.strided.scatter [tilespmem:s31], [sflag:$0x6], $0x400, s24, s26, $0x38;
	[tilespmem:$0x18200] =	vst v63  }
0x163: {  	s2 =	simm.s32 $0x10600;
	s31 =	sadd.s32 $0x40, s10  }
0x164: {  	[hbm4b:s31+s26] =	stream.strided.scatter [tilespmem:s2], [sflag:$0x6], $0x400, s24, s26, $0x38;
	[tilespmem:$0x18200] =	vst v63  }
0x165: {  	s2 =	simm.s32 $0x10A00;
	s31 =	sadd.s32 $0x80, s10  }
0x166: {  	[hbm4b:s31+s26] =	stream.strided.scatter [tilespmem:s2], [sflag:$0x6], $0x400, s24, s26, $0x38;
	[tilespmem:$0x18200] =	vst v63  }
0x167: {  	s2 =	simm.s32 $0x10E00;
	s31 =	sadd.s32 $0xC0, s10  }
0x168: {  	[hbm4b:s31+s26] =	stream.strided.scatter [tilespmem:s2], [sflag:$0x6], $0x400, s24, s26, $0x38;
	[tilespmem:$0x18200] =	vst v63  }
0x169: {  	s2 =	simm.s32 $0x11200;
	s31 =	sadd.s32 $0x100, s10  }
0x16a: {  	[hbm4b:s31+s26] =	stream.strided.scatter [tilespmem:s2], [sflag:$0x6], $0x400, s24, s26, $0x38;
	[tilespmem:$0x18200] =	vst v63  }
0x16b: {  	s30 =	sadd.s32 $0x1C0, s10;
	s2 =	simm.s32 $0x11600;
	s31 =	sadd.s32 $0x140, s10  }
0x16c: {  	[hbm4b:s31+s26] =	stream.strided.scatter [tilespmem:s2], [sflag:$0x6], $0x400, s24, s26, $0x38;
	[tilespmem:$0x18200] =	vst v63  }
0x16d: {  	s28 =	simm.s32 $0x10000;
	s2 =	simm.s32 $0x11A00;
	s31 =	sadd.s32 $0x180, s10  }
0x16e: {  	[hbm4b:s31+s26] =	stream.strided.scatter [tilespmem:s2], [sflag:$0x6], $0x400, s24, s26, $0x38;
	[tilespmem:$0x18200] =	vst v63  }
0x16f: {  	s29 =	simm.s32 $0x11E00;
	s0 =	simm.s32 $0x2000;
	s2 =	sadd.s32 $0x400, s10  }
.LBB2_6:
0x170: {  	[hbm4b:s30+s26] =	stream.strided.scatter [tilespmem:s29], [sflag:$0x6], $0x400, s24, s26, $0x38;
	[tilespmem:$0x18200] =	vst v63  }
0x171: {  	s29 =	smov.u32 s0;
	s0 =	smov.u32 s28  }
0x172: {  	s31 =	sadd.s32 $0x8000, s28;
	s0 =	sshra.s32 s0, $0x2;
	s30 =	sadd.s32 $0x10200, s29  }
0x173: {  	[hbm4b:s2+s26] =	stream.strided.scatter [tilespmem:s30], [sflag:$0x6], $0x400, s24, s26, $0x38;
	[tilespmem:$0x18200] =	vst v63  }
0x174: {  	p0 =	sne.s32 s28, $0x18000;
	s28 =	sadd.s32 $0x10600, s29;
	s30 =	sadd.s32 $0x40, s2  }
0x175: {  	[hbm4b:s30+s26] =	stream.strided.scatter [tilespmem:s28], [sflag:$0x6], $0x400, s24, s26, $0x38;
	[tilespmem:$0x18200] =	vst v63  }
0x176: {  	s28 =	sadd.s32 $0x10A00, s29;
	s30 =	sadd.s32 $0x80, s2  }
0x177: {  	[hbm4b:s30+s26] =	stream.strided.scatter [tilespmem:s28], [sflag:$0x6], $0x400, s24, s26, $0x38;
	[tilespmem:$0x18200] =	vst v63  }
0x178: {  	s28 =	sadd.s32 $0x10E00, s29;
	s30 =	sadd.s32 $0xC0, s2  }
0x179: {  	[hbm4b:s30+s26] =	stream.strided.scatter [tilespmem:s28], [sflag:$0x6], $0x400, s24, s26, $0x38;
	[tilespmem:$0x18200] =	vst v63  }
0x17a: {  	s28 =	sadd.s32 $0x11200, s29;
	s30 =	sadd.s32 $0x100, s2  }
0x17b: {  	[hbm4b:s30+s26] =	stream.strided.scatter [tilespmem:s28], [sflag:$0x6], $0x400, s24, s26, $0x38;
	[tilespmem:$0x18200] =	vst v63  }
.Ltmp2:
0x17c: {  	s28 =	sadd.s32 $0x11600, s29;
	s30 =	sadd.s32 $0x140, s2;
	(pc) =	sbr.rel @p0 .LBB2_6-.Ltmp2, $4  }
0x17d: {  	[hbm4b:s30+s26] =	stream.strided.scatter [tilespmem:s28], [sflag:$0x6], $0x400, s24, s26, $0x38;
	[tilespmem:$0x18200] =	vst v63  }
0x17e: {  	s28 =	sadd.s32 $0x11A00, s29;
	s30 =	sadd.s32 $0x180, s2;
	s29 =	sadd.s32 $0x11E00, s29  }
0x17f: {  	[hbm4b:s30+s26] =	stream.strided.scatter [tilespmem:s28], [sflag:$0x6], $0x400, s24, s26, $0x38;
	[tilespmem:$0x18200] =	vst v63  }
0x180: {  	s30 =	sadd.s32 $0x1C0, s2;
	s2 =	sadd.s32 $0x400, s2;
	s28 =	smov.u32 s31  }
0x181: {  	[hbm4b:s30+s26] =	stream.strided.scatter [tilespmem:s29], [sflag:$0x6], $0x400, s24, s26, $0x38;
	[tilespmem:$0x18200] =	vst v63  }
0x182: {  	s28 =	sadd.s32 $0x10200, s0  }
0x183: {  	[hbm4b:s2+s26] =	stream.strided.scatter [tilespmem:s28], [sflag:$0x6], $0x400, s24, s26, $0x38;
	[tilespmem:$0x18200] =	vst v63  }
0x184: {  	s29 =	sadd.s32 $0x40, s2;
	s28 =	sadd.s32 $0x10600, s0  }
0x185: {  	[hbm4b:s29+s26] =	stream.strided.scatter [tilespmem:s28], [sflag:$0x6], $0x400, s24, s26, $0x38;
	[tilespmem:$0x18200] =	vst v63  }
0x186: {  	s28 =	sadd.s32 $0x10A00, s0;
	s29 =	sadd.s32 $0x80, s2  }
0x187: {  	[hbm4b:s29+s26] =	stream.strided.scatter [tilespmem:s28], [sflag:$0x6], $0x400, s24, s26, $0x38;
	[tilespmem:$0x18200] =	vst v63  }
0x188: {  	s28 =	sadd.s32 $0x10E00, s0;
	s29 =	sadd.s32 $0xC0, s2  }
0x189: {  	[hbm4b:s29+s26] =	stream.strided.scatter [tilespmem:s28], [sflag:$0x6], $0x400, s24, s26, $0x38;
	[tilespmem:$0x18200] =	vst v63  }
0x18a: {  	s28 =	sadd.s32 $0x11200, s0;
	s29 =	sadd.s32 $0x100, s2  }
0x18b: {  	[hbm4b:s29+s26] =	stream.strided.scatter [tilespmem:s28], [sflag:$0x6], $0x400, s24, s26, $0x38;
	[tilespmem:$0x18200] =	vst v63  }
0x18c: {  	s28 =	sadd.s32 $0x11600, s0;
	s29 =	sadd.s32 $0x140, s2  }
0x18d: {  	[hbm4b:s29+s26] =	stream.strided.scatter [tilespmem:s28], [sflag:$0x6], $0x400, s24, s26, $0x38;
	[tilespmem:$0x18200] =	vst v63  }
0x18e: {  	s28 =	sadd.s32 $0x11A00, s0;
	s29 =	sadd.s32 $0x180, s2  }
0x18f: {  	[hbm4b:s29+s26] =	stream.strided.scatter [tilespmem:s28], [sflag:$0x6], $0x400, s24, s26, $0x38;
	[tilespmem:$0x18200] =	vst v63  }
0x190: {  	s31 =	sadd.s32 $0x1C0, s2;
	s0 =	sadd.s32 $0x11E00, s0;
	s2 =	simm.s32 $0x6  }
0x191: {  	[hbm4b:s31+s26] =	stream.strided.scatter [tilespmem:s0], [sflag:$0x6], $0x400, s24, s26, $0x38;
	[tilespmem:$0x18200] =	vst v63  }
0x192: {  	_ =	swait.ge [sflag:s2], $0x8000  }
0x193: {  	[sflag:s2] =	ssyncset.done $0x0  }
0x194: {  	[sflag:s2] =	ssyncadd.s32 $0xFFFF8000  }
0x195: {  	v3 =	vld [tilespmem:$0xA0];
	_ =	sdelay $0x4  }
0x196: {  	v4 =	vshll.u32 v3, $0x3  }
0x197: {  	v3 =	vand.u32 $0x7, v3;
	v4 =	vand.u32 $0xFFFFFFC0, v4  }
0x198: {  	v3 =	vor.u32 v3, v4  }
0x199: {  	v4 =	vperm.xlane v3, v0;
	_ =	sdelay $0x1  }
0x19a: {  	v4 =	vadd.s32 v1, v4;
	_ =	sdelay $0x3  }
0x19b: {  	s0 =	simm.s32 $0x0;
	s31 =	simm.s32 $0x10200  }
0x19c: {  	[tilespmem:s31], [sflag:$0x3] =	stream.indirect_vreg.gather [hbm4b:s1+s0], $0x80, v4, vm0, $0xb8;
	[tilespmem:$0x18200] =	vst v63  }
0x19d: {  	v3 =	vperm.xlane v3, v2;
	s31 =	simm.s32 $0x10A00  }
0x19e: {  	[tilespmem:s31], [sflag:$0x3] =	stream.indirect_vreg.gather [hbm4b:s5+s0], $0x80, v4, vm0, $0xb8;
	[tilespmem:$0x18200] =	vst v63  }
0x19f: {  	v3 =	vadd.s32 v1, v3;
	s31 =	simm.s32 $0x11200  }
0x1a0: {  	[tilespmem:s31], [sflag:$0x3] =	stream.indirect_vreg.gather [hbm4b:s7+s0], $0x80, v4, vm0, $0xb8;
	[tilespmem:$0x18200] =	vst v63  }
0x1a1: {  	s31 =	simm.s32 $0x11A00  }
0x1a2: {  	[tilespmem:s31], [sflag:$0x3] =	stream.indirect_vreg.gather [hbm4b:s8+s0], $0x80, v4, vm0, $0xb8;
	[tilespmem:$0x18200] =	vst v63  }
0x1a3: {  	s31 =	simm.s32 $0x12200  }
0x1a4: {  	[tilespmem:s31], [sflag:$0x3] =	stream.indirect_vreg.gather [hbm4b:s1+s0], $0x80, v3, vm0, $0xb8;
	[tilespmem:$0x18200] =	vst v63  }
0x1a5: {  	s31 =	simm.s32 $0x12A00  }
0x1a6: {  	[tilespmem:s31], [sflag:$0x3] =	stream.indirect_vreg.gather [hbm4b:s5+s0], $0x80, v3, vm0, $0xb8;
	[tilespmem:$0x18200] =	vst v63  }
0x1a7: {  	s31 =	simm.s32 $0x13200  }
0x1a8: {  	[tilespmem:s31], [sflag:$0x3] =	stream.indirect_vreg.gather [hbm4b:s7+s0], $0x80, v3, vm0, $0xb8;
	[tilespmem:$0x18200] =	vst v63  }
0x1a9: {  	s31 =	simm.s32 $0x13A00  }
0x1aa: {  	[tilespmem:s31], [sflag:$0x3] =	stream.indirect_vreg.gather [hbm4b:s8+s0], $0x80, v3, vm0, $0xb8;
	[tilespmem:$0x18200] =	vst v63  }
0x1ab: {  	v3 =	vld [tilespmem:$0xB0];
	_ =	sdelay $0x4  }
0x1ac: {  	v63 =	vshll.u32 v3, $0x3  }
0x1ad: {  	v3 =	vand.u32 $0x7, v3;
	v4 =	vand.u32 $0xFFFFFFC0, v63  }
0x1ae: {  	v3 =	vor.u32 v3, v4  }
0x1af: {  	v4 =	vperm.xlane v3, v0;
	_ =	sdelay $0x1  }
0x1b0: {  	v4 =	vadd.s32 v1, v4;
	_ =	sdelay $0x3  }
0x1b1: {  	s31 =	simm.s32 $0x14200  }
0x1b2: {  	[tilespmem:s31], [sflag:$0x3] =	stream.indirect_vreg.gather [hbm4b:s1+s0], $0x80, v4, vm0, $0xb8;
	[tilespmem:$0x18200] =	vst v63  }
0x1b3: {  	v3 =	vperm.xlane v3, v2;
	s31 =	simm.s32 $0x14A00  }
0x1b4: {  	[tilespmem:s31], [sflag:$0x3] =	stream.indirect_vreg.gather [hbm4b:s5+s0], $0x80, v4, vm0, $0xb8;
	[tilespmem:$0x18200] =	vst v63  }
0x1b5: {  	v3 =	vadd.s32 v1, v3;
	s31 =	simm.s32 $0x15200  }
0x1b6: {  	[tilespmem:s31], [sflag:$0x3] =	stream.indirect_vreg.gather [hbm4b:s7+s0], $0x80, v4, vm0, $0xb8;
	[tilespmem:$0x18200] =	vst v63  }
0x1b7: {  	s31 =	simm.s32 $0x15A00  }
0x1b8: {  	[tilespmem:s31], [sflag:$0x3] =	stream.indirect_vreg.gather [hbm4b:s8+s0], $0x80, v4, vm0, $0xb8;
	[tilespmem:$0x18200] =	vst v63  }
0x1b9: {  	s31 =	simm.s32 $0x16200  }
0x1ba: {  	[tilespmem:s31], [sflag:$0x3] =	stream.indirect_vreg.gather [hbm4b:s1+s0], $0x80, v3, vm0, $0xb8;
	[tilespmem:$0x18200] =	vst v63  }
0x1bb: {  	s31 =	simm.s32 $0x16A00  }
0x1bc: {  	[tilespmem:s31], [sflag:$0x3] =	stream.indirect_vreg.gather [hbm4b:s5+s0], $0x80, v3, vm0, $0xb8;
	[tilespmem:$0x18200] =	vst v63  }
0x1bd: {  	s31 =	simm.s32 $0x17200  }
0x1be: {  	[tilespmem:s31], [sflag:$0x3] =	stream.indirect_vreg.gather [hbm4b:s7+s0], $0x80, v3, vm0, $0xb8;
	[tilespmem:$0x18200] =	vst v63  }
0x1bf: {  	s31 =	simm.s32 $0x17A00  }
0x1c0: {  	[tilespmem:s31], [sflag:$0x3] =	stream.indirect_vreg.gather [hbm4b:s8+s0], $0x80, v3, vm0, $0xb8;
	[tilespmem:$0x18200] =	vst v63  }
0x1c1: {  	_ =	swait.ge [sflag:s4], $0x8000  }
0x1c2: {  	[sflag:s4] =	ssyncset.done $0x0  }
0x1c3: {  	s31 =	simm.s32 $0x200;
	[sflag:s4] =	ssyncadd.s32 $0xFFFF8000  }
0x1c4: {  	[hbm4b:s11+s26] =	stream.strided.scatter [tilespmem:s31], [sflag:$0x4], $0x400, s24, s26, $0x38;
	[tilespmem:$0x18200] =	vst v63  }
0x1c5: {  	s2 =	simm.s32 $0x600;
	s31 =	sadd.s32 $0x40, s11  }
0x1c6: {  	[hbm4b:s31+s26] =	stream.strided.scatter [tilespmem:s2], [sflag:$0x4], $0x400, s24, s26, $0x38;
	[tilespmem:$0x18200] =	vst v63  }
0x1c7: {  	s2 =	simm.s32 $0xA00;
	s31 =	sadd.s32 $0x80, s11  }
0x1c8: {  	[hbm4b:s31+s26] =	stream.strided.scatter [tilespmem:s2], [sflag:$0x4], $0x400, s24, s26, $0x38;
	[tilespmem:$0x18200] =	vst v63  }
0x1c9: {  	s2 =	simm.s32 $0xE00;
	s31 =	sadd.s32 $0xC0, s11  }
0x1ca: {  	[hbm4b:s31+s26] =	stream.strided.scatter [tilespmem:s2], [sflag:$0x4], $0x400, s24, s26, $0x38;
	[tilespmem:$0x18200] =	vst v63  }
0x1cb: {  	s2 =	simm.s32 $0x1200;
	s31 =	sadd.s32 $0x100, s11  }
0x1cc: {  	[hbm4b:s31+s26] =	stream.strided.scatter [tilespmem:s2], [sflag:$0x4], $0x400, s24, s26, $0x38;
	[tilespmem:$0x18200] =	vst v63  }
0x1cd: {  	s30 =	sadd.s32 $0x1C0, s11;
	s2 =	simm.s32 $0x1600;
	s31 =	sadd.s32 $0x140, s11  }
0x1ce: {  	[hbm4b:s31+s26] =	stream.strided.scatter [tilespmem:s2], [sflag:$0x4], $0x400, s24, s26, $0x38;
	[tilespmem:$0x18200] =	vst v63  }
0x1cf: {  	s28 =	simm.s32 $0x10000;
	s2 =	simm.s32 $0x1A00;
	s31 =	sadd.s32 $0x180, s11  }
0x1d0: {  	[hbm4b:s31+s26] =	stream.strided.scatter [tilespmem:s2], [sflag:$0x4], $0x400, s24, s26, $0x38;
	[tilespmem:$0x18200] =	vst v63  }
0x1d1: {  	s29 =	simm.s32 $0x1E00;
	s0 =	simm.s32 $0x2000;
	s2 =	sadd.s32 $0x400, s11  }
.LBB2_8:
0x1d2: {  	[hbm4b:s30+s26] =	stream.strided.scatter [tilespmem:s29], [sflag:$0x4], $0x400, s24, s26, $0x38;
	[tilespmem:$0x18200] =	vst v63  }
0x1d3: {  	s29 =	smov.u32 s0;
	s0 =	smov.u32 s28  }
0x1d4: {  	s31 =	sadd.s32 $0x8000, s28;
	s0 =	sshra.s32 s0, $0x2;
	s30 =	sadd.s32 $0x200, s29  }
0x1d5: {  	[hbm4b:s2+s26] =	stream.strided.scatter [tilespmem:s30], [sflag:$0x4], $0x400, s24, s26, $0x38;
	[tilespmem:$0x18200] =	vst v63  }
0x1d6: {  	p0 =	sne.s32 s28, $0x18000;
	s28 =	sadd.s32 $0x600, s29;
	s30 =	sadd.s32 $0x40, s2  }
0x1d7: {  	[hbm4b:s30+s26] =	stream.strided.scatter [tilespmem:s28], [sflag:$0x4], $0x400, s24, s26, $0x38;
	[tilespmem:$0x18200] =	vst v63  }
0x1d8: {  	s28 =	sadd.s32 $0xA00, s29;
	s30 =	sadd.s32 $0x80, s2  }
0x1d9: {  	[hbm4b:s30+s26] =	stream.strided.scatter [tilespmem:s28], [sflag:$0x4], $0x400, s24, s26, $0x38;
	[tilespmem:$0x18200] =	vst v63  }
0x1da: {  	s28 =	sadd.s32 $0xE00, s29;
	s30 =	sadd.s32 $0xC0, s2  }
0x1db: {  	[hbm4b:s30+s26] =	stream.strided.scatter [tilespmem:s28], [sflag:$0x4], $0x400, s24, s26, $0x38;
	[tilespmem:$0x18200] =	vst v63  }
0x1dc: {  	s28 =	sadd.s32 $0x1200, s29;
	s30 =	sadd.s32 $0x100, s2  }
0x1dd: {  	[hbm4b:s30+s26] =	stream.strided.scatter [tilespmem:s28], [sflag:$0x4], $0x400, s24, s26, $0x38;
	[tilespmem:$0x18200] =	vst v63  }
.Ltmp3:
0x1de: {  	s28 =	sadd.s32 $0x1600, s29;
	s30 =	sadd.s32 $0x140, s2;
	(pc) =	sbr.rel @p0 .LBB2_8-.Ltmp3, $4  }
0x1df: {  	[hbm4b:s30+s26] =	stream.strided.scatter [tilespmem:s28], [sflag:$0x4], $0x400, s24, s26, $0x38;
	[tilespmem:$0x18200] =	vst v63  }
0x1e0: {  	s28 =	sadd.s32 $0x1A00, s29;
	s30 =	sadd.s32 $0x180, s2;
	s29 =	sadd.s32 $0x1E00, s29  }
0x1e1: {  	[hbm4b:s30+s26] =	stream.strided.scatter [tilespmem:s28], [sflag:$0x4], $0x400, s24, s26, $0x38;
	[tilespmem:$0x18200] =	vst v63  }
0x1e2: {  	s30 =	sadd.s32 $0x1C0, s2;
	s2 =	sadd.s32 $0x400, s2;
	s28 =	smov.u32 s31  }
0x1e3: {  	[hbm4b:s30+s26] =	stream.strided.scatter [tilespmem:s29], [sflag:$0x4], $0x400, s24, s26, $0x38;
	[tilespmem:$0x18200] =	vst v63  }
0x1e4: {  	s28 =	sadd.s32 $0x200, s0  }
0x1e5: {  	[hbm4b:s2+s26] =	stream.strided.scatter [tilespmem:s28], [sflag:$0x4], $0x400, s24, s26, $0x38;
	[tilespmem:$0x18200] =	vst v63  }
0x1e6: {  	s29 =	sadd.s32 $0x40, s2;
	s28 =	sadd.s32 $0x600, s0  }
0x1e7: {  	[hbm4b:s29+s26] =	stream.strided.scatter [tilespmem:s28], [sflag:$0x4], $0x400, s24, s26, $0x38;
	[tilespmem:$0x18200] =	vst v63  }
0x1e8: {  	s28 =	sadd.s32 $0xA00, s0;
	s29 =	sadd.s32 $0x80, s2  }
0x1e9: {  	[hbm4b:s29+s26] =	stream.strided.scatter [tilespmem:s28], [sflag:$0x4], $0x400, s24, s26, $0x38;
	[tilespmem:$0x18200] =	vst v63  }
0x1ea: {  	s28 =	sadd.s32 $0xE00, s0;
	s29 =	sadd.s32 $0xC0, s2  }
0x1eb: {  	[hbm4b:s29+s26] =	stream.strided.scatter [tilespmem:s28], [sflag:$0x4], $0x400, s24, s26, $0x38;
	[tilespmem:$0x18200] =	vst v63  }
0x1ec: {  	s28 =	sadd.s32 $0x1200, s0;
	s29 =	sadd.s32 $0x100, s2  }
0x1ed: {  	[hbm4b:s29+s26] =	stream.strided.scatter [tilespmem:s28], [sflag:$0x4], $0x400, s24, s26, $0x38;
	[tilespmem:$0x18200] =	vst v63  }
0x1ee: {  	s28 =	sadd.s32 $0x1600, s0;
	s29 =	sadd.s32 $0x140, s2  }
0x1ef: {  	[hbm4b:s29+s26] =	stream.strided.scatter [tilespmem:s28], [sflag:$0x4], $0x400, s24, s26, $0x38;
	[tilespmem:$0x18200] =	vst v63  }
0x1f0: {  	s28 =	sadd.s32 $0x1A00, s0;
	s29 =	sadd.s32 $0x180, s2  }
0x1f1: {  	[hbm4b:s29+s26] =	stream.strided.scatter [tilespmem:s28], [sflag:$0x4], $0x400, s24, s26, $0x38;
	[tilespmem:$0x18200] =	vst v63  }
0x1f2: {  	s31 =	sadd.s32 $0x1C0, s2;
	s0 =	sadd.s32 $0x1E00, s0  }
0x1f3: {  	[hbm4b:s31+s26] =	stream.strided.scatter [tilespmem:s0], [sflag:$0x4], $0x400, s24, s26, $0x38;
	[tilespmem:$0x18200] =	vst v63  }
0x1f4: {  	_ =	swait.ge [sflag:s25], $0x8000  }
0x1f5: {  	[sflag:s25] =	ssyncset.done $0x0  }
0x1f6: {  	[sflag:s25] =	ssyncadd.s32 $0xFFFF8000  }
0x1f7: {  	v3 =	vld [tilespmem:$0xC0];
	_ =	sdelay $0x4  }
0x1f8: {  	v4 =	vshll.u32 v3, $0x3  }
0x1f9: {  	v3 =	vand.u32 $0x7, v3;
	v4 =	vand.u32 $0xFFFFFFC0, v4  }
0x1fa: {  	v3 =	vor.u32 v3, v4  }
0x1fb: {  	v4 =	vperm.xlane v3, v0;
	_ =	sdelay $0x1  }
0x1fc: {  	v4 =	vadd.s32 v1, v4;
	_ =	sdelay $0x3  }
0x1fd: {  	s0 =	simm.s32 $0x0  }
0x1fe: {  	[tilespmem:s26], [sflag:$0x1] =	stream.indirect_vreg.gather [hbm4b:s1+s0], $0x80, v4, vm0, $0xb8;
	[tilespmem:$0x18200] =	vst v63  }
0x1ff: {  	s31 =	simm.s32 $0xA00;
	v3 =	vperm.xlane v3, v2  }
0x200: {  	[tilespmem:s31], [sflag:$0x1] =	stream.indirect_vreg.gather [hbm4b:s5+s0], $0x80, v4, vm0, $0xb8;
	[tilespmem:$0x18200] =	vst v63  }
0x201: {  	v3 =	vadd.s32 v1, v3;
	s31 =	simm.s32 $0x1200  }
0x202: {  	[tilespmem:s31], [sflag:$0x1] =	stream.indirect_vreg.gather [hbm4b:s7+s0], $0x80, v4, vm0, $0xb8;
	[tilespmem:$0x18200] =	vst v63  }
0x203: {  	s31 =	simm.s32 $0x1A00  }
0x204: {  	[tilespmem:s31], [sflag:$0x1] =	stream.indirect_vreg.gather [hbm4b:s8+s0], $0x80, v4, vm0, $0xb8;
	[tilespmem:$0x18200] =	vst v63  }
0x205: {  	s31 =	simm.s32 $0x2200  }
0x206: {  	[tilespmem:s31], [sflag:$0x1] =	stream.indirect_vreg.gather [hbm4b:s1+s0], $0x80, v3, vm0, $0xb8;
	[tilespmem:$0x18200] =	vst v63  }
0x207: {  	s31 =	simm.s32 $0x2A00  }
0x208: {  	[tilespmem:s31], [sflag:$0x1] =	stream.indirect_vreg.gather [hbm4b:s5+s0], $0x80, v3, vm0, $0xb8;
	[tilespmem:$0x18200] =	vst v63  }
0x209: {  	s31 =	simm.s32 $0x3200  }
0x20a: {  	[tilespmem:s31], [sflag:$0x1] =	stream.indirect_vreg.gather [hbm4b:s7+s0], $0x80, v3, vm0, $0xb8;
	[tilespmem:$0x18200] =	vst v63  }
0x20b: {  	s31 =	simm.s32 $0x3A00  }
0x20c: {  	[tilespmem:s31], [sflag:$0x1] =	stream.indirect_vreg.gather [hbm4b:s8+s0], $0x80, v3, vm0, $0xb8;
	[tilespmem:$0x18200] =	vst v63  }
0x20d: {  	v3 =	vld [tilespmem:$0xD0];
	_ =	sdelay $0x4  }
0x20e: {  	v63 =	vshll.u32 v3, $0x3  }
0x20f: {  	v3 =	vand.u32 $0x7, v3;
	v4 =	vand.u32 $0xFFFFFFC0, v63  }
0x210: {  	v3 =	vor.u32 v3, v4  }
0x211: {  	v4 =	vperm.xlane v3, v0;
	_ =	sdelay $0x1  }
0x212: {  	v4 =	vadd.s32 v1, v4;
	_ =	sdelay $0x3  }
0x213: {  	s31 =	simm.s32 $0x4200  }
0x214: {  	[tilespmem:s31], [sflag:$0x1] =	stream.indirect_vreg.gather [hbm4b:s1+s0], $0x80, v4, vm0, $0xb8;
	[tilespmem:$0x18200] =	vst v63  }
0x215: {  	v3 =	vperm.xlane v3, v2;
	s31 =	simm.s32 $0x4A00  }
0x216: {  	[tilespmem:s31], [sflag:$0x1] =	stream.indirect_vreg.gather [hbm4b:s5+s0], $0x80, v4, vm0, $0xb8;
	[tilespmem:$0x18200] =	vst v63  }
0x217: {  	v3 =	vadd.s32 v1, v3;
	s31 =	simm.s32 $0x5200  }
0x218: {  	[tilespmem:s31], [sflag:$0x1] =	stream.indirect_vreg.gather [hbm4b:s7+s0], $0x80, v4, vm0, $0xb8;
	[tilespmem:$0x18200] =	vst v63  }
0x219: {  	s31 =	simm.s32 $0x5A00  }
0x21a: {  	[tilespmem:s31], [sflag:$0x1] =	stream.indirect_vreg.gather [hbm4b:s8+s0], $0x80, v4, vm0, $0xb8;
	[tilespmem:$0x18200] =	vst v63  }
0x21b: {  	s31 =	simm.s32 $0x6200  }
0x21c: {  	[tilespmem:s31], [sflag:$0x1] =	stream.indirect_vreg.gather [hbm4b:s1+s0], $0x80, v3, vm0, $0xb8;
	[tilespmem:$0x18200] =	vst v63  }
0x21d: {  	s31 =	simm.s32 $0x6A00  }
0x21e: {  	[tilespmem:s31], [sflag:$0x1] =	stream.indirect_vreg.gather [hbm4b:s5+s0], $0x80, v3, vm0, $0xb8;
	[tilespmem:$0x18200] =	vst v63  }
0x21f: {  	s31 =	simm.s32 $0x7200  }
0x220: {  	[tilespmem:s31], [sflag:$0x1] =	stream.indirect_vreg.gather [hbm4b:s7+s0], $0x80, v3, vm0, $0xb8;
	[tilespmem:$0x18200] =	vst v63  }
0x221: {  	s2 =	simm.s32 $0x2;
	s31 =	simm.s32 $0x7A00  }
0x222: {  	[tilespmem:s31], [sflag:$0x1] =	stream.indirect_vreg.gather [hbm4b:s8+s0], $0x80, v3, vm0, $0xb8;
	[tilespmem:$0x18200] =	vst v63  }
0x223: {  	_ =	swait.ge [sflag:s2], $0x8000  }
0x224: {  	[sflag:s2] =	ssyncset.done $0x0  }
0x225: {  	s31 =	simm.s32 $0x8200;
	[sflag:s2] =	ssyncadd.s32 $0xFFFF8000  }
0x226: {  	[hbm4b:s12+s26] =	stream.strided.scatter [tilespmem:s31], [sflag:$0x5], $0x400, s24, s26, $0x38;
	[tilespmem:$0x18200] =	vst v63  }
0x227: {  	s2 =	simm.s32 $0x8600;
	s31 =	sadd.s32 $0x40, s12  }
0x228: {  	[hbm4b:s31+s26] =	stream.strided.scatter [tilespmem:s2], [sflag:$0x5], $0x400, s24, s26, $0x38;
	[tilespmem:$0x18200] =	vst v63  }
0x229: {  	s2 =	simm.s32 $0x8A00;
	s31 =	sadd.s32 $0x80, s12  }
0x22a: {  	[hbm4b:s31+s26] =	stream.strided.scatter [tilespmem:s2], [sflag:$0x5], $0x400, s24, s26, $0x38;
	[tilespmem:$0x18200] =	vst v63  }
0x22b: {  	s2 =	simm.s32 $0x8E00;
	s31 =	sadd.s32 $0xC0, s12  }
0x22c: {  	[hbm4b:s31+s26] =	stream.strided.scatter [tilespmem:s2], [sflag:$0x5], $0x400, s24, s26, $0x38;
	[tilespmem:$0x18200] =	vst v63  }
0x22d: {  	s2 =	simm.s32 $0x9200;
	s31 =	sadd.s32 $0x100, s12  }
0x22e: {  	[hbm4b:s31+s26] =	stream.strided.scatter [tilespmem:s2], [sflag:$0x5], $0x400, s24, s26, $0x38;
	[tilespmem:$0x18200] =	vst v63  }
0x22f: {  	s30 =	sadd.s32 $0x1C0, s12;
	s2 =	simm.s32 $0x9600;
	s31 =	sadd.s32 $0x140, s12  }
0x230: {  	[hbm4b:s31+s26] =	stream.strided.scatter [tilespmem:s2], [sflag:$0x5], $0x400, s24, s26, $0x38;
	[tilespmem:$0x18200] =	vst v63  }
0x231: {  	s28 =	simm.s32 $0x10000;
	s2 =	simm.s32 $0x9A00;
	s31 =	sadd.s32 $0x180, s12  }
0x232: {  	[hbm4b:s31+s26] =	stream.strided.scatter [tilespmem:s2], [sflag:$0x5], $0x400, s24, s26, $0x38;
	[tilespmem:$0x18200] =	vst v63  }
0x233: {  	s29 =	simm.s32 $0x9E00;
	s0 =	simm.s32 $0x2000;
	s2 =	sadd.s32 $0x400, s12  }
.LBB2_10:
0x234: {  	[hbm4b:s30+s26] =	stream.strided.scatter [tilespmem:s29], [sflag:$0x5], $0x400, s24, s26, $0x38;
	[tilespmem:$0x18200] =	vst v63  }
0x235: {  	s29 =	smov.u32 s0;
	s0 =	smov.u32 s28  }
0x236: {  	s31 =	sadd.s32 $0x8000, s28;
	s0 =	sshra.s32 s0, $0x2;
	s30 =	sadd.s32 $0x8200, s29  }
0x237: {  	[hbm4b:s2+s26] =	stream.strided.scatter [tilespmem:s30], [sflag:$0x5], $0x400, s24, s26, $0x38;
	[tilespmem:$0x18200] =	vst v63  }
0x238: {  	p0 =	sne.s32 s28, $0x18000;
	s28 =	sadd.s32 $0x8600, s29;
	s30 =	sadd.s32 $0x40, s2  }
0x239: {  	[hbm4b:s30+s26] =	stream.strided.scatter [tilespmem:s28], [sflag:$0x5], $0x400, s24, s26, $0x38;
	[tilespmem:$0x18200] =	vst v63  }
0x23a: {  	s28 =	sadd.s32 $0x8A00, s29;
	s30 =	sadd.s32 $0x80, s2  }
0x23b: {  	[hbm4b:s30+s26] =	stream.strided.scatter [tilespmem:s28], [sflag:$0x5], $0x400, s24, s26, $0x38;
	[tilespmem:$0x18200] =	vst v63  }
0x23c: {  	s28 =	sadd.s32 $0x8E00, s29;
	s30 =	sadd.s32 $0xC0, s2  }
0x23d: {  	[hbm4b:s30+s26] =	stream.strided.scatter [tilespmem:s28], [sflag:$0x5], $0x400, s24, s26, $0x38;
	[tilespmem:$0x18200] =	vst v63  }
0x23e: {  	s28 =	sadd.s32 $0x9200, s29;
	s30 =	sadd.s32 $0x100, s2  }
0x23f: {  	[hbm4b:s30+s26] =	stream.strided.scatter [tilespmem:s28], [sflag:$0x5], $0x400, s24, s26, $0x38;
	[tilespmem:$0x18200] =	vst v63  }
.Ltmp4:
0x240: {  	s28 =	sadd.s32 $0x9600, s29;
	s30 =	sadd.s32 $0x140, s2;
	(pc) =	sbr.rel @p0 .LBB2_10-.Ltmp4, $4  }
0x241: {  	[hbm4b:s30+s26] =	stream.strided.scatter [tilespmem:s28], [sflag:$0x5], $0x400, s24, s26, $0x38;
	[tilespmem:$0x18200] =	vst v63  }
0x242: {  	s28 =	sadd.s32 $0x9A00, s29;
	s30 =	sadd.s32 $0x180, s2;
	s29 =	sadd.s32 $0x9E00, s29  }
0x243: {  	[hbm4b:s30+s26] =	stream.strided.scatter [tilespmem:s28], [sflag:$0x5], $0x400, s24, s26, $0x38;
	[tilespmem:$0x18200] =	vst v63  }
0x244: {  	s30 =	sadd.s32 $0x1C0, s2;
	s2 =	sadd.s32 $0x400, s2;
	s28 =	smov.u32 s31  }
0x245: {  	[hbm4b:s30+s26] =	stream.strided.scatter [tilespmem:s29], [sflag:$0x5], $0x400, s24, s26, $0x38;
	[tilespmem:$0x18200] =	vst v63  }
0x246: {  	s28 =	sadd.s32 $0x8200, s0  }
0x247: {  	[hbm4b:s2+s26] =	stream.strided.scatter [tilespmem:s28], [sflag:$0x5], $0x400, s24, s26, $0x38;
	[tilespmem:$0x18200] =	vst v63  }
0x248: {  	s29 =	sadd.s32 $0x40, s2;
	s28 =	sadd.s32 $0x8600, s0  }
0x249: {  	[hbm4b:s29+s26] =	stream.strided.scatter [tilespmem:s28], [sflag:$0x5], $0x400, s24, s26, $0x38;
	[tilespmem:$0x18200] =	vst v63  }
0x24a: {  	s28 =	sadd.s32 $0x8A00, s0;
	s29 =	sadd.s32 $0x80, s2  }
0x24b: {  	[hbm4b:s29+s26] =	stream.strided.scatter [tilespmem:s28], [sflag:$0x5], $0x400, s24, s26, $0x38;
	[tilespmem:$0x18200] =	vst v63  }
0x24c: {  	s28 =	sadd.s32 $0x8E00, s0;
	s29 =	sadd.s32 $0xC0, s2  }
0x24d: {  	[hbm4b:s29+s26] =	stream.strided.scatter [tilespmem:s28], [sflag:$0x5], $0x400, s24, s26, $0x38;
	[tilespmem:$0x18200] =	vst v63  }
0x24e: {  	s28 =	sadd.s32 $0x9200, s0;
	s29 =	sadd.s32 $0x100, s2  }
0x24f: {  	[hbm4b:s29+s26] =	stream.strided.scatter [tilespmem:s28], [sflag:$0x5], $0x400, s24, s26, $0x38;
	[tilespmem:$0x18200] =	vst v63  }
0x250: {  	s28 =	sadd.s32 $0x9600, s0;
	s29 =	sadd.s32 $0x140, s2  }
0x251: {  	[hbm4b:s29+s26] =	stream.strided.scatter [tilespmem:s28], [sflag:$0x5], $0x400, s24, s26, $0x38;
	[tilespmem:$0x18200] =	vst v63  }
0x252: {  	s28 =	sadd.s32 $0x9A00, s0;
	s29 =	sadd.s32 $0x180, s2  }
0x253: {  	[hbm4b:s29+s26] =	stream.strided.scatter [tilespmem:s28], [sflag:$0x5], $0x400, s24, s26, $0x38;
	[tilespmem:$0x18200] =	vst v63  }
0x254: {  	s31 =	sadd.s32 $0x1C0, s2;
	s0 =	sadd.s32 $0x9E00, s0;
	s2 =	simm.s32 $0x5  }
0x255: {  	[hbm4b:s31+s26] =	stream.strided.scatter [tilespmem:s0], [sflag:$0x5], $0x400, s24, s26, $0x38;
	[tilespmem:$0x18200] =	vst v63  }
0x256: {  	_ =	swait.ge [sflag:s2], $0x8000  }
0x257: {  	[sflag:s2] =	ssyncset.done $0x0  }
0x258: {  	[sflag:s2] =	ssyncadd.s32 $0xFFFF8000  }
0x259: {  	v3 =	vld [tilespmem:$0xE0];
	_ =	sdelay $0x4  }
0x25a: {  	v4 =	vshll.u32 v3, $0x3  }
0x25b: {  	v3 =	vand.u32 $0x7, v3;
	v4 =	vand.u32 $0xFFFFFFC0, v4  }
0x25c: {  	v3 =	vor.u32 v3, v4  }
0x25d: {  	v4 =	vperm.xlane v3, v0;
	_ =	sdelay $0x1  }
0x25e: {  	v4 =	vadd.s32 v1, v4;
	_ =	sdelay $0x3  }
0x25f: {  	s0 =	simm.s32 $0x0;
	s31 =	simm.s32 $0x8200  }
0x260: {  	[tilespmem:s31], [sflag:$0x2] =	stream.indirect_vreg.gather [hbm4b:s1+s0], $0x80, v4, vm0, $0xb8;
	[tilespmem:$0x18200] =	vst v63  }
0x261: {  	v3 =	vperm.xlane v3, v2;
	s31 =	simm.s32 $0x8A00  }
0x262: {  	[tilespmem:s31], [sflag:$0x2] =	stream.indirect_vreg.gather [hbm4b:s5+s0], $0x80, v4, vm0, $0xb8;
	[tilespmem:$0x18200] =	vst v63  }
0x263: {  	v3 =	vadd.s32 v1, v3;
	s31 =	simm.s32 $0x9200  }
0x264: {  	[tilespmem:s31], [sflag:$0x2] =	stream.indirect_vreg.gather [hbm4b:s7+s0], $0x80, v4, vm0, $0xb8;
	[tilespmem:$0x18200] =	vst v63  }
0x265: {  	s31 =	simm.s32 $0x9A00  }
0x266: {  	[tilespmem:s31], [sflag:$0x2] =	stream.indirect_vreg.gather [hbm4b:s8+s0], $0x80, v4, vm0, $0xb8;
	[tilespmem:$0x18200] =	vst v63  }
0x267: {  	s31 =	simm.s32 $0xA200  }
0x268: {  	[tilespmem:s31], [sflag:$0x2] =	stream.indirect_vreg.gather [hbm4b:s1+s0], $0x80, v3, vm0, $0xb8;
	[tilespmem:$0x18200] =	vst v63  }
0x269: {  	s31 =	simm.s32 $0xAA00  }
0x26a: {  	[tilespmem:s31], [sflag:$0x2] =	stream.indirect_vreg.gather [hbm4b:s5+s0], $0x80, v3, vm0, $0xb8;
	[tilespmem:$0x18200] =	vst v63  }
0x26b: {  	s31 =	simm.s32 $0xB200  }
0x26c: {  	[tilespmem:s31], [sflag:$0x2] =	stream.indirect_vreg.gather [hbm4b:s7+s0], $0x80, v3, vm0, $0xb8;
	[tilespmem:$0x18200] =	vst v63  }
0x26d: {  	s31 =	simm.s32 $0xBA00  }
0x26e: {  	[tilespmem:s31], [sflag:$0x2] =	stream.indirect_vreg.gather [hbm4b:s8+s0], $0x80, v3, vm0, $0xb8;
	[tilespmem:$0x18200] =	vst v63  }
0x26f: {  	v3 =	vld [tilespmem:$0xF0];
	_ =	sdelay $0x4  }
0x270: {  	v63 =	vshll.u32 v3, $0x3  }
0x271: {  	v3 =	vand.u32 $0x7, v3;
	v4 =	vand.u32 $0xFFFFFFC0, v63  }
0x272: {  	v3 =	vor.u32 v3, v4  }
0x273: {  	v4 =	vperm.xlane v3, v0;
	_ =	sdelay $0x1  }
0x274: {  	v4 =	vadd.s32 v1, v4;
	_ =	sdelay $0x3  }
0x275: {  	s31 =	simm.s32 $0xC200  }
0x276: {  	[tilespmem:s31], [sflag:$0x2] =	stream.indirect_vreg.gather [hbm4b:s1+s0], $0x80, v4, vm0, $0xb8;
	[tilespmem:$0x18200] =	vst v63  }
0x277: {  	v3 =	vperm.xlane v3, v2;
	s31 =	simm.s32 $0xCA00  }
0x278: {  	[tilespmem:s31], [sflag:$0x2] =	stream.indirect_vreg.gather [hbm4b:s5+s0], $0x80, v4, vm0, $0xb8;
	[tilespmem:$0x18200] =	vst v63  }
0x279: {  	v3 =	vadd.s32 v1, v3;
	s31 =	simm.s32 $0xD200  }
0x27a: {  	[tilespmem:s31], [sflag:$0x2] =	stream.indirect_vreg.gather [hbm4b:s7+s0], $0x80, v4, vm0, $0xb8;
	[tilespmem:$0x18200] =	vst v63  }
0x27b: {  	s31 =	simm.s32 $0xDA00  }
0x27c: {  	[tilespmem:s31], [sflag:$0x2] =	stream.indirect_vreg.gather [hbm4b:s8+s0], $0x80, v4, vm0, $0xb8;
	[tilespmem:$0x18200] =	vst v63  }
0x27d: {  	s31 =	simm.s32 $0xE200  }
0x27e: {  	[tilespmem:s31], [sflag:$0x2] =	stream.indirect_vreg.gather [hbm4b:s1+s0], $0x80, v3, vm0, $0xb8;
	[tilespmem:$0x18200] =	vst v63  }
0x27f: {  	s31 =	simm.s32 $0xEA00  }
0x280: {  	[tilespmem:s31], [sflag:$0x2] =	stream.indirect_vreg.gather [hbm4b:s5+s0], $0x80, v3, vm0, $0xb8;
	[tilespmem:$0x18200] =	vst v63  }
0x281: {  	s31 =	simm.s32 $0xF200  }
0x282: {  	[tilespmem:s31], [sflag:$0x2] =	stream.indirect_vreg.gather [hbm4b:s7+s0], $0x80, v3, vm0, $0xb8;
	[tilespmem:$0x18200] =	vst v63  }
0x283: {  	s2 =	simm.s32 $0x3;
	s31 =	simm.s32 $0xFA00  }
0x284: {  	[tilespmem:s31], [sflag:$0x2] =	stream.indirect_vreg.gather [hbm4b:s8+s0], $0x80, v3, vm0, $0xb8;
	[tilespmem:$0x18200] =	vst v63  }
0x285: {  	_ =	swait.ge [sflag:s2], $0x8000  }
0x286: {  	[sflag:s2] =	ssyncset.done $0x0  }
0x287: {  	s31 =	simm.s32 $0x10200;
	[sflag:s2] =	ssyncadd.s32 $0xFFFF8000  }
0x288: {  	[hbm4b:s13+s26] =	stream.strided.scatter [tilespmem:s31], [sflag:$0x6], $0x400, s24, s26, $0x38;
	[tilespmem:$0x18200] =	vst v63  }
0x289: {  	s2 =	simm.s32 $0x10600;
	s31 =	sadd.s32 $0x40, s13  }
0x28a: {  	[hbm4b:s31+s26] =	stream.strided.scatter [tilespmem:s2], [sflag:$0x6], $0x400, s24, s26, $0x38;
	[tilespmem:$0x18200] =	vst v63  }
0x28b: {  	s2 =	simm.s32 $0x10A00;
	s31 =	sadd.s32 $0x80, s13  }
0x28c: {  	[hbm4b:s31+s26] =	stream.strided.scatter [tilespmem:s2], [sflag:$0x6], $0x400, s24, s26, $0x38;
	[tilespmem:$0x18200] =	vst v63  }
0x28d: {  	s2 =	simm.s32 $0x10E00;
	s31 =	sadd.s32 $0xC0, s13  }
0x28e: {  	[hbm4b:s31+s26] =	stream.strided.scatter [tilespmem:s2], [sflag:$0x6], $0x400, s24, s26, $0x38;
	[tilespmem:$0x18200] =	vst v63  }
0x28f: {  	s2 =	simm.s32 $0x11200;
	s31 =	sadd.s32 $0x100, s13  }
0x290: {  	[hbm4b:s31+s26] =	stream.strided.scatter [tilespmem:s2], [sflag:$0x6], $0x400, s24, s26, $0x38;
	[tilespmem:$0x18200] =	vst v63  }
0x291: {  	s30 =	sadd.s32 $0x1C0, s13;
	s2 =	simm.s32 $0x11600;
	s31 =	sadd.s32 $0x140, s13  }
0x292: {  	[hbm4b:s31+s26] =	stream.strided.scatter [tilespmem:s2], [sflag:$0x6], $0x400, s24, s26, $0x38;
	[tilespmem:$0x18200] =	vst v63  }
0x293: {  	s28 =	simm.s32 $0x10000;
	s2 =	simm.s32 $0x11A00;
	s31 =	sadd.s32 $0x180, s13  }
0x294: {  	[hbm4b:s31+s26] =	stream.strided.scatter [tilespmem:s2], [sflag:$0x6], $0x400, s24, s26, $0x38;
	[tilespmem:$0x18200] =	vst v63  }
0x295: {  	s29 =	simm.s32 $0x11E00;
	s0 =	simm.s32 $0x2000;
	s2 =	sadd.s32 $0x400, s13  }
.LBB2_12:
0x296: {  	[hbm4b:s30+s26] =	stream.strided.scatter [tilespmem:s29], [sflag:$0x6], $0x400, s24, s26, $0x38;
	[tilespmem:$0x18200] =	vst v63  }
0x297: {  	s29 =	smov.u32 s0;
	s0 =	smov.u32 s28  }
0x298: {  	s31 =	sadd.s32 $0x8000, s28;
	s0 =	sshra.s32 s0, $0x2;
	s30 =	sadd.s32 $0x10200, s29  }
0x299: {  	[hbm4b:s2+s26] =	stream.strided.scatter [tilespmem:s30], [sflag:$0x6], $0x400, s24, s26, $0x38;
	[tilespmem:$0x18200] =	vst v63  }
0x29a: {  	p0 =	sne.s32 s28, $0x18000;
	s28 =	sadd.s32 $0x10600, s29;
	s30 =	sadd.s32 $0x40, s2  }
0x29b: {  	[hbm4b:s30+s26] =	stream.strided.scatter [tilespmem:s28], [sflag:$0x6], $0x400, s24, s26, $0x38;
	[tilespmem:$0x18200] =	vst v63  }
0x29c: {  	s28 =	sadd.s32 $0x10A00, s29;
	s30 =	sadd.s32 $0x80, s2  }
0x29d: {  	[hbm4b:s30+s26] =	stream.strided.scatter [tilespmem:s28], [sflag:$0x6], $0x400, s24, s26, $0x38;
	[tilespmem:$0x18200] =	vst v63  }
0x29e: {  	s28 =	sadd.s32 $0x10E00, s29;
	s30 =	sadd.s32 $0xC0, s2  }
0x29f: {  	[hbm4b:s30+s26] =	stream.strided.scatter [tilespmem:s28], [sflag:$0x6], $0x400, s24, s26, $0x38;
	[tilespmem:$0x18200] =	vst v63  }
0x2a0: {  	s28 =	sadd.s32 $0x11200, s29;
	s30 =	sadd.s32 $0x100, s2  }
0x2a1: {  	[hbm4b:s30+s26] =	stream.strided.scatter [tilespmem:s28], [sflag:$0x6], $0x400, s24, s26, $0x38;
	[tilespmem:$0x18200] =	vst v63  }
.Ltmp5:
0x2a2: {  	s28 =	sadd.s32 $0x11600, s29;
	s30 =	sadd.s32 $0x140, s2;
	(pc) =	sbr.rel @p0 .LBB2_12-.Ltmp5, $4  }
0x2a3: {  	[hbm4b:s30+s26] =	stream.strided.scatter [tilespmem:s28], [sflag:$0x6], $0x400, s24, s26, $0x38;
	[tilespmem:$0x18200] =	vst v63  }
0x2a4: {  	s28 =	sadd.s32 $0x11A00, s29;
	s30 =	sadd.s32 $0x180, s2;
	s29 =	sadd.s32 $0x11E00, s29  }
0x2a5: {  	[hbm4b:s30+s26] =	stream.strided.scatter [tilespmem:s28], [sflag:$0x6], $0x400, s24, s26, $0x38;
	[tilespmem:$0x18200] =	vst v63  }
0x2a6: {  	s30 =	sadd.s32 $0x1C0, s2;
	s2 =	sadd.s32 $0x400, s2;
	s28 =	smov.u32 s31  }
0x2a7: {  	[hbm4b:s30+s26] =	stream.strided.scatter [tilespmem:s29], [sflag:$0x6], $0x400, s24, s26, $0x38;
	[tilespmem:$0x18200] =	vst v63  }
0x2a8: {  	s28 =	sadd.s32 $0x10200, s0  }
0x2a9: {  	[hbm4b:s2+s26] =	stream.strided.scatter [tilespmem:s28], [sflag:$0x6], $0x400, s24, s26, $0x38;
	[tilespmem:$0x18200] =	vst v63  }
0x2aa: {  	s29 =	sadd.s32 $0x40, s2;
	s28 =	sadd.s32 $0x10600, s0  }
0x2ab: {  	[hbm4b:s29+s26] =	stream.strided.scatter [tilespmem:s28], [sflag:$0x6], $0x400, s24, s26, $0x38;
	[tilespmem:$0x18200] =	vst v63  }
0x2ac: {  	s28 =	sadd.s32 $0x10A00, s0;
	s29 =	sadd.s32 $0x80, s2  }
0x2ad: {  	[hbm4b:s29+s26] =	stream.strided.scatter [tilespmem:s28], [sflag:$0x6], $0x400, s24, s26, $0x38;
	[tilespmem:$0x18200] =	vst v63  }
0x2ae: {  	s28 =	sadd.s32 $0x10E00, s0;
	s29 =	sadd.s32 $0xC0, s2  }
0x2af: {  	[hbm4b:s29+s26] =	stream.strided.scatter [tilespmem:s28], [sflag:$0x6], $0x400, s24, s26, $0x38;
	[tilespmem:$0x18200] =	vst v63  }
0x2b0: {  	s28 =	sadd.s32 $0x11200, s0;
	s29 =	sadd.s32 $0x100, s2  }
0x2b1: {  	[hbm4b:s29+s26] =	stream.strided.scatter [tilespmem:s28], [sflag:$0x6], $0x400, s24, s26, $0x38;
	[tilespmem:$0x18200] =	vst v63  }
0x2b2: {  	s28 =	sadd.s32 $0x11600, s0;
	s29 =	sadd.s32 $0x140, s2  }
0x2b3: {  	[hbm4b:s29+s26] =	stream.strided.scatter [tilespmem:s28], [sflag:$0x6], $0x400, s24, s26, $0x38;
	[tilespmem:$0x18200] =	vst v63  }
0x2b4: {  	s28 =	sadd.s32 $0x11A00, s0;
	s29 =	sadd.s32 $0x180, s2  }
0x2b5: {  	[hbm4b:s29+s26] =	stream.strided.scatter [tilespmem:s28], [sflag:$0x6], $0x400, s24, s26, $0x38;
	[tilespmem:$0x18200] =	vst v63  }
0x2b6: {  	s31 =	sadd.s32 $0x1C0, s2;
	s0 =	sadd.s32 $0x11E00, s0;
	s2 =	simm.s32 $0x6  }
0x2b7: {  	[hbm4b:s31+s26] =	stream.strided.scatter [tilespmem:s0], [sflag:$0x6], $0x400, s24, s26, $0x38;
	[tilespmem:$0x18200] =	vst v63  }
0x2b8: {  	_ =	swait.ge [sflag:s2], $0x8000  }
0x2b9: {  	[sflag:s2] =	ssyncset.done $0x0  }
0x2ba: {  	[sflag:s2] =	ssyncadd.s32 $0xFFFF8000  }
0x2bb: {  	v3 =	vld [tilespmem:$0x100];
	_ =	sdelay $0x4  }
0x2bc: {  	v4 =	vshll.u32 v3, $0x3  }
0x2bd: {  	v3 =	vand.u32 $0x7, v3;
	v4 =	vand.u32 $0xFFFFFFC0, v4  }
0x2be: {  	v3 =	vor.u32 v3, v4  }
0x2bf: {  	v4 =	vperm.xlane v3, v0;
	_ =	sdelay $0x1  }
0x2c0: {  	v4 =	vadd.s32 v1, v4;
	_ =	sdelay $0x3  }
0x2c1: {  	s0 =	simm.s32 $0x0;
	s31 =	simm.s32 $0x10200  }
0x2c2: {  	[tilespmem:s31], [sflag:$0x3] =	stream.indirect_vreg.gather [hbm4b:s1+s0], $0x80, v4, vm0, $0xb8;
	[tilespmem:$0x18200] =	vst v63  }
0x2c3: {  	v3 =	vperm.xlane v3, v2;
	s31 =	simm.s32 $0x10A00  }
0x2c4: {  	[tilespmem:s31], [sflag:$0x3] =	stream.indirect_vreg.gather [hbm4b:s5+s0], $0x80, v4, vm0, $0xb8;
	[tilespmem:$0x18200] =	vst v63  }
0x2c5: {  	v3 =	vadd.s32 v1, v3;
	s31 =	simm.s32 $0x11200  }
0x2c6: {  	[tilespmem:s31], [sflag:$0x3] =	stream.indirect_vreg.gather [hbm4b:s7+s0], $0x80, v4, vm0, $0xb8;
	[tilespmem:$0x18200] =	vst v63  }
0x2c7: {  	s31 =	simm.s32 $0x11A00  }
0x2c8: {  	[tilespmem:s31], [sflag:$0x3] =	stream.indirect_vreg.gather [hbm4b:s8+s0], $0x80, v4, vm0, $0xb8;
	[tilespmem:$0x18200] =	vst v63  }
0x2c9: {  	s31 =	simm.s32 $0x12200  }
0x2ca: {  	[tilespmem:s31], [sflag:$0x3] =	stream.indirect_vreg.gather [hbm4b:s1+s0], $0x80, v3, vm0, $0xb8;
	[tilespmem:$0x18200] =	vst v63  }
0x2cb: {  	s31 =	simm.s32 $0x12A00  }
0x2cc: {  	[tilespmem:s31], [sflag:$0x3] =	stream.indirect_vreg.gather [hbm4b:s5+s0], $0x80, v3, vm0, $0xb8;
	[tilespmem:$0x18200] =	vst v63  }
0x2cd: {  	s31 =	simm.s32 $0x13200  }
0x2ce: {  	[tilespmem:s31], [sflag:$0x3] =	stream.indirect_vreg.gather [hbm4b:s7+s0], $0x80, v3, vm0, $0xb8;
	[tilespmem:$0x18200] =	vst v63  }
0x2cf: {  	s31 =	simm.s32 $0x13A00  }
0x2d0: {  	[tilespmem:s31], [sflag:$0x3] =	stream.indirect_vreg.gather [hbm4b:s8+s0], $0x80, v3, vm0, $0xb8;
	[tilespmem:$0x18200] =	vst v63  }
0x2d1: {  	v3 =	vld [tilespmem:$0x110];
	_ =	sdelay $0x4  }
0x2d2: {  	v63 =	vshll.u32 v3, $0x3  }
0x2d3: {  	v3 =	vand.u32 $0x7, v3;
	v4 =	vand.u32 $0xFFFFFFC0, v63  }
0x2d4: {  	v3 =	vor.u32 v3, v4  }
0x2d5: {  	v4 =	vperm.xlane v3, v0;
	_ =	sdelay $0x1  }
0x2d6: {  	v4 =	vadd.s32 v1, v4;
	_ =	sdelay $0x3  }
0x2d7: {  	s31 =	simm.s32 $0x14200  }
0x2d8: {  	[tilespmem:s31], [sflag:$0x3] =	stream.indirect_vreg.gather [hbm4b:s1+s0], $0x80, v4, vm0, $0xb8;
	[tilespmem:$0x18200] =	vst v63  }
0x2d9: {  	v3 =	vperm.xlane v3, v2;
	s31 =	simm.s32 $0x14A00  }
0x2da: {  	[tilespmem:s31], [sflag:$0x3] =	stream.indirect_vreg.gather [hbm4b:s5+s0], $0x80, v4, vm0, $0xb8;
	[tilespmem:$0x18200] =	vst v63  }
0x2db: {  	v3 =	vadd.s32 v1, v3;
	s31 =	simm.s32 $0x15200  }
0x2dc: {  	[tilespmem:s31], [sflag:$0x3] =	stream.indirect_vreg.gather [hbm4b:s7+s0], $0x80, v4, vm0, $0xb8;
	[tilespmem:$0x18200] =	vst v63  }
0x2dd: {  	s31 =	simm.s32 $0x15A00  }
0x2de: {  	[tilespmem:s31], [sflag:$0x3] =	stream.indirect_vreg.gather [hbm4b:s8+s0], $0x80, v4, vm0, $0xb8;
	[tilespmem:$0x18200] =	vst v63  }
0x2df: {  	s31 =	simm.s32 $0x16200  }
0x2e0: {  	[tilespmem:s31], [sflag:$0x3] =	stream.indirect_vreg.gather [hbm4b:s1+s0], $0x80, v3, vm0, $0xb8;
	[tilespmem:$0x18200] =	vst v63  }
0x2e1: {  	s31 =	simm.s32 $0x16A00  }
0x2e2: {  	[tilespmem:s31], [sflag:$0x3] =	stream.indirect_vreg.gather [hbm4b:s5+s0], $0x80, v3, vm0, $0xb8;
	[tilespmem:$0x18200] =	vst v63  }
0x2e3: {  	s31 =	simm.s32 $0x17200  }
0x2e4: {  	[tilespmem:s31], [sflag:$0x3] =	stream.indirect_vreg.gather [hbm4b:s7+s0], $0x80, v3, vm0, $0xb8;
	[tilespmem:$0x18200] =	vst v63  }
0x2e5: {  	s31 =	simm.s32 $0x17A00  }
0x2e6: {  	[tilespmem:s31], [sflag:$0x3] =	stream.indirect_vreg.gather [hbm4b:s8+s0], $0x80, v3, vm0, $0xb8;
	[tilespmem:$0x18200] =	vst v63  }
0x2e7: {  	_ =	swait.ge [sflag:s4], $0x8000  }
0x2e8: {  	[sflag:s4] =	ssyncset.done $0x0  }
0x2e9: {  	s31 =	simm.s32 $0x200;
	[sflag:s4] =	ssyncadd.s32 $0xFFFF8000  }
0x2ea: {  	[hbm4b:s14+s26] =	stream.strided.scatter [tilespmem:s31], [sflag:$0x4], $0x400, s24, s26, $0x38;
	[tilespmem:$0x18200] =	vst v63  }
0x2eb: {  	s2 =	simm.s32 $0x600;
	s31 =	sadd.s32 $0x40, s14  }
0x2ec: {  	[hbm4b:s31+s26] =	stream.strided.scatter [tilespmem:s2], [sflag:$0x4], $0x400, s24, s26, $0x38;
	[tilespmem:$0x18200] =	vst v63  }
0x2ed: {  	s2 =	simm.s32 $0xA00;
	s31 =	sadd.s32 $0x80, s14  }
0x2ee: {  	[hbm4b:s31+s26] =	stream.strided.scatter [tilespmem:s2], [sflag:$0x4], $0x400, s24, s26, $0x38;
	[tilespmem:$0x18200] =	vst v63  }
0x2ef: {  	s2 =	simm.s32 $0xE00;
	s31 =	sadd.s32 $0xC0, s14  }
0x2f0: {  	[hbm4b:s31+s26] =	stream.strided.scatter [tilespmem:s2], [sflag:$0x4], $0x400, s24, s26, $0x38;
	[tilespmem:$0x18200] =	vst v63  }
0x2f1: {  	s2 =	simm.s32 $0x1200;
	s31 =	sadd.s32 $0x100, s14  }
0x2f2: {  	[hbm4b:s31+s26] =	stream.strided.scatter [tilespmem:s2], [sflag:$0x4], $0x400, s24, s26, $0x38;
	[tilespmem:$0x18200] =	vst v63  }
0x2f3: {  	s30 =	sadd.s32 $0x1C0, s14;
	s2 =	simm.s32 $0x1600;
	s31 =	sadd.s32 $0x140, s14  }
0x2f4: {  	[hbm4b:s31+s26] =	stream.strided.scatter [tilespmem:s2], [sflag:$0x4], $0x400, s24, s26, $0x38;
	[tilespmem:$0x18200] =	vst v63  }
0x2f5: {  	s28 =	simm.s32 $0x10000;
	s2 =	simm.s32 $0x1A00;
	s31 =	sadd.s32 $0x180, s14  }
0x2f6: {  	[hbm4b:s31+s26] =	stream.strided.scatter [tilespmem:s2], [sflag:$0x4], $0x400, s24, s26, $0x38;
	[tilespmem:$0x18200] =	vst v63  }
0x2f7: {  	s29 =	simm.s32 $0x1E00;
	s0 =	simm.s32 $0x2000;
	s2 =	sadd.s32 $0x400, s14  }
.LBB2_14:
0x2f8: {  	[hbm4b:s30+s26] =	stream.strided.scatter [tilespmem:s29], [sflag:$0x4], $0x400, s24, s26, $0x38;
	[tilespmem:$0x18200] =	vst v63  }
0x2f9: {  	s29 =	smov.u32 s0;
	s0 =	smov.u32 s28  }
0x2fa: {  	s31 =	sadd.s32 $0x8000, s28;
	s0 =	sshra.s32 s0, $0x2;
	s30 =	sadd.s32 $0x200, s29  }
0x2fb: {  	[hbm4b:s2+s26] =	stream.strided.scatter [tilespmem:s30], [sflag:$0x4], $0x400, s24, s26, $0x38;
	[tilespmem:$0x18200] =	vst v63  }
0x2fc: {  	p0 =	sne.s32 s28, $0x18000;
	s28 =	sadd.s32 $0x600, s29;
	s30 =	sadd.s32 $0x40, s2  }
0x2fd: {  	[hbm4b:s30+s26] =	stream.strided.scatter [tilespmem:s28], [sflag:$0x4], $0x400, s24, s26, $0x38;
	[tilespmem:$0x18200] =	vst v63  }
0x2fe: {  	s28 =	sadd.s32 $0xA00, s29;
	s30 =	sadd.s32 $0x80, s2  }
0x2ff: {  	[hbm4b:s30+s26] =	stream.strided.scatter [tilespmem:s28], [sflag:$0x4], $0x400, s24, s26, $0x38;
	[tilespmem:$0x18200] =	vst v63  }
0x300: {  	s28 =	sadd.s32 $0xE00, s29;
	s30 =	sadd.s32 $0xC0, s2  }
0x301: {  	[hbm4b:s30+s26] =	stream.strided.scatter [tilespmem:s28], [sflag:$0x4], $0x400, s24, s26, $0x38;
	[tilespmem:$0x18200] =	vst v63  }
0x302: {  	s28 =	sadd.s32 $0x1200, s29;
	s30 =	sadd.s32 $0x100, s2  }
0x303: {  	[hbm4b:s30+s26] =	stream.strided.scatter [tilespmem:s28], [sflag:$0x4], $0x400, s24, s26, $0x38;
	[tilespmem:$0x18200] =	vst v63  }
.Ltmp6:
0x304: {  	s28 =	sadd.s32 $0x1600, s29;
	s30 =	sadd.s32 $0x140, s2;
	(pc) =	sbr.rel @p0 .LBB2_14-.Ltmp6, $4  }
0x305: {  	[hbm4b:s30+s26] =	stream.strided.scatter [tilespmem:s28], [sflag:$0x4], $0x400, s24, s26, $0x38;
	[tilespmem:$0x18200] =	vst v63  }
0x306: {  	s28 =	sadd.s32 $0x1A00, s29;
	s30 =	sadd.s32 $0x180, s2;
	s29 =	sadd.s32 $0x1E00, s29  }
0x307: {  	[hbm4b:s30+s26] =	stream.strided.scatter [tilespmem:s28], [sflag:$0x4], $0x400, s24, s26, $0x38;
	[tilespmem:$0x18200] =	vst v63  }
0x308: {  	s30 =	sadd.s32 $0x1C0, s2;
	s2 =	sadd.s32 $0x400, s2;
	s28 =	smov.u32 s31  }
0x309: {  	[hbm4b:s30+s26] =	stream.strided.scatter [tilespmem:s29], [sflag:$0x4], $0x400, s24, s26, $0x38;
	[tilespmem:$0x18200] =	vst v63  }
0x30a: {  	s28 =	sadd.s32 $0x200, s0  }
0x30b: {  	[hbm4b:s2+s26] =	stream.strided.scatter [tilespmem:s28], [sflag:$0x4], $0x400, s24, s26, $0x38;
	[tilespmem:$0x18200] =	vst v63  }
0x30c: {  	s29 =	sadd.s32 $0x40, s2;
	s28 =	sadd.s32 $0x600, s0  }
0x30d: {  	[hbm4b:s29+s26] =	stream.strided.scatter [tilespmem:s28], [sflag:$0x4], $0x400, s24, s26, $0x38;
	[tilespmem:$0x18200] =	vst v63  }
0x30e: {  	s28 =	sadd.s32 $0xA00, s0;
	s29 =	sadd.s32 $0x80, s2  }
0x30f: {  	[hbm4b:s29+s26] =	stream.strided.scatter [tilespmem:s28], [sflag:$0x4], $0x400, s24, s26, $0x38;
	[tilespmem:$0x18200] =	vst v63  }
0x310: {  	s28 =	sadd.s32 $0xE00, s0;
	s29 =	sadd.s32 $0xC0, s2  }
0x311: {  	[hbm4b:s29+s26] =	stream.strided.scatter [tilespmem:s28], [sflag:$0x4], $0x400, s24, s26, $0x38;
	[tilespmem:$0x18200] =	vst v63  }
0x312: {  	s28 =	sadd.s32 $0x1200, s0;
	s29 =	sadd.s32 $0x100, s2  }
0x313: {  	[hbm4b:s29+s26] =	stream.strided.scatter [tilespmem:s28], [sflag:$0x4], $0x400, s24, s26, $0x38;
	[tilespmem:$0x18200] =	vst v63  }
0x314: {  	s28 =	sadd.s32 $0x1600, s0;
	s29 =	sadd.s32 $0x140, s2  }
0x315: {  	[hbm4b:s29+s26] =	stream.strided.scatter [tilespmem:s28], [sflag:$0x4], $0x400, s24, s26, $0x38;
	[tilespmem:$0x18200] =	vst v63  }
0x316: {  	s28 =	sadd.s32 $0x1A00, s0;
	s29 =	sadd.s32 $0x180, s2  }
0x317: {  	[hbm4b:s29+s26] =	stream.strided.scatter [tilespmem:s28], [sflag:$0x4], $0x400, s24, s26, $0x38;
	[tilespmem:$0x18200] =	vst v63  }
0x318: {  	s31 =	sadd.s32 $0x1C0, s2;
	s0 =	sadd.s32 $0x1E00, s0  }
0x319: {  	[hbm4b:s31+s26] =	stream.strided.scatter [tilespmem:s0], [sflag:$0x4], $0x400, s24, s26, $0x38;
	[tilespmem:$0x18200] =	vst v63  }
0x31a: {  	_ =	swait.ge [sflag:s25], $0x8000  }
0x31b: {  	[sflag:s25] =	ssyncset.done $0x0  }
0x31c: {  	[sflag:s25] =	ssyncadd.s32 $0xFFFF8000  }
0x31d: {  	v3 =	vld [tilespmem:$0x120];
	_ =	sdelay $0x4  }
0x31e: {  	v4 =	vshll.u32 v3, $0x3  }
0x31f: {  	v3 =	vand.u32 $0x7, v3;
	v4 =	vand.u32 $0xFFFFFFC0, v4  }
0x320: {  	v3 =	vor.u32 v3, v4  }
0x321: {  	v4 =	vperm.xlane v3, v0;
	_ =	sdelay $0x1  }
0x322: {  	v4 =	vadd.s32 v1, v4;
	_ =	sdelay $0x3  }
0x323: {  	s0 =	simm.s32 $0x0  }
0x324: {  	[tilespmem:s26], [sflag:$0x1] =	stream.indirect_vreg.gather [hbm4b:s1+s0], $0x80, v4, vm0, $0xb8;
	[tilespmem:$0x18200] =	vst v63  }
0x325: {  	s31 =	simm.s32 $0xA00;
	v3 =	vperm.xlane v3, v2  }
0x326: {  	[tilespmem:s31], [sflag:$0x1] =	stream.indirect_vreg.gather [hbm4b:s5+s0], $0x80, v4, vm0, $0xb8;
	[tilespmem:$0x18200] =	vst v63  }
0x327: {  	v3 =	vadd.s32 v1, v3;
	s31 =	simm.s32 $0x1200  }
0x328: {  	[tilespmem:s31], [sflag:$0x1] =	stream.indirect_vreg.gather [hbm4b:s7+s0], $0x80, v4, vm0, $0xb8;
	[tilespmem:$0x18200] =	vst v63  }
0x329: {  	s31 =	simm.s32 $0x1A00  }
0x32a: {  	[tilespmem:s31], [sflag:$0x1] =	stream.indirect_vreg.gather [hbm4b:s8+s0], $0x80, v4, vm0, $0xb8;
	[tilespmem:$0x18200] =	vst v63  }
0x32b: {  	s31 =	simm.s32 $0x2200  }
0x32c: {  	[tilespmem:s31], [sflag:$0x1] =	stream.indirect_vreg.gather [hbm4b:s1+s0], $0x80, v3, vm0, $0xb8;
	[tilespmem:$0x18200] =	vst v63  }
0x32d: {  	s31 =	simm.s32 $0x2A00  }
0x32e: {  	[tilespmem:s31], [sflag:$0x1] =	stream.indirect_vreg.gather [hbm4b:s5+s0], $0x80, v3, vm0, $0xb8;
	[tilespmem:$0x18200] =	vst v63  }
0x32f: {  	s31 =	simm.s32 $0x3200  }
0x330: {  	[tilespmem:s31], [sflag:$0x1] =	stream.indirect_vreg.gather [hbm4b:s7+s0], $0x80, v3, vm0, $0xb8;
	[tilespmem:$0x18200] =	vst v63  }
0x331: {  	s31 =	simm.s32 $0x3A00  }
0x332: {  	[tilespmem:s31], [sflag:$0x1] =	stream.indirect_vreg.gather [hbm4b:s8+s0], $0x80, v3, vm0, $0xb8;
	[tilespmem:$0x18200] =	vst v63  }
0x333: {  	v3 =	vld [tilespmem:$0x130];
	_ =	sdelay $0x4  }
0x334: {  	v63 =	vshll.u32 v3, $0x3  }
0x335: {  	v3 =	vand.u32 $0x7, v3;
	v4 =	vand.u32 $0xFFFFFFC0, v63  }
0x336: {  	v3 =	vor.u32 v3, v4  }
0x337: {  	v4 =	vperm.xlane v3, v0;
	_ =	sdelay $0x1  }
0x338: {  	v4 =	vadd.s32 v1, v4;
	_ =	sdelay $0x3  }
0x339: {  	s31 =	simm.s32 $0x4200  }
0x33a: {  	[tilespmem:s31], [sflag:$0x1] =	stream.indirect_vreg.gather [hbm4b:s1+s0], $0x80, v4, vm0, $0xb8;
	[tilespmem:$0x18200] =	vst v63  }
0x33b: {  	v3 =	vperm.xlane v3, v2;
	s31 =	simm.s32 $0x4A00  }
0x33c: {  	[tilespmem:s31], [sflag:$0x1] =	stream.indirect_vreg.gather [hbm4b:s5+s0], $0x80, v4, vm0, $0xb8;
	[tilespmem:$0x18200] =	vst v63  }
0x33d: {  	v3 =	vadd.s32 v1, v3;
	s31 =	simm.s32 $0x5200  }
0x33e: {  	[tilespmem:s31], [sflag:$0x1] =	stream.indirect_vreg.gather [hbm4b:s7+s0], $0x80, v4, vm0, $0xb8;
	[tilespmem:$0x18200] =	vst v63  }
0x33f: {  	s31 =	simm.s32 $0x5A00  }
0x340: {  	[tilespmem:s31], [sflag:$0x1] =	stream.indirect_vreg.gather [hbm4b:s8+s0], $0x80, v4, vm0, $0xb8;
	[tilespmem:$0x18200] =	vst v63  }
0x341: {  	s31 =	simm.s32 $0x6200  }
0x342: {  	[tilespmem:s31], [sflag:$0x1] =	stream.indirect_vreg.gather [hbm4b:s1+s0], $0x80, v3, vm0, $0xb8;
	[tilespmem:$0x18200] =	vst v63  }
0x343: {  	s31 =	simm.s32 $0x6A00  }
0x344: {  	[tilespmem:s31], [sflag:$0x1] =	stream.indirect_vreg.gather [hbm4b:s5+s0], $0x80, v3, vm0, $0xb8;
	[tilespmem:$0x18200] =	vst v63  }
0x345: {  	s31 =	simm.s32 $0x7200  }
0x346: {  	[tilespmem:s31], [sflag:$0x1] =	stream.indirect_vreg.gather [hbm4b:s7+s0], $0x80, v3, vm0, $0xb8;
	[tilespmem:$0x18200] =	vst v63  }
0x347: {  	s2 =	simm.s32 $0x2;
	s31 =	simm.s32 $0x7A00  }
0x348: {  	[tilespmem:s31], [sflag:$0x1] =	stream.indirect_vreg.gather [hbm4b:s8+s0], $0x80, v3, vm0, $0xb8;
	[tilespmem:$0x18200] =	vst v63  }
0x349: {  	_ =	swait.ge [sflag:s2], $0x8000  }
0x34a: {  	[sflag:s2] =	ssyncset.done $0x0  }
0x34b: {  	s31 =	simm.s32 $0x8200;
	[sflag:s2] =	ssyncadd.s32 $0xFFFF8000  }
0x34c: {  	[hbm4b:s15+s26] =	stream.strided.scatter [tilespmem:s31], [sflag:$0x5], $0x400, s24, s26, $0x38;
	[tilespmem:$0x18200] =	vst v63  }
0x34d: {  	s2 =	simm.s32 $0x8600;
	s31 =	sadd.s32 $0x40, s15  }
0x34e: {  	[hbm4b:s31+s26] =	stream.strided.scatter [tilespmem:s2], [sflag:$0x5], $0x400, s24, s26, $0x38;
	[tilespmem:$0x18200] =	vst v63  }
0x34f: {  	s2 =	simm.s32 $0x8A00;
	s31 =	sadd.s32 $0x80, s15  }
0x350: {  	[hbm4b:s31+s26] =	stream.strided.scatter [tilespmem:s2], [sflag:$0x5], $0x400, s24, s26, $0x38;
	[tilespmem:$0x18200] =	vst v63  }
0x351: {  	s2 =	simm.s32 $0x8E00;
	s31 =	sadd.s32 $0xC0, s15  }
0x352: {  	[hbm4b:s31+s26] =	stream.strided.scatter [tilespmem:s2], [sflag:$0x5], $0x400, s24, s26, $0x38;
	[tilespmem:$0x18200] =	vst v63  }
0x353: {  	s2 =	simm.s32 $0x9200;
	s31 =	sadd.s32 $0x100, s15  }
0x354: {  	[hbm4b:s31+s26] =	stream.strided.scatter [tilespmem:s2], [sflag:$0x5], $0x400, s24, s26, $0x38;
	[tilespmem:$0x18200] =	vst v63  }
0x355: {  	s30 =	sadd.s32 $0x1C0, s15;
	s2 =	simm.s32 $0x9600;
	s31 =	sadd.s32 $0x140, s15  }
0x356: {  	[hbm4b:s31+s26] =	stream.strided.scatter [tilespmem:s2], [sflag:$0x5], $0x400, s24, s26, $0x38;
	[tilespmem:$0x18200] =	vst v63  }
0x357: {  	s28 =	simm.s32 $0x10000;
	s2 =	simm.s32 $0x9A00;
	s31 =	sadd.s32 $0x180, s15  }
0x358: {  	[hbm4b:s31+s26] =	stream.strided.scatter [tilespmem:s2], [sflag:$0x5], $0x400, s24, s26, $0x38;
	[tilespmem:$0x18200] =	vst v63  }
0x359: {  	s29 =	simm.s32 $0x9E00;
	s0 =	simm.s32 $0x2000;
	s2 =	sadd.s32 $0x400, s15  }
.LBB2_16:
0x35a: {  	[hbm4b:s30+s26] =	stream.strided.scatter [tilespmem:s29], [sflag:$0x5], $0x400, s24, s26, $0x38;
	[tilespmem:$0x18200] =	vst v63  }
0x35b: {  	s29 =	smov.u32 s0;
	s0 =	smov.u32 s28  }
0x35c: {  	s31 =	sadd.s32 $0x8000, s28;
	s0 =	sshra.s32 s0, $0x2;
	s30 =	sadd.s32 $0x8200, s29  }
0x35d: {  	[hbm4b:s2+s26] =	stream.strided.scatter [tilespmem:s30], [sflag:$0x5], $0x400, s24, s26, $0x38;
	[tilespmem:$0x18200] =	vst v63  }
0x35e: {  	p0 =	sne.s32 s28, $0x18000;
	s28 =	sadd.s32 $0x8600, s29;
	s30 =	sadd.s32 $0x40, s2  }
0x35f: {  	[hbm4b:s30+s26] =	stream.strided.scatter [tilespmem:s28], [sflag:$0x5], $0x400, s24, s26, $0x38;
	[tilespmem:$0x18200] =	vst v63  }
0x360: {  	s28 =	sadd.s32 $0x8A00, s29;
	s30 =	sadd.s32 $0x80, s2  }
0x361: {  	[hbm4b:s30+s26] =	stream.strided.scatter [tilespmem:s28], [sflag:$0x5], $0x400, s24, s26, $0x38;
	[tilespmem:$0x18200] =	vst v63  }
0x362: {  	s28 =	sadd.s32 $0x8E00, s29;
	s30 =	sadd.s32 $0xC0, s2  }
0x363: {  	[hbm4b:s30+s26] =	stream.strided.scatter [tilespmem:s28], [sflag:$0x5], $0x400, s24, s26, $0x38;
	[tilespmem:$0x18200] =	vst v63  }
0x364: {  	s28 =	sadd.s32 $0x9200, s29;
	s30 =	sadd.s32 $0x100, s2  }
0x365: {  	[hbm4b:s30+s26] =	stream.strided.scatter [tilespmem:s28], [sflag:$0x5], $0x400, s24, s26, $0x38;
	[tilespmem:$0x18200] =	vst v63  }
.Ltmp7:
0x366: {  	s28 =	sadd.s32 $0x9600, s29;
	s30 =	sadd.s32 $0x140, s2;
	(pc) =	sbr.rel @p0 .LBB2_16-.Ltmp7, $4  }
0x367: {  	[hbm4b:s30+s26] =	stream.strided.scatter [tilespmem:s28], [sflag:$0x5], $0x400, s24, s26, $0x38;
	[tilespmem:$0x18200] =	vst v63  }
0x368: {  	s28 =	sadd.s32 $0x9A00, s29;
	s30 =	sadd.s32 $0x180, s2;
	s29 =	sadd.s32 $0x9E00, s29  }
0x369: {  	[hbm4b:s30+s26] =	stream.strided.scatter [tilespmem:s28], [sflag:$0x5], $0x400, s24, s26, $0x38;
	[tilespmem:$0x18200] =	vst v63  }
0x36a: {  	s30 =	sadd.s32 $0x1C0, s2;
	s2 =	sadd.s32 $0x400, s2;
	s28 =	smov.u32 s31  }
0x36b: {  	[hbm4b:s30+s26] =	stream.strided.scatter [tilespmem:s29], [sflag:$0x5], $0x400, s24, s26, $0x38;
	[tilespmem:$0x18200] =	vst v63  }
0x36c: {  	s28 =	sadd.s32 $0x8200, s0  }
0x36d: {  	[hbm4b:s2+s26] =	stream.strided.scatter [tilespmem:s28], [sflag:$0x5], $0x400, s24, s26, $0x38;
	[tilespmem:$0x18200] =	vst v63  }
0x36e: {  	s29 =	sadd.s32 $0x40, s2;
	s28 =	sadd.s32 $0x8600, s0  }
0x36f: {  	[hbm4b:s29+s26] =	stream.strided.scatter [tilespmem:s28], [sflag:$0x5], $0x400, s24, s26, $0x38;
	[tilespmem:$0x18200] =	vst v63  }
0x370: {  	s28 =	sadd.s32 $0x8A00, s0;
	s29 =	sadd.s32 $0x80, s2  }
0x371: {  	[hbm4b:s29+s26] =	stream.strided.scatter [tilespmem:s28], [sflag:$0x5], $0x400, s24, s26, $0x38;
	[tilespmem:$0x18200] =	vst v63  }
0x372: {  	s28 =	sadd.s32 $0x8E00, s0;
	s29 =	sadd.s32 $0xC0, s2  }
0x373: {  	[hbm4b:s29+s26] =	stream.strided.scatter [tilespmem:s28], [sflag:$0x5], $0x400, s24, s26, $0x38;
	[tilespmem:$0x18200] =	vst v63  }
0x374: {  	s28 =	sadd.s32 $0x9200, s0;
	s29 =	sadd.s32 $0x100, s2  }
0x375: {  	[hbm4b:s29+s26] =	stream.strided.scatter [tilespmem:s28], [sflag:$0x5], $0x400, s24, s26, $0x38;
	[tilespmem:$0x18200] =	vst v63  }
0x376: {  	s28 =	sadd.s32 $0x9600, s0;
	s29 =	sadd.s32 $0x140, s2  }
0x377: {  	[hbm4b:s29+s26] =	stream.strided.scatter [tilespmem:s28], [sflag:$0x5], $0x400, s24, s26, $0x38;
	[tilespmem:$0x18200] =	vst v63  }
0x378: {  	s28 =	sadd.s32 $0x9A00, s0;
	s29 =	sadd.s32 $0x180, s2  }
0x379: {  	[hbm4b:s29+s26] =	stream.strided.scatter [tilespmem:s28], [sflag:$0x5], $0x400, s24, s26, $0x38;
	[tilespmem:$0x18200] =	vst v63  }
0x37a: {  	s31 =	sadd.s32 $0x1C0, s2;
	s0 =	sadd.s32 $0x9E00, s0;
	s2 =	simm.s32 $0x5  }
0x37b: {  	[hbm4b:s31+s26] =	stream.strided.scatter [tilespmem:s0], [sflag:$0x5], $0x400, s24, s26, $0x38;
	[tilespmem:$0x18200] =	vst v63  }
0x37c: {  	_ =	swait.ge [sflag:s2], $0x8000  }
0x37d: {  	[sflag:s2] =	ssyncset.done $0x0  }
0x37e: {  	[sflag:s2] =	ssyncadd.s32 $0xFFFF8000  }
0x37f: {  	v3 =	vld [tilespmem:$0x140];
	_ =	sdelay $0x4  }
0x380: {  	v4 =	vshll.u32 v3, $0x3  }
0x381: {  	v3 =	vand.u32 $0x7, v3;
	v4 =	vand.u32 $0xFFFFFFC0, v4  }
0x382: {  	v3 =	vor.u32 v3, v4  }
0x383: {  	v4 =	vperm.xlane v3, v0;
	_ =	sdelay $0x1  }
0x384: {  	v4 =	vadd.s32 v1, v4;
	_ =	sdelay $0x3  }
0x385: {  	s0 =	simm.s32 $0x0;
	s31 =	simm.s32 $0x8200  }
0x386: {  	[tilespmem:s31], [sflag:$0x2] =	stream.indirect_vreg.gather [hbm4b:s1+s0], $0x80, v4, vm0, $0xb8;
	[tilespmem:$0x18200] =	vst v63  }
0x387: {  	v3 =	vperm.xlane v3, v2;
	s31 =	simm.s32 $0x8A00  }
0x388: {  	[tilespmem:s31], [sflag:$0x2] =	stream.indirect_vreg.gather [hbm4b:s5+s0], $0x80, v4, vm0, $0xb8;
	[tilespmem:$0x18200] =	vst v63  }
0x389: {  	v3 =	vadd.s32 v1, v3;
	s31 =	simm.s32 $0x9200  }
0x38a: {  	[tilespmem:s31], [sflag:$0x2] =	stream.indirect_vreg.gather [hbm4b:s7+s0], $0x80, v4, vm0, $0xb8;
	[tilespmem:$0x18200] =	vst v63  }
0x38b: {  	s31 =	simm.s32 $0x9A00  }
0x38c: {  	[tilespmem:s31], [sflag:$0x2] =	stream.indirect_vreg.gather [hbm4b:s8+s0], $0x80, v4, vm0, $0xb8;
	[tilespmem:$0x18200] =	vst v63  }
0x38d: {  	s31 =	simm.s32 $0xA200  }
0x38e: {  	[tilespmem:s31], [sflag:$0x2] =	stream.indirect_vreg.gather [hbm4b:s1+s0], $0x80, v3, vm0, $0xb8;
	[tilespmem:$0x18200] =	vst v63  }
0x38f: {  	s31 =	simm.s32 $0xAA00  }
0x390: {  	[tilespmem:s31], [sflag:$0x2] =	stream.indirect_vreg.gather [hbm4b:s5+s0], $0x80, v3, vm0, $0xb8;
	[tilespmem:$0x18200] =	vst v63  }
0x391: {  	s31 =	simm.s32 $0xB200  }
0x392: {  	[tilespmem:s31], [sflag:$0x2] =	stream.indirect_vreg.gather [hbm4b:s7+s0], $0x80, v3, vm0, $0xb8;
	[tilespmem:$0x18200] =	vst v63  }
0x393: {  	s31 =	simm.s32 $0xBA00  }
0x394: {  	[tilespmem:s31], [sflag:$0x2] =	stream.indirect_vreg.gather [hbm4b:s8+s0], $0x80, v3, vm0, $0xb8;
	[tilespmem:$0x18200] =	vst v63  }
0x395: {  	v3 =	vld [tilespmem:$0x150];
	_ =	sdelay $0x4  }
0x396: {  	v63 =	vshll.u32 v3, $0x3  }
0x397: {  	v3 =	vand.u32 $0x7, v3;
	v4 =	vand.u32 $0xFFFFFFC0, v63  }
0x398: {  	v3 =	vor.u32 v3, v4  }
0x399: {  	v4 =	vperm.xlane v3, v0;
	_ =	sdelay $0x1  }
0x39a: {  	v4 =	vadd.s32 v1, v4;
	_ =	sdelay $0x3  }
0x39b: {  	s31 =	simm.s32 $0xC200  }
0x39c: {  	[tilespmem:s31], [sflag:$0x2] =	stream.indirect_vreg.gather [hbm4b:s1+s0], $0x80, v4, vm0, $0xb8;
	[tilespmem:$0x18200] =	vst v63  }
0x39d: {  	v3 =	vperm.xlane v3, v2;
	s31 =	simm.s32 $0xCA00  }
0x39e: {  	[tilespmem:s31], [sflag:$0x2] =	stream.indirect_vreg.gather [hbm4b:s5+s0], $0x80, v4, vm0, $0xb8;
	[tilespmem:$0x18200] =	vst v63  }
0x39f: {  	v3 =	vadd.s32 v1, v3;
	s31 =	simm.s32 $0xD200  }
0x3a0: {  	[tilespmem:s31], [sflag:$0x2] =	stream.indirect_vreg.gather [hbm4b:s7+s0], $0x80, v4, vm0, $0xb8;
	[tilespmem:$0x18200] =	vst v63  }
0x3a1: {  	s31 =	simm.s32 $0xDA00  }
0x3a2: {  	[tilespmem:s31], [sflag:$0x2] =	stream.indirect_vreg.gather [hbm4b:s8+s0], $0x80, v4, vm0, $0xb8;
	[tilespmem:$0x18200] =	vst v63  }
0x3a3: {  	s31 =	simm.s32 $0xE200  }
0x3a4: {  	[tilespmem:s31], [sflag:$0x2] =	stream.indirect_vreg.gather [hbm4b:s1+s0], $0x80, v3, vm0, $0xb8;
	[tilespmem:$0x18200] =	vst v63  }
0x3a5: {  	s31 =	simm.s32 $0xEA00  }
0x3a6: {  	[tilespmem:s31], [sflag:$0x2] =	stream.indirect_vreg.gather [hbm4b:s5+s0], $0x80, v3, vm0, $0xb8;
	[tilespmem:$0x18200] =	vst v63  }
0x3a7: {  	s31 =	simm.s32 $0xF200  }
0x3a8: {  	[tilespmem:s31], [sflag:$0x2] =	stream.indirect_vreg.gather [hbm4b:s7+s0], $0x80, v3, vm0, $0xb8;
	[tilespmem:$0x18200] =	vst v63  }
0x3a9: {  	s2 =	simm.s32 $0x3;
	s31 =	simm.s32 $0xFA00  }
0x3aa: {  	[tilespmem:s31], [sflag:$0x2] =	stream.indirect_vreg.gather [hbm4b:s8+s0], $0x80, v3, vm0, $0xb8;
	[tilespmem:$0x18200] =	vst v63  }
0x3ab: {  	_ =	swait.ge [sflag:s2], $0x8000  }
0x3ac: {  	[sflag:s2] =	ssyncset.done $0x0  }
0x3ad: {  	s31 =	simm.s32 $0x10200;
	[sflag:s2] =	ssyncadd.s32 $0xFFFF8000  }
0x3ae: {  	[hbm4b:s16+s26] =	stream.strided.scatter [tilespmem:s31], [sflag:$0x6], $0x400, s24, s26, $0x38;
	[tilespmem:$0x18200] =	vst v63  }
0x3af: {  	s2 =	simm.s32 $0x10600;
	s31 =	sadd.s32 $0x40, s16  }
0x3b0: {  	[hbm4b:s31+s26] =	stream.strided.scatter [tilespmem:s2], [sflag:$0x6], $0x400, s24, s26, $0x38;
	[tilespmem:$0x18200] =	vst v63  }
0x3b1: {  	s2 =	simm.s32 $0x10A00;
	s31 =	sadd.s32 $0x80, s16  }
0x3b2: {  	[hbm4b:s31+s26] =	stream.strided.scatter [tilespmem:s2], [sflag:$0x6], $0x400, s24, s26, $0x38;
	[tilespmem:$0x18200] =	vst v63  }
0x3b3: {  	s2 =	simm.s32 $0x10E00;
	s31 =	sadd.s32 $0xC0, s16  }
0x3b4: {  	[hbm4b:s31+s26] =	stream.strided.scatter [tilespmem:s2], [sflag:$0x6], $0x400, s24, s26, $0x38;
	[tilespmem:$0x18200] =	vst v63  }
0x3b5: {  	s2 =	simm.s32 $0x11200;
	s31 =	sadd.s32 $0x100, s16  }
0x3b6: {  	[hbm4b:s31+s26] =	stream.strided.scatter [tilespmem:s2], [sflag:$0x6], $0x400, s24, s26, $0x38;
	[tilespmem:$0x18200] =	vst v63  }
0x3b7: {  	s30 =	sadd.s32 $0x1C0, s16;
	s2 =	simm.s32 $0x11600;
	s31 =	sadd.s32 $0x140, s16  }
0x3b8: {  	[hbm4b:s31+s26] =	stream.strided.scatter [tilespmem:s2], [sflag:$0x6], $0x400, s24, s26, $0x38;
	[tilespmem:$0x18200] =	vst v63  }
0x3b9: {  	s28 =	simm.s32 $0x10000;
	s2 =	simm.s32 $0x11A00;
	s31 =	sadd.s32 $0x180, s16  }
0x3ba: {  	[hbm4b:s31+s26] =	stream.strided.scatter [tilespmem:s2], [sflag:$0x6], $0x400, s24, s26, $0x38;
	[tilespmem:$0x18200] =	vst v63  }
0x3bb: {  	s29 =	simm.s32 $0x11E00;
	s0 =	simm.s32 $0x2000;
	s2 =	sadd.s32 $0x400, s16  }
.LBB2_18:
0x3bc: {  	[hbm4b:s30+s26] =	stream.strided.scatter [tilespmem:s29], [sflag:$0x6], $0x400, s24, s26, $0x38;
	[tilespmem:$0x18200] =	vst v63  }
0x3bd: {  	s29 =	smov.u32 s0;
	s0 =	smov.u32 s28  }
0x3be: {  	s31 =	sadd.s32 $0x8000, s28;
	s0 =	sshra.s32 s0, $0x2;
	s30 =	sadd.s32 $0x10200, s29  }
0x3bf: {  	[hbm4b:s2+s26] =	stream.strided.scatter [tilespmem:s30], [sflag:$0x6], $0x400, s24, s26, $0x38;
	[tilespmem:$0x18200] =	vst v63  }
0x3c0: {  	p0 =	sne.s32 s28, $0x18000;
	s28 =	sadd.s32 $0x10600, s29;
	s30 =	sadd.s32 $0x40, s2  }
0x3c1: {  	[hbm4b:s30+s26] =	stream.strided.scatter [tilespmem:s28], [sflag:$0x6], $0x400, s24, s26, $0x38;
	[tilespmem:$0x18200] =	vst v63  }
0x3c2: {  	s28 =	sadd.s32 $0x10A00, s29;
	s30 =	sadd.s32 $0x80, s2  }
0x3c3: {  	[hbm4b:s30+s26] =	stream.strided.scatter [tilespmem:s28], [sflag:$0x6], $0x400, s24, s26, $0x38;
	[tilespmem:$0x18200] =	vst v63  }
0x3c4: {  	s28 =	sadd.s32 $0x10E00, s29;
	s30 =	sadd.s32 $0xC0, s2  }
0x3c5: {  	[hbm4b:s30+s26] =	stream.strided.scatter [tilespmem:s28], [sflag:$0x6], $0x400, s24, s26, $0x38;
	[tilespmem:$0x18200] =	vst v63  }
0x3c6: {  	s28 =	sadd.s32 $0x11200, s29;
	s30 =	sadd.s32 $0x100, s2  }
0x3c7: {  	[hbm4b:s30+s26] =	stream.strided.scatter [tilespmem:s28], [sflag:$0x6], $0x400, s24, s26, $0x38;
	[tilespmem:$0x18200] =	vst v63  }
.Ltmp8:
0x3c8: {  	s28 =	sadd.s32 $0x11600, s29;
	s30 =	sadd.s32 $0x140, s2;
	(pc) =	sbr.rel @p0 .LBB2_18-.Ltmp8, $4  }
0x3c9: {  	[hbm4b:s30+s26] =	stream.strided.scatter [tilespmem:s28], [sflag:$0x6], $0x400, s24, s26, $0x38;
	[tilespmem:$0x18200] =	vst v63  }
0x3ca: {  	s28 =	sadd.s32 $0x11A00, s29;
	s30 =	sadd.s32 $0x180, s2;
	s29 =	sadd.s32 $0x11E00, s29  }
0x3cb: {  	[hbm4b:s30+s26] =	stream.strided.scatter [tilespmem:s28], [sflag:$0x6], $0x400, s24, s26, $0x38;
	[tilespmem:$0x18200] =	vst v63  }
0x3cc: {  	s30 =	sadd.s32 $0x1C0, s2;
	s2 =	sadd.s32 $0x400, s2;
	s28 =	smov.u32 s31  }
0x3cd: {  	[hbm4b:s30+s26] =	stream.strided.scatter [tilespmem:s29], [sflag:$0x6], $0x400, s24, s26, $0x38;
	[tilespmem:$0x18200] =	vst v63  }
0x3ce: {  	s28 =	sadd.s32 $0x10200, s0  }
0x3cf: {  	[hbm4b:s2+s26] =	stream.strided.scatter [tilespmem:s28], [sflag:$0x6], $0x400, s24, s26, $0x38;
	[tilespmem:$0x18200] =	vst v63  }
0x3d0: {  	s29 =	sadd.s32 $0x40, s2;
	s28 =	sadd.s32 $0x10600, s0  }
0x3d1: {  	[hbm4b:s29+s26] =	stream.strided.scatter [tilespmem:s28], [sflag:$0x6], $0x400, s24, s26, $0x38;
	[tilespmem:$0x18200] =	vst v63  }
0x3d2: {  	s28 =	sadd.s32 $0x10A00, s0;
	s29 =	sadd.s32 $0x80, s2  }
0x3d3: {  	[hbm4b:s29+s26] =	stream.strided.scatter [tilespmem:s28], [sflag:$0x6], $0x400, s24, s26, $0x38;
	[tilespmem:$0x18200] =	vst v63  }
0x3d4: {  	s28 =	sadd.s32 $0x10E00, s0;
	s29 =	sadd.s32 $0xC0, s2  }
0x3d5: {  	[hbm4b:s29+s26] =	stream.strided.scatter [tilespmem:s28], [sflag:$0x6], $0x400, s24, s26, $0x38;
	[tilespmem:$0x18200] =	vst v63  }
0x3d6: {  	s28 =	sadd.s32 $0x11200, s0;
	s29 =	sadd.s32 $0x100, s2  }
0x3d7: {  	[hbm4b:s29+s26] =	stream.strided.scatter [tilespmem:s28], [sflag:$0x6], $0x400, s24, s26, $0x38;
	[tilespmem:$0x18200] =	vst v63  }
0x3d8: {  	s28 =	sadd.s32 $0x11600, s0;
	s29 =	sadd.s32 $0x140, s2  }
0x3d9: {  	[hbm4b:s29+s26] =	stream.strided.scatter [tilespmem:s28], [sflag:$0x6], $0x400, s24, s26, $0x38;
	[tilespmem:$0x18200] =	vst v63  }
0x3da: {  	s28 =	sadd.s32 $0x11A00, s0;
	s29 =	sadd.s32 $0x180, s2  }
0x3db: {  	[hbm4b:s29+s26] =	stream.strided.scatter [tilespmem:s28], [sflag:$0x6], $0x400, s24, s26, $0x38;
	[tilespmem:$0x18200] =	vst v63  }
0x3dc: {  	s31 =	sadd.s32 $0x1C0, s2;
	s0 =	sadd.s32 $0x11E00, s0;
	s2 =	simm.s32 $0x6  }
0x3dd: {  	[hbm4b:s31+s26] =	stream.strided.scatter [tilespmem:s0], [sflag:$0x6], $0x400, s24, s26, $0x38;
	[tilespmem:$0x18200] =	vst v63  }
0x3de: {  	_ =	swait.ge [sflag:s2], $0x8000  }
0x3df: {  	[sflag:s2] =	ssyncset.done $0x0  }
0x3e0: {  	[sflag:s2] =	ssyncadd.s32 $0xFFFF8000  }
0x3e1: {  	v3 =	vld [tilespmem:$0x160];
	_ =	sdelay $0x4  }
0x3e2: {  	v4 =	vshll.u32 v3, $0x3  }
0x3e3: {  	v3 =	vand.u32 $0x7, v3;
	v4 =	vand.u32 $0xFFFFFFC0, v4  }
0x3e4: {  	v3 =	vor.u32 v3, v4  }
0x3e5: {  	v4 =	vperm.xlane v3, v0;
	_ =	sdelay $0x1  }
0x3e6: {  	v4 =	vadd.s32 v1, v4;
	_ =	sdelay $0x3  }
0x3e7: {  	s0 =	simm.s32 $0x0;
	s31 =	simm.s32 $0x10200  }
0x3e8: {  	[tilespmem:s31], [sflag:$0x3] =	stream.indirect_vreg.gather [hbm4b:s1+s0], $0x80, v4, vm0, $0xb8;
	[tilespmem:$0x18200] =	vst v63  }
0x3e9: {  	v3 =	vperm.xlane v3, v2;
	s31 =	simm.s32 $0x10A00  }
0x3ea: {  	[tilespmem:s31], [sflag:$0x3] =	stream.indirect_vreg.gather [hbm4b:s5+s0], $0x80, v4, vm0, $0xb8;
	[tilespmem:$0x18200] =	vst v63  }
0x3eb: {  	v3 =	vadd.s32 v1, v3;
	s31 =	simm.s32 $0x11200  }
0x3ec: {  	[tilespmem:s31], [sflag:$0x3] =	stream.indirect_vreg.gather [hbm4b:s7+s0], $0x80, v4, vm0, $0xb8;
	[tilespmem:$0x18200] =	vst v63  }
0x3ed: {  	s31 =	simm.s32 $0x11A00  }
0x3ee: {  	[tilespmem:s31], [sflag:$0x3] =	stream.indirect_vreg.gather [hbm4b:s8+s0], $0x80, v4, vm0, $0xb8;
	[tilespmem:$0x18200] =	vst v63  }
0x3ef: {  	s31 =	simm.s32 $0x12200  }
0x3f0: {  	[tilespmem:s31], [sflag:$0x3] =	stream.indirect_vreg.gather [hbm4b:s1+s0], $0x80, v3, vm0, $0xb8;
	[tilespmem:$0x18200] =	vst v63  }
0x3f1: {  	s31 =	simm.s32 $0x12A00  }
0x3f2: {  	[tilespmem:s31], [sflag:$0x3] =	stream.indirect_vreg.gather [hbm4b:s5+s0], $0x80, v3, vm0, $0xb8;
	[tilespmem:$0x18200] =	vst v63  }
0x3f3: {  	s31 =	simm.s32 $0x13200  }
0x3f4: {  	[tilespmem:s31], [sflag:$0x3] =	stream.indirect_vreg.gather [hbm4b:s7+s0], $0x80, v3, vm0, $0xb8;
	[tilespmem:$0x18200] =	vst v63  }
0x3f5: {  	s31 =	simm.s32 $0x13A00  }
0x3f6: {  	[tilespmem:s31], [sflag:$0x3] =	stream.indirect_vreg.gather [hbm4b:s8+s0], $0x80, v3, vm0, $0xb8;
	[tilespmem:$0x18200] =	vst v63  }
0x3f7: {  	v3 =	vld [tilespmem:$0x170];
	_ =	sdelay $0x4  }
0x3f8: {  	v63 =	vshll.u32 v3, $0x3  }
0x3f9: {  	v3 =	vand.u32 $0x7, v3;
	v4 =	vand.u32 $0xFFFFFFC0, v63  }
0x3fa: {  	v3 =	vor.u32 v3, v4  }
0x3fb: {  	v4 =	vperm.xlane v3, v0;
	_ =	sdelay $0x1  }
0x3fc: {  	v4 =	vadd.s32 v1, v4;
	_ =	sdelay $0x3  }
0x3fd: {  	s31 =	simm.s32 $0x14200  }
0x3fe: {  	[tilespmem:s31], [sflag:$0x3] =	stream.indirect_vreg.gather [hbm4b:s1+s0], $0x80, v4, vm0, $0xb8;
	[tilespmem:$0x18200] =	vst v63  }
0x3ff: {  	v3 =	vperm.xlane v3, v2;
	s31 =	simm.s32 $0x14A00  }
0x400: {  	[tilespmem:s31], [sflag:$0x3] =	stream.indirect_vreg.gather [hbm4b:s5+s0], $0x80, v4, vm0, $0xb8;
	[tilespmem:$0x18200] =	vst v63  }
0x401: {  	v3 =	vadd.s32 v1, v3;
	s31 =	simm.s32 $0x15200  }
0x402: {  	[tilespmem:s31], [sflag:$0x3] =	stream.indirect_vreg.gather [hbm4b:s7+s0], $0x80, v4, vm0, $0xb8;
	[tilespmem:$0x18200] =	vst v63  }
0x403: {  	s31 =	simm.s32 $0x15A00  }
0x404: {  	[tilespmem:s31], [sflag:$0x3] =	stream.indirect_vreg.gather [hbm4b:s8+s0], $0x80, v4, vm0, $0xb8;
	[tilespmem:$0x18200] =	vst v63  }
0x405: {  	s31 =	simm.s32 $0x16200  }
0x406: {  	[tilespmem:s31], [sflag:$0x3] =	stream.indirect_vreg.gather [hbm4b:s1+s0], $0x80, v3, vm0, $0xb8;
	[tilespmem:$0x18200] =	vst v63  }
0x407: {  	s31 =	simm.s32 $0x16A00  }
0x408: {  	[tilespmem:s31], [sflag:$0x3] =	stream.indirect_vreg.gather [hbm4b:s5+s0], $0x80, v3, vm0, $0xb8;
	[tilespmem:$0x18200] =	vst v63  }
0x409: {  	s31 =	simm.s32 $0x17200  }
0x40a: {  	[tilespmem:s31], [sflag:$0x3] =	stream.indirect_vreg.gather [hbm4b:s7+s0], $0x80, v3, vm0, $0xb8;
	[tilespmem:$0x18200] =	vst v63  }
0x40b: {  	s31 =	simm.s32 $0x17A00  }
0x40c: {  	[tilespmem:s31], [sflag:$0x3] =	stream.indirect_vreg.gather [hbm4b:s8+s0], $0x80, v3, vm0, $0xb8;
	[tilespmem:$0x18200] =	vst v63  }
0x40d: {  	_ =	swait.ge [sflag:s4], $0x8000  }
0x40e: {  	[sflag:s4] =	ssyncset.done $0x0  }
0x40f: {  	s31 =	simm.s32 $0x200;
	[sflag:s4] =	ssyncadd.s32 $0xFFFF8000  }
0x410: {  	[hbm4b:s17+s26] =	stream.strided.scatter [tilespmem:s31], [sflag:$0x4], $0x400, s24, s26, $0x38;
	[tilespmem:$0x18200] =	vst v63  }
0x411: {  	s2 =	simm.s32 $0x600;
	s31 =	sadd.s32 $0x40, s17  }
0x412: {  	[hbm4b:s31+s26] =	stream.strided.scatter [tilespmem:s2], [sflag:$0x4], $0x400, s24, s26, $0x38;
	[tilespmem:$0x18200] =	vst v63  }
0x413: {  	s2 =	simm.s32 $0xA00;
	s31 =	sadd.s32 $0x80, s17  }
0x414: {  	[hbm4b:s31+s26] =	stream.strided.scatter [tilespmem:s2], [sflag:$0x4], $0x400, s24, s26, $0x38;
	[tilespmem:$0x18200] =	vst v63  }
0x415: {  	s2 =	simm.s32 $0xE00;
	s31 =	sadd.s32 $0xC0, s17  }
0x416: {  	[hbm4b:s31+s26] =	stream.strided.scatter [tilespmem:s2], [sflag:$0x4], $0x400, s24, s26, $0x38;
	[tilespmem:$0x18200] =	vst v63  }
0x417: {  	s2 =	simm.s32 $0x1200;
	s31 =	sadd.s32 $0x100, s17  }
0x418: {  	[hbm4b:s31+s26] =	stream.strided.scatter [tilespmem:s2], [sflag:$0x4], $0x400, s24, s26, $0x38;
	[tilespmem:$0x18200] =	vst v63  }
0x419: {  	s30 =	sadd.s32 $0x1C0, s17;
	s2 =	simm.s32 $0x1600;
	s31 =	sadd.s32 $0x140, s17  }
0x41a: {  	[hbm4b:s31+s26] =	stream.strided.scatter [tilespmem:s2], [sflag:$0x4], $0x400, s24, s26, $0x38;
	[tilespmem:$0x18200] =	vst v63  }
0x41b: {  	s28 =	simm.s32 $0x10000;
	s2 =	simm.s32 $0x1A00;
	s31 =	sadd.s32 $0x180, s17  }
0x41c: {  	[hbm4b:s31+s26] =	stream.strided.scatter [tilespmem:s2], [sflag:$0x4], $0x400, s24, s26, $0x38;
	[tilespmem:$0x18200] =	vst v63  }
0x41d: {  	s29 =	simm.s32 $0x1E00;
	s0 =	simm.s32 $0x2000;
	s2 =	sadd.s32 $0x400, s17  }
.LBB2_20:
0x41e: {  	[hbm4b:s30+s26] =	stream.strided.scatter [tilespmem:s29], [sflag:$0x4], $0x400, s24, s26, $0x38;
	[tilespmem:$0x18200] =	vst v63  }
0x41f: {  	s29 =	smov.u32 s0;
	s0 =	smov.u32 s28  }
0x420: {  	s31 =	sadd.s32 $0x8000, s28;
	s0 =	sshra.s32 s0, $0x2;
	s30 =	sadd.s32 $0x200, s29  }
0x421: {  	[hbm4b:s2+s26] =	stream.strided.scatter [tilespmem:s30], [sflag:$0x4], $0x400, s24, s26, $0x38;
	[tilespmem:$0x18200] =	vst v63  }
0x422: {  	p0 =	sne.s32 s28, $0x18000;
	s28 =	sadd.s32 $0x600, s29;
	s30 =	sadd.s32 $0x40, s2  }
0x423: {  	[hbm4b:s30+s26] =	stream.strided.scatter [tilespmem:s28], [sflag:$0x4], $0x400, s24, s26, $0x38;
	[tilespmem:$0x18200] =	vst v63  }
0x424: {  	s28 =	sadd.s32 $0xA00, s29;
	s30 =	sadd.s32 $0x80, s2  }
0x425: {  	[hbm4b:s30+s26] =	stream.strided.scatter [tilespmem:s28], [sflag:$0x4], $0x400, s24, s26, $0x38;
	[tilespmem:$0x18200] =	vst v63  }
0x426: {  	s28 =	sadd.s32 $0xE00, s29;
	s30 =	sadd.s32 $0xC0, s2  }
0x427: {  	[hbm4b:s30+s26] =	stream.strided.scatter [tilespmem:s28], [sflag:$0x4], $0x400, s24, s26, $0x38;
	[tilespmem:$0x18200] =	vst v63  }
0x428: {  	s28 =	sadd.s32 $0x1200, s29;
	s30 =	sadd.s32 $0x100, s2  }
0x429: {  	[hbm4b:s30+s26] =	stream.strided.scatter [tilespmem:s28], [sflag:$0x4], $0x400, s24, s26, $0x38;
	[tilespmem:$0x18200] =	vst v63  }
.Ltmp9:
0x42a: {  	s28 =	sadd.s32 $0x1600, s29;
	s30 =	sadd.s32 $0x140, s2;
	(pc) =	sbr.rel @p0 .LBB2_20-.Ltmp9, $4  }
0x42b: {  	[hbm4b:s30+s26] =	stream.strided.scatter [tilespmem:s28], [sflag:$0x4], $0x400, s24, s26, $0x38;
	[tilespmem:$0x18200] =	vst v63  }
0x42c: {  	s28 =	sadd.s32 $0x1A00, s29;
	s30 =	sadd.s32 $0x180, s2;
	s29 =	sadd.s32 $0x1E00, s29  }
0x42d: {  	[hbm4b:s30+s26] =	stream.strided.scatter [tilespmem:s28], [sflag:$0x4], $0x400, s24, s26, $0x38;
	[tilespmem:$0x18200] =	vst v63  }
0x42e: {  	s30 =	sadd.s32 $0x1C0, s2;
	s2 =	sadd.s32 $0x400, s2;
	s28 =	smov.u32 s31  }
0x42f: {  	[hbm4b:s30+s26] =	stream.strided.scatter [tilespmem:s29], [sflag:$0x4], $0x400, s24, s26, $0x38;
	[tilespmem:$0x18200] =	vst v63  }
0x430: {  	s28 =	sadd.s32 $0x200, s0  }
0x431: {  	[hbm4b:s2+s26] =	stream.strided.scatter [tilespmem:s28], [sflag:$0x4], $0x400, s24, s26, $0x38;
	[tilespmem:$0x18200] =	vst v63  }
0x432: {  	s29 =	sadd.s32 $0x40, s2;
	s28 =	sadd.s32 $0x600, s0  }
0x433: {  	[hbm4b:s29+s26] =	stream.strided.scatter [tilespmem:s28], [sflag:$0x4], $0x400, s24, s26, $0x38;
	[tilespmem:$0x18200] =	vst v63  }
0x434: {  	s28 =	sadd.s32 $0xA00, s0;
	s29 =	sadd.s32 $0x80, s2  }
0x435: {  	[hbm4b:s29+s26] =	stream.strided.scatter [tilespmem:s28], [sflag:$0x4], $0x400, s24, s26, $0x38;
	[tilespmem:$0x18200] =	vst v63  }
0x436: {  	s28 =	sadd.s32 $0xE00, s0;
	s29 =	sadd.s32 $0xC0, s2  }
0x437: {  	[hbm4b:s29+s26] =	stream.strided.scatter [tilespmem:s28], [sflag:$0x4], $0x400, s24, s26, $0x38;
	[tilespmem:$0x18200] =	vst v63  }
0x438: {  	s28 =	sadd.s32 $0x1200, s0;
	s29 =	sadd.s32 $0x100, s2  }
0x439: {  	[hbm4b:s29+s26] =	stream.strided.scatter [tilespmem:s28], [sflag:$0x4], $0x400, s24, s26, $0x38;
	[tilespmem:$0x18200] =	vst v63  }
0x43a: {  	s28 =	sadd.s32 $0x1600, s0;
	s29 =	sadd.s32 $0x140, s2  }
0x43b: {  	[hbm4b:s29+s26] =	stream.strided.scatter [tilespmem:s28], [sflag:$0x4], $0x400, s24, s26, $0x38;
	[tilespmem:$0x18200] =	vst v63  }
0x43c: {  	s28 =	sadd.s32 $0x1A00, s0;
	s29 =	sadd.s32 $0x180, s2  }
0x43d: {  	[hbm4b:s29+s26] =	stream.strided.scatter [tilespmem:s28], [sflag:$0x4], $0x400, s24, s26, $0x38;
	[tilespmem:$0x18200] =	vst v63  }
0x43e: {  	s31 =	sadd.s32 $0x1C0, s2;
	s0 =	sadd.s32 $0x1E00, s0  }
0x43f: {  	[hbm4b:s31+s26] =	stream.strided.scatter [tilespmem:s0], [sflag:$0x4], $0x400, s24, s26, $0x38;
	[tilespmem:$0x18200] =	vst v63  }
0x440: {  	_ =	swait.ge [sflag:s25], $0x8000  }
0x441: {  	[sflag:s25] =	ssyncset.done $0x0  }
0x442: {  	[sflag:s25] =	ssyncadd.s32 $0xFFFF8000  }
0x443: {  	v3 =	vld [tilespmem:$0x180];
	_ =	sdelay $0x4  }
0x444: {  	v4 =	vshll.u32 v3, $0x3  }
0x445: {  	v3 =	vand.u32 $0x7, v3;
	v4 =	vand.u32 $0xFFFFFFC0, v4  }
0x446: {  	v3 =	vor.u32 v3, v4  }
0x447: {  	v4 =	vperm.xlane v3, v0;
	_ =	sdelay $0x1  }
0x448: {  	v4 =	vadd.s32 v1, v4;
	_ =	sdelay $0x3  }
0x449: {  	s0 =	simm.s32 $0x0  }
0x44a: {  	[tilespmem:s26], [sflag:$0x1] =	stream.indirect_vreg.gather [hbm4b:s1+s0], $0x80, v4, vm0, $0xb8;
	[tilespmem:$0x18200] =	vst v63  }
0x44b: {  	s31 =	simm.s32 $0xA00;
	v3 =	vperm.xlane v3, v2  }
0x44c: {  	[tilespmem:s31], [sflag:$0x1] =	stream.indirect_vreg.gather [hbm4b:s5+s0], $0x80, v4, vm0, $0xb8;
	[tilespmem:$0x18200] =	vst v63  }
0x44d: {  	v3 =	vadd.s32 v1, v3;
	s31 =	simm.s32 $0x1200  }
0x44e: {  	[tilespmem:s31], [sflag:$0x1] =	stream.indirect_vreg.gather [hbm4b:s7+s0], $0x80, v4, vm0, $0xb8;
	[tilespmem:$0x18200] =	vst v63  }
0x44f: {  	s31 =	simm.s32 $0x1A00  }
0x450: {  	[tilespmem:s31], [sflag:$0x1] =	stream.indirect_vreg.gather [hbm4b:s8+s0], $0x80, v4, vm0, $0xb8;
	[tilespmem:$0x18200] =	vst v63  }
0x451: {  	s31 =	simm.s32 $0x2200  }
0x452: {  	[tilespmem:s31], [sflag:$0x1] =	stream.indirect_vreg.gather [hbm4b:s1+s0], $0x80, v3, vm0, $0xb8;
	[tilespmem:$0x18200] =	vst v63  }
0x453: {  	s31 =	simm.s32 $0x2A00  }
0x454: {  	[tilespmem:s31], [sflag:$0x1] =	stream.indirect_vreg.gather [hbm4b:s5+s0], $0x80, v3, vm0, $0xb8;
	[tilespmem:$0x18200] =	vst v63  }
0x455: {  	s31 =	simm.s32 $0x3200  }
0x456: {  	[tilespmem:s31], [sflag:$0x1] =	stream.indirect_vreg.gather [hbm4b:s7+s0], $0x80, v3, vm0, $0xb8;
	[tilespmem:$0x18200] =	vst v63  }
0x457: {  	s31 =	simm.s32 $0x3A00  }
0x458: {  	[tilespmem:s31], [sflag:$0x1] =	stream.indirect_vreg.gather [hbm4b:s8+s0], $0x80, v3, vm0, $0xb8;
	[tilespmem:$0x18200] =	vst v63  }
0x459: {  	v3 =	vld [tilespmem:$0x190];
	_ =	sdelay $0x4  }
0x45a: {  	v63 =	vshll.u32 v3, $0x3  }
0x45b: {  	v3 =	vand.u32 $0x7, v3;
	v4 =	vand.u32 $0xFFFFFFC0, v63  }
0x45c: {  	v3 =	vor.u32 v3, v4  }
0x45d: {  	v4 =	vperm.xlane v3, v0;
	_ =	sdelay $0x1  }
0x45e: {  	v4 =	vadd.s32 v1, v4;
	_ =	sdelay $0x3  }
0x45f: {  	s31 =	simm.s32 $0x4200  }
0x460: {  	[tilespmem:s31], [sflag:$0x1] =	stream.indirect_vreg.gather [hbm4b:s1+s0], $0x80, v4, vm0, $0xb8;
	[tilespmem:$0x18200] =	vst v63  }
0x461: {  	v3 =	vperm.xlane v3, v2;
	s31 =	simm.s32 $0x4A00  }
0x462: {  	[tilespmem:s31], [sflag:$0x1] =	stream.indirect_vreg.gather [hbm4b:s5+s0], $0x80, v4, vm0, $0xb8;
	[tilespmem:$0x18200] =	vst v63  }
0x463: {  	v3 =	vadd.s32 v1, v3;
	s31 =	simm.s32 $0x5200  }
0x464: {  	[tilespmem:s31], [sflag:$0x1] =	stream.indirect_vreg.gather [hbm4b:s7+s0], $0x80, v4, vm0, $0xb8;
	[tilespmem:$0x18200] =	vst v63  }
0x465: {  	s31 =	simm.s32 $0x5A00  }
0x466: {  	[tilespmem:s31], [sflag:$0x1] =	stream.indirect_vreg.gather [hbm4b:s8+s0], $0x80, v4, vm0, $0xb8;
	[tilespmem:$0x18200] =	vst v63  }
0x467: {  	s31 =	simm.s32 $0x6200  }
0x468: {  	[tilespmem:s31], [sflag:$0x1] =	stream.indirect_vreg.gather [hbm4b:s1+s0], $0x80, v3, vm0, $0xb8;
	[tilespmem:$0x18200] =	vst v63  }
0x469: {  	s31 =	simm.s32 $0x6A00  }
0x46a: {  	[tilespmem:s31], [sflag:$0x1] =	stream.indirect_vreg.gather [hbm4b:s5+s0], $0x80, v3, vm0, $0xb8;
	[tilespmem:$0x18200] =	vst v63  }
0x46b: {  	s31 =	simm.s32 $0x7200  }
0x46c: {  	[tilespmem:s31], [sflag:$0x1] =	stream.indirect_vreg.gather [hbm4b:s7+s0], $0x80, v3, vm0, $0xb8;
	[tilespmem:$0x18200] =	vst v63  }
0x46d: {  	s2 =	simm.s32 $0x2;
	s31 =	simm.s32 $0x7A00  }
0x46e: {  	[tilespmem:s31], [sflag:$0x1] =	stream.indirect_vreg.gather [hbm4b:s8+s0], $0x80, v3, vm0, $0xb8;
	[tilespmem:$0x18200] =	vst v63  }
0x46f: {  	_ =	swait.ge [sflag:s2], $0x8000  }
0x470: {  	[sflag:s2] =	ssyncset.done $0x0  }
0x471: {  	s31 =	simm.s32 $0x8200;
	[sflag:s2] =	ssyncadd.s32 $0xFFFF8000  }
0x472: {  	[hbm4b:s18+s26] =	stream.strided.scatter [tilespmem:s31], [sflag:$0x5], $0x400, s24, s26, $0x38;
	[tilespmem:$0x18200] =	vst v63  }
0x473: {  	s2 =	simm.s32 $0x8600;
	s31 =	sadd.s32 $0x40, s18  }
0x474: {  	[hbm4b:s31+s26] =	stream.strided.scatter [tilespmem:s2], [sflag:$0x5], $0x400, s24, s26, $0x38;
	[tilespmem:$0x18200] =	vst v63  }
0x475: {  	s2 =	simm.s32 $0x8A00;
	s31 =	sadd.s32 $0x80, s18  }
0x476: {  	[hbm4b:s31+s26] =	stream.strided.scatter [tilespmem:s2], [sflag:$0x5], $0x400, s24, s26, $0x38;
	[tilespmem:$0x18200] =	vst v63  }
0x477: {  	s2 =	simm.s32 $0x8E00;
	s31 =	sadd.s32 $0xC0, s18  }
0x478: {  	[hbm4b:s31+s26] =	stream.strided.scatter [tilespmem:s2], [sflag:$0x5], $0x400, s24, s26, $0x38;
	[tilespmem:$0x18200] =	vst v63  }
0x479: {  	s2 =	simm.s32 $0x9200;
	s31 =	sadd.s32 $0x100, s18  }
0x47a: {  	[hbm4b:s31+s26] =	stream.strided.scatter [tilespmem:s2], [sflag:$0x5], $0x400, s24, s26, $0x38;
	[tilespmem:$0x18200] =	vst v63  }
0x47b: {  	s30 =	sadd.s32 $0x1C0, s18;
	s2 =	simm.s32 $0x9600;
	s31 =	sadd.s32 $0x140, s18  }
0x47c: {  	[hbm4b:s31+s26] =	stream.strided.scatter [tilespmem:s2], [sflag:$0x5], $0x400, s24, s26, $0x38;
	[tilespmem:$0x18200] =	vst v63  }
0x47d: {  	s28 =	simm.s32 $0x10000;
	s2 =	simm.s32 $0x9A00;
	s31 =	sadd.s32 $0x180, s18  }
0x47e: {  	[hbm4b:s31+s26] =	stream.strided.scatter [tilespmem:s2], [sflag:$0x5], $0x400, s24, s26, $0x38;
	[tilespmem:$0x18200] =	vst v63  }
0x47f: {  	s29 =	simm.s32 $0x9E00;
	s0 =	simm.s32 $0x2000;
	s2 =	sadd.s32 $0x400, s18  }
.LBB2_22:
0x480: {  	[hbm4b:s30+s26] =	stream.strided.scatter [tilespmem:s29], [sflag:$0x5], $0x400, s24, s26, $0x38;
	[tilespmem:$0x18200] =	vst v63  }
0x481: {  	s29 =	smov.u32 s0;
	s0 =	smov.u32 s28  }
0x482: {  	s31 =	sadd.s32 $0x8000, s28;
	s0 =	sshra.s32 s0, $0x2;
	s30 =	sadd.s32 $0x8200, s29  }
0x483: {  	[hbm4b:s2+s26] =	stream.strided.scatter [tilespmem:s30], [sflag:$0x5], $0x400, s24, s26, $0x38;
	[tilespmem:$0x18200] =	vst v63  }
0x484: {  	p0 =	sne.s32 s28, $0x18000;
	s28 =	sadd.s32 $0x8600, s29;
	s30 =	sadd.s32 $0x40, s2  }
0x485: {  	[hbm4b:s30+s26] =	stream.strided.scatter [tilespmem:s28], [sflag:$0x5], $0x400, s24, s26, $0x38;
	[tilespmem:$0x18200] =	vst v63  }
0x486: {  	s28 =	sadd.s32 $0x8A00, s29;
	s30 =	sadd.s32 $0x80, s2  }
0x487: {  	[hbm4b:s30+s26] =	stream.strided.scatter [tilespmem:s28], [sflag:$0x5], $0x400, s24, s26, $0x38;
	[tilespmem:$0x18200] =	vst v63  }
0x488: {  	s28 =	sadd.s32 $0x8E00, s29;
	s30 =	sadd.s32 $0xC0, s2  }
0x489: {  	[hbm4b:s30+s26] =	stream.strided.scatter [tilespmem:s28], [sflag:$0x5], $0x400, s24, s26, $0x38;
	[tilespmem:$0x18200] =	vst v63  }
0x48a: {  	s28 =	sadd.s32 $0x9200, s29;
	s30 =	sadd.s32 $0x100, s2  }
0x48b: {  	[hbm4b:s30+s26] =	stream.strided.scatter [tilespmem:s28], [sflag:$0x5], $0x400, s24, s26, $0x38;
	[tilespmem:$0x18200] =	vst v63  }
.Ltmp10:
0x48c: {  	s28 =	sadd.s32 $0x9600, s29;
	s30 =	sadd.s32 $0x140, s2;
	(pc) =	sbr.rel @p0 .LBB2_22-.Ltmp10, $4  }
0x48d: {  	[hbm4b:s30+s26] =	stream.strided.scatter [tilespmem:s28], [sflag:$0x5], $0x400, s24, s26, $0x38;
	[tilespmem:$0x18200] =	vst v63  }
0x48e: {  	s28 =	sadd.s32 $0x9A00, s29;
	s30 =	sadd.s32 $0x180, s2;
	s29 =	sadd.s32 $0x9E00, s29  }
0x48f: {  	[hbm4b:s30+s26] =	stream.strided.scatter [tilespmem:s28], [sflag:$0x5], $0x400, s24, s26, $0x38;
	[tilespmem:$0x18200] =	vst v63  }
0x490: {  	s30 =	sadd.s32 $0x1C0, s2;
	s2 =	sadd.s32 $0x400, s2;
	s28 =	smov.u32 s31  }
0x491: {  	[hbm4b:s30+s26] =	stream.strided.scatter [tilespmem:s29], [sflag:$0x5], $0x400, s24, s26, $0x38;
	[tilespmem:$0x18200] =	vst v63  }
0x492: {  	s28 =	sadd.s32 $0x8200, s0  }
0x493: {  	[hbm4b:s2+s26] =	stream.strided.scatter [tilespmem:s28], [sflag:$0x5], $0x400, s24, s26, $0x38;
	[tilespmem:$0x18200] =	vst v63  }
0x494: {  	s29 =	sadd.s32 $0x40, s2;
	s28 =	sadd.s32 $0x8600, s0  }
0x495: {  	[hbm4b:s29+s26] =	stream.strided.scatter [tilespmem:s28], [sflag:$0x5], $0x400, s24, s26, $0x38;
	[tilespmem:$0x18200] =	vst v63  }
0x496: {  	s28 =	sadd.s32 $0x8A00, s0;
	s29 =	sadd.s32 $0x80, s2  }
0x497: {  	[hbm4b:s29+s26] =	stream.strided.scatter [tilespmem:s28], [sflag:$0x5], $0x400, s24, s26, $0x38;
	[tilespmem:$0x18200] =	vst v63  }
0x498: {  	s28 =	sadd.s32 $0x8E00, s0;
	s29 =	sadd.s32 $0xC0, s2  }
0x499: {  	[hbm4b:s29+s26] =	stream.strided.scatter [tilespmem:s28], [sflag:$0x5], $0x400, s24, s26, $0x38;
	[tilespmem:$0x18200] =	vst v63  }
0x49a: {  	s28 =	sadd.s32 $0x9200, s0;
	s29 =	sadd.s32 $0x100, s2  }
0x49b: {  	[hbm4b:s29+s26] =	stream.strided.scatter [tilespmem:s28], [sflag:$0x5], $0x400, s24, s26, $0x38;
	[tilespmem:$0x18200] =	vst v63  }
0x49c: {  	s28 =	sadd.s32 $0x9600, s0;
	s29 =	sadd.s32 $0x140, s2  }
0x49d: {  	[hbm4b:s29+s26] =	stream.strided.scatter [tilespmem:s28], [sflag:$0x5], $0x400, s24, s26, $0x38;
	[tilespmem:$0x18200] =	vst v63  }
0x49e: {  	s28 =	sadd.s32 $0x9A00, s0;
	s29 =	sadd.s32 $0x180, s2  }
0x49f: {  	[hbm4b:s29+s26] =	stream.strided.scatter [tilespmem:s28], [sflag:$0x5], $0x400, s24, s26, $0x38;
	[tilespmem:$0x18200] =	vst v63  }
0x4a0: {  	s31 =	sadd.s32 $0x1C0, s2;
	s0 =	sadd.s32 $0x9E00, s0;
	s2 =	simm.s32 $0x5  }
0x4a1: {  	[hbm4b:s31+s26] =	stream.strided.scatter [tilespmem:s0], [sflag:$0x5], $0x400, s24, s26, $0x38;
	[tilespmem:$0x18200] =	vst v63  }
0x4a2: {  	_ =	swait.ge [sflag:s2], $0x8000  }
0x4a3: {  	[sflag:s2] =	ssyncset.done $0x0  }
0x4a4: {  	[sflag:s2] =	ssyncadd.s32 $0xFFFF8000  }
0x4a5: {  	v3 =	vld [tilespmem:$0x1A0];
	_ =	sdelay $0x4  }
0x4a6: {  	v4 =	vshll.u32 v3, $0x3  }
0x4a7: {  	v3 =	vand.u32 $0x7, v3;
	v4 =	vand.u32 $0xFFFFFFC0, v4  }
0x4a8: {  	v3 =	vor.u32 v3, v4  }
0x4a9: {  	v4 =	vperm.xlane v3, v0;
	_ =	sdelay $0x1  }
0x4aa: {  	v4 =	vadd.s32 v1, v4;
	_ =	sdelay $0x3  }
0x4ab: {  	s0 =	simm.s32 $0x0;
	s31 =	simm.s32 $0x8200  }
0x4ac: {  	[tilespmem:s31], [sflag:$0x2] =	stream.indirect_vreg.gather [hbm4b:s1+s0], $0x80, v4, vm0, $0xb8;
	[tilespmem:$0x18200] =	vst v63  }
0x4ad: {  	v3 =	vperm.xlane v3, v2;
	s31 =	simm.s32 $0x8A00  }
0x4ae: {  	[tilespmem:s31], [sflag:$0x2] =	stream.indirect_vreg.gather [hbm4b:s5+s0], $0x80, v4, vm0, $0xb8;
	[tilespmem:$0x18200] =	vst v63  }
0x4af: {  	v3 =	vadd.s32 v1, v3;
	s31 =	simm.s32 $0x9200  }
0x4b0: {  	[tilespmem:s31], [sflag:$0x2] =	stream.indirect_vreg.gather [hbm4b:s7+s0], $0x80, v4, vm0, $0xb8;
	[tilespmem:$0x18200] =	vst v63  }
0x4b1: {  	s31 =	simm.s32 $0x9A00  }
0x4b2: {  	[tilespmem:s31], [sflag:$0x2] =	stream.indirect_vreg.gather [hbm4b:s8+s0], $0x80, v4, vm0, $0xb8;
	[tilespmem:$0x18200] =	vst v63  }
0x4b3: {  	s31 =	simm.s32 $0xA200  }
0x4b4: {  	[tilespmem:s31], [sflag:$0x2] =	stream.indirect_vreg.gather [hbm4b:s1+s0], $0x80, v3, vm0, $0xb8;
	[tilespmem:$0x18200] =	vst v63  }
0x4b5: {  	s31 =	simm.s32 $0xAA00  }
0x4b6: {  	[tilespmem:s31], [sflag:$0x2] =	stream.indirect_vreg.gather [hbm4b:s5+s0], $0x80, v3, vm0, $0xb8;
	[tilespmem:$0x18200] =	vst v63  }
0x4b7: {  	s31 =	simm.s32 $0xB200  }
0x4b8: {  	[tilespmem:s31], [sflag:$0x2] =	stream.indirect_vreg.gather [hbm4b:s7+s0], $0x80, v3, vm0, $0xb8;
	[tilespmem:$0x18200] =	vst v63  }
0x4b9: {  	s31 =	simm.s32 $0xBA00  }
0x4ba: {  	[tilespmem:s31], [sflag:$0x2] =	stream.indirect_vreg.gather [hbm4b:s8+s0], $0x80, v3, vm0, $0xb8;
	[tilespmem:$0x18200] =	vst v63  }
0x4bb: {  	v3 =	vld [tilespmem:$0x1B0];
	_ =	sdelay $0x4  }
0x4bc: {  	v63 =	vshll.u32 v3, $0x3  }
0x4bd: {  	v3 =	vand.u32 $0x7, v3;
	v4 =	vand.u32 $0xFFFFFFC0, v63  }
0x4be: {  	v3 =	vor.u32 v3, v4  }
0x4bf: {  	v4 =	vperm.xlane v3, v0;
	_ =	sdelay $0x1  }
0x4c0: {  	v4 =	vadd.s32 v1, v4;
	_ =	sdelay $0x3  }
0x4c1: {  	s31 =	simm.s32 $0xC200  }
0x4c2: {  	[tilespmem:s31], [sflag:$0x2] =	stream.indirect_vreg.gather [hbm4b:s1+s0], $0x80, v4, vm0, $0xb8;
	[tilespmem:$0x18200] =	vst v63  }
0x4c3: {  	v3 =	vperm.xlane v3, v2;
	s31 =	simm.s32 $0xCA00  }
0x4c4: {  	[tilespmem:s31], [sflag:$0x2] =	stream.indirect_vreg.gather [hbm4b:s5+s0], $0x80, v4, vm0, $0xb8;
	[tilespmem:$0x18200] =	vst v63  }
0x4c5: {  	v3 =	vadd.s32 v1, v3;
	s31 =	simm.s32 $0xD200  }
0x4c6: {  	[tilespmem:s31], [sflag:$0x2] =	stream.indirect_vreg.gather [hbm4b:s7+s0], $0x80, v4, vm0, $0xb8;
	[tilespmem:$0x18200] =	vst v63  }
0x4c7: {  	s31 =	simm.s32 $0xDA00  }
0x4c8: {  	[tilespmem:s31], [sflag:$0x2] =	stream.indirect_vreg.gather [hbm4b:s8+s0], $0x80, v4, vm0, $0xb8;
	[tilespmem:$0x18200] =	vst v63  }
0x4c9: {  	s31 =	simm.s32 $0xE200  }
0x4ca: {  	[tilespmem:s31], [sflag:$0x2] =	stream.indirect_vreg.gather [hbm4b:s1+s0], $0x80, v3, vm0, $0xb8;
	[tilespmem:$0x18200] =	vst v63  }
0x4cb: {  	s31 =	simm.s32 $0xEA00  }
0x4cc: {  	[tilespmem:s31], [sflag:$0x2] =	stream.indirect_vreg.gather [hbm4b:s5+s0], $0x80, v3, vm0, $0xb8;
	[tilespmem:$0x18200] =	vst v63  }
0x4cd: {  	s31 =	simm.s32 $0xF200  }
0x4ce: {  	[tilespmem:s31], [sflag:$0x2] =	stream.indirect_vreg.gather [hbm4b:s7+s0], $0x80, v3, vm0, $0xb8;
	[tilespmem:$0x18200] =	vst v63  }
0x4cf: {  	s2 =	simm.s32 $0x3;
	s31 =	simm.s32 $0xFA00  }
0x4d0: {  	[tilespmem:s31], [sflag:$0x2] =	stream.indirect_vreg.gather [hbm4b:s8+s0], $0x80, v3, vm0, $0xb8;
	[tilespmem:$0x18200] =	vst v63  }
0x4d1: {  	_ =	swait.ge [sflag:s2], $0x8000  }
0x4d2: {  	[sflag:s2] =	ssyncset.done $0x0  }
0x4d3: {  	s31 =	simm.s32 $0x10200;
	[sflag:s2] =	ssyncadd.s32 $0xFFFF8000  }
0x4d4: {  	[hbm4b:s19+s26] =	stream.strided.scatter [tilespmem:s31], [sflag:$0x6], $0x400, s24, s26, $0x38;
	[tilespmem:$0x18200] =	vst v63  }
0x4d5: {  	s2 =	simm.s32 $0x10600;
	s31 =	sadd.s32 $0x40, s19  }
0x4d6: {  	[hbm4b:s31+s26] =	stream.strided.scatter [tilespmem:s2], [sflag:$0x6], $0x400, s24, s26, $0x38;
	[tilespmem:$0x18200] =	vst v63  }
0x4d7: {  	s2 =	simm.s32 $0x10A00;
	s31 =	sadd.s32 $0x80, s19  }
0x4d8: {  	[hbm4b:s31+s26] =	stream.strided.scatter [tilespmem:s2], [sflag:$0x6], $0x400, s24, s26, $0x38;
	[tilespmem:$0x18200] =	vst v63  }
0x4d9: {  	s2 =	simm.s32 $0x10E00;
	s31 =	sadd.s32 $0xC0, s19  }
0x4da: {  	[hbm4b:s31+s26] =	stream.strided.scatter [tilespmem:s2], [sflag:$0x6], $0x400, s24, s26, $0x38;
	[tilespmem:$0x18200] =	vst v63  }
0x4db: {  	s2 =	simm.s32 $0x11200;
	s31 =	sadd.s32 $0x100, s19  }
0x4dc: {  	[hbm4b:s31+s26] =	stream.strided.scatter [tilespmem:s2], [sflag:$0x6], $0x400, s24, s26, $0x38;
	[tilespmem:$0x18200] =	vst v63  }
0x4dd: {  	s30 =	sadd.s32 $0x1C0, s19;
	s2 =	simm.s32 $0x11600;
	s31 =	sadd.s32 $0x140, s19  }
0x4de: {  	[hbm4b:s31+s26] =	stream.strided.scatter [tilespmem:s2], [sflag:$0x6], $0x400, s24, s26, $0x38;
	[tilespmem:$0x18200] =	vst v63  }
0x4df: {  	s28 =	simm.s32 $0x10000;
	s2 =	simm.s32 $0x11A00;
	s31 =	sadd.s32 $0x180, s19  }
0x4e0: {  	[hbm4b:s31+s26] =	stream.strided.scatter [tilespmem:s2], [sflag:$0x6], $0x400, s24, s26, $0x38;
	[tilespmem:$0x18200] =	vst v63  }
0x4e1: {  	s29 =	simm.s32 $0x11E00;
	s0 =	simm.s32 $0x2000;
	s2 =	sadd.s32 $0x400, s19  }
.LBB2_24:
0x4e2: {  	[hbm4b:s30+s26] =	stream.strided.scatter [tilespmem:s29], [sflag:$0x6], $0x400, s24, s26, $0x38;
	[tilespmem:$0x18200] =	vst v63  }
0x4e3: {  	s29 =	smov.u32 s0;
	s0 =	smov.u32 s28  }
0x4e4: {  	s31 =	sadd.s32 $0x8000, s28;
	s0 =	sshra.s32 s0, $0x2;
	s30 =	sadd.s32 $0x10200, s29  }
0x4e5: {  	[hbm4b:s2+s26] =	stream.strided.scatter [tilespmem:s30], [sflag:$0x6], $0x400, s24, s26, $0x38;
	[tilespmem:$0x18200] =	vst v63  }
0x4e6: {  	p0 =	sne.s32 s28, $0x18000;
	s28 =	sadd.s32 $0x10600, s29;
	s30 =	sadd.s32 $0x40, s2  }
0x4e7: {  	[hbm4b:s30+s26] =	stream.strided.scatter [tilespmem:s28], [sflag:$0x6], $0x400, s24, s26, $0x38;
	[tilespmem:$0x18200] =	vst v63  }
0x4e8: {  	s28 =	sadd.s32 $0x10A00, s29;
	s30 =	sadd.s32 $0x80, s2  }
0x4e9: {  	[hbm4b:s30+s26] =	stream.strided.scatter [tilespmem:s28], [sflag:$0x6], $0x400, s24, s26, $0x38;
	[tilespmem:$0x18200] =	vst v63  }
0x4ea: {  	s28 =	sadd.s32 $0x10E00, s29;
	s30 =	sadd.s32 $0xC0, s2  }
0x4eb: {  	[hbm4b:s30+s26] =	stream.strided.scatter [tilespmem:s28], [sflag:$0x6], $0x400, s24, s26, $0x38;
	[tilespmem:$0x18200] =	vst v63  }
0x4ec: {  	s28 =	sadd.s32 $0x11200, s29;
	s30 =	sadd.s32 $0x100, s2  }
0x4ed: {  	[hbm4b:s30+s26] =	stream.strided.scatter [tilespmem:s28], [sflag:$0x6], $0x400, s24, s26, $0x38;
	[tilespmem:$0x18200] =	vst v63  }
.Ltmp11:
0x4ee: {  	s28 =	sadd.s32 $0x11600, s29;
	s30 =	sadd.s32 $0x140, s2;
	(pc) =	sbr.rel @p0 .LBB2_24-.Ltmp11, $4  }
0x4ef: {  	[hbm4b:s30+s26] =	stream.strided.scatter [tilespmem:s28], [sflag:$0x6], $0x400, s24, s26, $0x38;
	[tilespmem:$0x18200] =	vst v63  }
0x4f0: {  	s28 =	sadd.s32 $0x11A00, s29;
	s30 =	sadd.s32 $0x180, s2;
	s29 =	sadd.s32 $0x11E00, s29  }
0x4f1: {  	[hbm4b:s30+s26] =	stream.strided.scatter [tilespmem:s28], [sflag:$0x6], $0x400, s24, s26, $0x38;
	[tilespmem:$0x18200] =	vst v63  }
0x4f2: {  	s30 =	sadd.s32 $0x1C0, s2;
	s2 =	sadd.s32 $0x400, s2;
	s28 =	smov.u32 s31  }
0x4f3: {  	[hbm4b:s30+s26] =	stream.strided.scatter [tilespmem:s29], [sflag:$0x6], $0x400, s24, s26, $0x38;
	[tilespmem:$0x18200] =	vst v63  }
0x4f4: {  	s28 =	sadd.s32 $0x10200, s0  }
0x4f5: {  	[hbm4b:s2+s26] =	stream.strided.scatter [tilespmem:s28], [sflag:$0x6], $0x400, s24, s26, $0x38;
	[tilespmem:$0x18200] =	vst v63  }
0x4f6: {  	s29 =	sadd.s32 $0x40, s2;
	s28 =	sadd.s32 $0x10600, s0  }
0x4f7: {  	[hbm4b:s29+s26] =	stream.strided.scatter [tilespmem:s28], [sflag:$0x6], $0x400, s24, s26, $0x38;
	[tilespmem:$0x18200] =	vst v63  }
0x4f8: {  	s28 =	sadd.s32 $0x10A00, s0;
	s29 =	sadd.s32 $0x80, s2  }
0x4f9: {  	[hbm4b:s29+s26] =	stream.strided.scatter [tilespmem:s28], [sflag:$0x6], $0x400, s24, s26, $0x38;
	[tilespmem:$0x18200] =	vst v63  }
0x4fa: {  	s28 =	sadd.s32 $0x10E00, s0;
	s29 =	sadd.s32 $0xC0, s2  }
0x4fb: {  	[hbm4b:s29+s26] =	stream.strided.scatter [tilespmem:s28], [sflag:$0x6], $0x400, s24, s26, $0x38;
	[tilespmem:$0x18200] =	vst v63  }
0x4fc: {  	s28 =	sadd.s32 $0x11200, s0;
	s29 =	sadd.s32 $0x100, s2  }
0x4fd: {  	[hbm4b:s29+s26] =	stream.strided.scatter [tilespmem:s28], [sflag:$0x6], $0x400, s24, s26, $0x38;
	[tilespmem:$0x18200] =	vst v63  }
0x4fe: {  	s28 =	sadd.s32 $0x11600, s0;
	s29 =	sadd.s32 $0x140, s2  }
0x4ff: {  	[hbm4b:s29+s26] =	stream.strided.scatter [tilespmem:s28], [sflag:$0x6], $0x400, s24, s26, $0x38;
	[tilespmem:$0x18200] =	vst v63  }
0x500: {  	s28 =	sadd.s32 $0x11A00, s0;
	s29 =	sadd.s32 $0x180, s2  }
0x501: {  	[hbm4b:s29+s26] =	stream.strided.scatter [tilespmem:s28], [sflag:$0x6], $0x400, s24, s26, $0x38;
	[tilespmem:$0x18200] =	vst v63  }
0x502: {  	s31 =	sadd.s32 $0x1C0, s2;
	s0 =	sadd.s32 $0x11E00, s0;
	s2 =	simm.s32 $0x6  }
0x503: {  	[hbm4b:s31+s26] =	stream.strided.scatter [tilespmem:s0], [sflag:$0x6], $0x400, s24, s26, $0x38;
	[tilespmem:$0x18200] =	vst v63  }
0x504: {  	_ =	swait.ge [sflag:s2], $0x8000  }
0x505: {  	[sflag:s2] =	ssyncset.done $0x0  }
0x506: {  	[sflag:s2] =	ssyncadd.s32 $0xFFFF8000  }
0x507: {  	v3 =	vld [tilespmem:$0x1C0];
	_ =	sdelay $0x4  }
0x508: {  	v4 =	vshll.u32 v3, $0x3  }
0x509: {  	v3 =	vand.u32 $0x7, v3;
	v4 =	vand.u32 $0xFFFFFFC0, v4  }
0x50a: {  	v3 =	vor.u32 v3, v4  }
0x50b: {  	v4 =	vperm.xlane v3, v0;
	_ =	sdelay $0x1  }
0x50c: {  	v4 =	vadd.s32 v1, v4;
	_ =	sdelay $0x3  }
0x50d: {  	s0 =	simm.s32 $0x0;
	s31 =	simm.s32 $0x10200  }
0x50e: {  	[tilespmem:s31], [sflag:$0x3] =	stream.indirect_vreg.gather [hbm4b:s1+s0], $0x80, v4, vm0, $0xb8;
	[tilespmem:$0x18200] =	vst v63  }
0x50f: {  	v3 =	vperm.xlane v3, v2;
	s31 =	simm.s32 $0x10A00  }
0x510: {  	[tilespmem:s31], [sflag:$0x3] =	stream.indirect_vreg.gather [hbm4b:s5+s0], $0x80, v4, vm0, $0xb8;
	[tilespmem:$0x18200] =	vst v63  }
0x511: {  	v3 =	vadd.s32 v1, v3;
	s31 =	simm.s32 $0x11200  }
0x512: {  	[tilespmem:s31], [sflag:$0x3] =	stream.indirect_vreg.gather [hbm4b:s7+s0], $0x80, v4, vm0, $0xb8;
	[tilespmem:$0x18200] =	vst v63  }
0x513: {  	s31 =	simm.s32 $0x11A00  }
0x514: {  	[tilespmem:s31], [sflag:$0x3] =	stream.indirect_vreg.gather [hbm4b:s8+s0], $0x80, v4, vm0, $0xb8;
	[tilespmem:$0x18200] =	vst v63  }
0x515: {  	s31 =	simm.s32 $0x12200  }
0x516: {  	[tilespmem:s31], [sflag:$0x3] =	stream.indirect_vreg.gather [hbm4b:s1+s0], $0x80, v3, vm0, $0xb8;
	[tilespmem:$0x18200] =	vst v63  }
0x517: {  	s31 =	simm.s32 $0x12A00  }
0x518: {  	[tilespmem:s31], [sflag:$0x3] =	stream.indirect_vreg.gather [hbm4b:s5+s0], $0x80, v3, vm0, $0xb8;
	[tilespmem:$0x18200] =	vst v63  }
0x519: {  	s31 =	simm.s32 $0x13200  }
0x51a: {  	[tilespmem:s31], [sflag:$0x3] =	stream.indirect_vreg.gather [hbm4b:s7+s0], $0x80, v3, vm0, $0xb8;
	[tilespmem:$0x18200] =	vst v63  }
0x51b: {  	s31 =	simm.s32 $0x13A00  }
0x51c: {  	[tilespmem:s31], [sflag:$0x3] =	stream.indirect_vreg.gather [hbm4b:s8+s0], $0x80, v3, vm0, $0xb8;
	[tilespmem:$0x18200] =	vst v63  }
0x51d: {  	v3 =	vld [tilespmem:$0x1D0];
	_ =	sdelay $0x4  }
0x51e: {  	v63 =	vshll.u32 v3, $0x3  }
0x51f: {  	v3 =	vand.u32 $0x7, v3;
	v4 =	vand.u32 $0xFFFFFFC0, v63  }
0x520: {  	v3 =	vor.u32 v3, v4  }
0x521: {  	v4 =	vperm.xlane v3, v0;
	_ =	sdelay $0x1  }
0x522: {  	v4 =	vadd.s32 v1, v4;
	_ =	sdelay $0x3  }
0x523: {  	s31 =	simm.s32 $0x14200  }
0x524: {  	[tilespmem:s31], [sflag:$0x3] =	stream.indirect_vreg.gather [hbm4b:s1+s0], $0x80, v4, vm0, $0xb8;
	[tilespmem:$0x18200] =	vst v63  }
0x525: {  	v3 =	vperm.xlane v3, v2;
	s31 =	simm.s32 $0x14A00  }
0x526: {  	[tilespmem:s31], [sflag:$0x3] =	stream.indirect_vreg.gather [hbm4b:s5+s0], $0x80, v4, vm0, $0xb8;
	[tilespmem:$0x18200] =	vst v63  }
0x527: {  	v3 =	vadd.s32 v1, v3;
	s31 =	simm.s32 $0x15200  }
0x528: {  	[tilespmem:s31], [sflag:$0x3] =	stream.indirect_vreg.gather [hbm4b:s7+s0], $0x80, v4, vm0, $0xb8;
	[tilespmem:$0x18200] =	vst v63  }
0x529: {  	s31 =	simm.s32 $0x15A00  }
0x52a: {  	[tilespmem:s31], [sflag:$0x3] =	stream.indirect_vreg.gather [hbm4b:s8+s0], $0x80, v4, vm0, $0xb8;
	[tilespmem:$0x18200] =	vst v63  }
0x52b: {  	s31 =	simm.s32 $0x16200  }
0x52c: {  	[tilespmem:s31], [sflag:$0x3] =	stream.indirect_vreg.gather [hbm4b:s1+s0], $0x80, v3, vm0, $0xb8;
	[tilespmem:$0x18200] =	vst v63  }
0x52d: {  	s31 =	simm.s32 $0x16A00  }
0x52e: {  	[tilespmem:s31], [sflag:$0x3] =	stream.indirect_vreg.gather [hbm4b:s5+s0], $0x80, v3, vm0, $0xb8;
	[tilespmem:$0x18200] =	vst v63  }
0x52f: {  	s31 =	simm.s32 $0x17200  }
0x530: {  	[tilespmem:s31], [sflag:$0x3] =	stream.indirect_vreg.gather [hbm4b:s7+s0], $0x80, v3, vm0, $0xb8;
	[tilespmem:$0x18200] =	vst v63  }
0x531: {  	s31 =	simm.s32 $0x17A00  }
0x532: {  	[tilespmem:s31], [sflag:$0x3] =	stream.indirect_vreg.gather [hbm4b:s8+s0], $0x80, v3, vm0, $0xb8;
	[tilespmem:$0x18200] =	vst v63  }
0x533: {  	_ =	swait.ge [sflag:s4], $0x8000  }
0x534: {  	[sflag:s4] =	ssyncset.done $0x0  }
0x535: {  	s31 =	simm.s32 $0x200;
	[sflag:s4] =	ssyncadd.s32 $0xFFFF8000  }
0x536: {  	[hbm4b:s20+s26] =	stream.strided.scatter [tilespmem:s31], [sflag:$0x4], $0x400, s24, s26, $0x38;
	[tilespmem:$0x18200] =	vst v63  }
0x537: {  	s2 =	simm.s32 $0x600;
	s31 =	sadd.s32 $0x40, s20  }
0x538: {  	[hbm4b:s31+s26] =	stream.strided.scatter [tilespmem:s2], [sflag:$0x4], $0x400, s24, s26, $0x38;
	[tilespmem:$0x18200] =	vst v63  }
0x539: {  	s2 =	simm.s32 $0xA00;
	s31 =	sadd.s32 $0x80, s20  }
0x53a: {  	[hbm4b:s31+s26] =	stream.strided.scatter [tilespmem:s2], [sflag:$0x4], $0x400, s24, s26, $0x38;
	[tilespmem:$0x18200] =	vst v63  }
0x53b: {  	s2 =	simm.s32 $0xE00;
	s31 =	sadd.s32 $0xC0, s20  }
0x53c: {  	[hbm4b:s31+s26] =	stream.strided.scatter [tilespmem:s2], [sflag:$0x4], $0x400, s24, s26, $0x38;
	[tilespmem:$0x18200] =	vst v63  }
0x53d: {  	s2 =	simm.s32 $0x1200;
	s31 =	sadd.s32 $0x100, s20  }
0x53e: {  	[hbm4b:s31+s26] =	stream.strided.scatter [tilespmem:s2], [sflag:$0x4], $0x400, s24, s26, $0x38;
	[tilespmem:$0x18200] =	vst v63  }
0x53f: {  	s30 =	sadd.s32 $0x1C0, s20;
	s2 =	simm.s32 $0x1600;
	s31 =	sadd.s32 $0x140, s20  }
0x540: {  	[hbm4b:s31+s26] =	stream.strided.scatter [tilespmem:s2], [sflag:$0x4], $0x400, s24, s26, $0x38;
	[tilespmem:$0x18200] =	vst v63  }
0x541: {  	s28 =	simm.s32 $0x10000;
	s2 =	simm.s32 $0x1A00;
	s31 =	sadd.s32 $0x180, s20  }
0x542: {  	[hbm4b:s31+s26] =	stream.strided.scatter [tilespmem:s2], [sflag:$0x4], $0x400, s24, s26, $0x38;
	[tilespmem:$0x18200] =	vst v63  }
0x543: {  	s29 =	simm.s32 $0x1E00;
	s0 =	simm.s32 $0x2000;
	s2 =	sadd.s32 $0x400, s20  }
.LBB2_26:
0x544: {  	[hbm4b:s30+s26] =	stream.strided.scatter [tilespmem:s29], [sflag:$0x4], $0x400, s24, s26, $0x38;
	[tilespmem:$0x18200] =	vst v63  }
0x545: {  	s29 =	smov.u32 s0;
	s0 =	smov.u32 s28  }
0x546: {  	s31 =	sadd.s32 $0x8000, s28;
	s0 =	sshra.s32 s0, $0x2;
	s30 =	sadd.s32 $0x200, s29  }
0x547: {  	[hbm4b:s2+s26] =	stream.strided.scatter [tilespmem:s30], [sflag:$0x4], $0x400, s24, s26, $0x38;
	[tilespmem:$0x18200] =	vst v63  }
0x548: {  	p0 =	sne.s32 s28, $0x18000;
	s28 =	sadd.s32 $0x600, s29;
	s30 =	sadd.s32 $0x40, s2  }
0x549: {  	[hbm4b:s30+s26] =	stream.strided.scatter [tilespmem:s28], [sflag:$0x4], $0x400, s24, s26, $0x38;
	[tilespmem:$0x18200] =	vst v63  }
0x54a: {  	s28 =	sadd.s32 $0xA00, s29;
	s30 =	sadd.s32 $0x80, s2  }
0x54b: {  	[hbm4b:s30+s26] =	stream.strided.scatter [tilespmem:s28], [sflag:$0x4], $0x400, s24, s26, $0x38;
	[tilespmem:$0x18200] =	vst v63  }
0x54c: {  	s28 =	sadd.s32 $0xE00, s29;
	s30 =	sadd.s32 $0xC0, s2  }
0x54d: {  	[hbm4b:s30+s26] =	stream.strided.scatter [tilespmem:s28], [sflag:$0x4], $0x400, s24, s26, $0x38;
	[tilespmem:$0x18200] =	vst v63  }
0x54e: {  	s28 =	sadd.s32 $0x1200, s29;
	s30 =	sadd.s32 $0x100, s2  }
0x54f: {  	[hbm4b:s30+s26] =	stream.strided.scatter [tilespmem:s28], [sflag:$0x4], $0x400, s24, s26, $0x38;
	[tilespmem:$0x18200] =	vst v63  }
.Ltmp12:
0x550: {  	s28 =	sadd.s32 $0x1600, s29;
	s30 =	sadd.s32 $0x140, s2;
	(pc) =	sbr.rel @p0 .LBB2_26-.Ltmp12, $4  }
0x551: {  	[hbm4b:s30+s26] =	stream.strided.scatter [tilespmem:s28], [sflag:$0x4], $0x400, s24, s26, $0x38;
	[tilespmem:$0x18200] =	vst v63  }
0x552: {  	s28 =	sadd.s32 $0x1A00, s29;
	s30 =	sadd.s32 $0x180, s2;
	s29 =	sadd.s32 $0x1E00, s29  }
0x553: {  	[hbm4b:s30+s26] =	stream.strided.scatter [tilespmem:s28], [sflag:$0x4], $0x400, s24, s26, $0x38;
	[tilespmem:$0x18200] =	vst v63  }
0x554: {  	s30 =	sadd.s32 $0x1C0, s2;
	s2 =	sadd.s32 $0x400, s2;
	s28 =	smov.u32 s31  }
0x555: {  	[hbm4b:s30+s26] =	stream.strided.scatter [tilespmem:s29], [sflag:$0x4], $0x400, s24, s26, $0x38;
	[tilespmem:$0x18200] =	vst v63  }
0x556: {  	s28 =	sadd.s32 $0x200, s0  }
0x557: {  	[hbm4b:s2+s26] =	stream.strided.scatter [tilespmem:s28], [sflag:$0x4], $0x400, s24, s26, $0x38;
	[tilespmem:$0x18200] =	vst v63  }
0x558: {  	s29 =	sadd.s32 $0x40, s2;
	s28 =	sadd.s32 $0x600, s0  }
0x559: {  	[hbm4b:s29+s26] =	stream.strided.scatter [tilespmem:s28], [sflag:$0x4], $0x400, s24, s26, $0x38;
	[tilespmem:$0x18200] =	vst v63  }
0x55a: {  	s28 =	sadd.s32 $0xA00, s0;
	s29 =	sadd.s32 $0x80, s2  }
0x55b: {  	[hbm4b:s29+s26] =	stream.strided.scatter [tilespmem:s28], [sflag:$0x4], $0x400, s24, s26, $0x38;
	[tilespmem:$0x18200] =	vst v63  }
0x55c: {  	s28 =	sadd.s32 $0xE00, s0;
	s29 =	sadd.s32 $0xC0, s2  }
0x55d: {  	[hbm4b:s29+s26] =	stream.strided.scatter [tilespmem:s28], [sflag:$0x4], $0x400, s24, s26, $0x38;
	[tilespmem:$0x18200] =	vst v63  }
0x55e: {  	s28 =	sadd.s32 $0x1200, s0;
	s29 =	sadd.s32 $0x100, s2  }
0x55f: {  	[hbm4b:s29+s26] =	stream.strided.scatter [tilespmem:s28], [sflag:$0x4], $0x400, s24, s26, $0x38;
	[tilespmem:$0x18200] =	vst v63  }
0x560: {  	s28 =	sadd.s32 $0x1600, s0;
	s29 =	sadd.s32 $0x140, s2  }
0x561: {  	[hbm4b:s29+s26] =	stream.strided.scatter [tilespmem:s28], [sflag:$0x4], $0x400, s24, s26, $0x38;
	[tilespmem:$0x18200] =	vst v63  }
0x562: {  	s28 =	sadd.s32 $0x1A00, s0;
	s29 =	sadd.s32 $0x180, s2  }
0x563: {  	[hbm4b:s29+s26] =	stream.strided.scatter [tilespmem:s28], [sflag:$0x4], $0x400, s24, s26, $0x38;
	[tilespmem:$0x18200] =	vst v63  }
0x564: {  	s31 =	sadd.s32 $0x1C0, s2;
	s0 =	sadd.s32 $0x1E00, s0  }
0x565: {  	[hbm4b:s31+s26] =	stream.strided.scatter [tilespmem:s0], [sflag:$0x4], $0x400, s24, s26, $0x38;
	[tilespmem:$0x18200] =	vst v63  }
0x566: {  	_ =	swait.ge [sflag:s25], $0x8000  }
0x567: {  	[sflag:s25] =	ssyncset.done $0x0  }
0x568: {  	[sflag:s25] =	ssyncadd.s32 $0xFFFF8000  }
0x569: {  	v3 =	vld [tilespmem:$0x1E0];
	_ =	sdelay $0x4  }
0x56a: {  	v4 =	vshll.u32 v3, $0x3  }
0x56b: {  	v3 =	vand.u32 $0x7, v3;
	v4 =	vand.u32 $0xFFFFFFC0, v4  }
0x56c: {  	v3 =	vor.u32 v3, v4  }
0x56d: {  	v4 =	vperm.xlane v3, v0;
	_ =	sdelay $0x1  }
0x56e: {  	v4 =	vadd.s32 v1, v4;
	_ =	sdelay $0x3  }
0x56f: {  	s0 =	simm.s32 $0x0  }
0x570: {  	[tilespmem:s26], [sflag:$0x1] =	stream.indirect_vreg.gather [hbm4b:s1+s0], $0x80, v4, vm0, $0xb8;
	[tilespmem:$0x18200] =	vst v63  }
0x571: {  	s31 =	simm.s32 $0xA00;
	v3 =	vperm.xlane v3, v2  }
0x572: {  	[tilespmem:s31], [sflag:$0x1] =	stream.indirect_vreg.gather [hbm4b:s5+s0], $0x80, v4, vm0, $0xb8;
	[tilespmem:$0x18200] =	vst v63  }
0x573: {  	v3 =	vadd.s32 v1, v3;
	s31 =	simm.s32 $0x1200  }
0x574: {  	[tilespmem:s31], [sflag:$0x1] =	stream.indirect_vreg.gather [hbm4b:s7+s0], $0x80, v4, vm0, $0xb8;
	[tilespmem:$0x18200] =	vst v63  }
0x575: {  	s31 =	simm.s32 $0x1A00  }
0x576: {  	[tilespmem:s31], [sflag:$0x1] =	stream.indirect_vreg.gather [hbm4b:s8+s0], $0x80, v4, vm0, $0xb8;
	[tilespmem:$0x18200] =	vst v63  }
0x577: {  	s31 =	simm.s32 $0x2200  }
0x578: {  	[tilespmem:s31], [sflag:$0x1] =	stream.indirect_vreg.gather [hbm4b:s1+s0], $0x80, v3, vm0, $0xb8;
	[tilespmem:$0x18200] =	vst v63  }
0x579: {  	s31 =	simm.s32 $0x2A00  }
0x57a: {  	[tilespmem:s31], [sflag:$0x1] =	stream.indirect_vreg.gather [hbm4b:s5+s0], $0x80, v3, vm0, $0xb8;
	[tilespmem:$0x18200] =	vst v63  }
0x57b: {  	s31 =	simm.s32 $0x3200  }
0x57c: {  	[tilespmem:s31], [sflag:$0x1] =	stream.indirect_vreg.gather [hbm4b:s7+s0], $0x80, v3, vm0, $0xb8;
	[tilespmem:$0x18200] =	vst v63  }
0x57d: {  	s31 =	simm.s32 $0x3A00  }
0x57e: {  	[tilespmem:s31], [sflag:$0x1] =	stream.indirect_vreg.gather [hbm4b:s8+s0], $0x80, v3, vm0, $0xb8;
	[tilespmem:$0x18200] =	vst v63  }
0x57f: {  	v3 =	vld [tilespmem:$0x1F0];
	_ =	sdelay $0x4  }
0x580: {  	v63 =	vshll.u32 v3, $0x3  }
0x581: {  	v3 =	vand.u32 $0x7, v3;
	v4 =	vand.u32 $0xFFFFFFC0, v63  }
0x582: {  	v3 =	vor.u32 v3, v4  }
0x583: {  	v4 =	vperm.xlane v3, v0;
	_ =	sdelay $0x1  }
0x584: {  	v4 =	vadd.s32 v1, v4;
	_ =	sdelay $0x3  }
0x585: {  	s31 =	simm.s32 $0x4200  }
0x586: {  	[tilespmem:s31], [sflag:$0x1] =	stream.indirect_vreg.gather [hbm4b:s1+s0], $0x80, v4, vm0, $0xb8;
	[tilespmem:$0x18200] =	vst v63  }
0x587: {  	v3 =	vperm.xlane v3, v2;
	s31 =	simm.s32 $0x4A00  }
0x588: {  	[tilespmem:s31], [sflag:$0x1] =	stream.indirect_vreg.gather [hbm4b:s5+s0], $0x80, v4, vm0, $0xb8;
	[tilespmem:$0x18200] =	vst v63  }
0x589: {  	v3 =	vadd.s32 v1, v3;
	s31 =	simm.s32 $0x5200  }
0x58a: {  	[tilespmem:s31], [sflag:$0x1] =	stream.indirect_vreg.gather [hbm4b:s7+s0], $0x80, v4, vm0, $0xb8;
	[tilespmem:$0x18200] =	vst v63  }
0x58b: {  	s31 =	simm.s32 $0x5A00  }
0x58c: {  	[tilespmem:s31], [sflag:$0x1] =	stream.indirect_vreg.gather [hbm4b:s8+s0], $0x80, v4, vm0, $0xb8;
	[tilespmem:$0x18200] =	vst v63  }
0x58d: {  	s31 =	simm.s32 $0x6200  }
0x58e: {  	[tilespmem:s31], [sflag:$0x1] =	stream.indirect_vreg.gather [hbm4b:s1+s0], $0x80, v3, vm0, $0xb8;
	[tilespmem:$0x18200] =	vst v63  }
0x58f: {  	s31 =	simm.s32 $0x6A00  }
0x590: {  	[tilespmem:s31], [sflag:$0x1] =	stream.indirect_vreg.gather [hbm4b:s5+s0], $0x80, v3, vm0, $0xb8;
	[tilespmem:$0x18200] =	vst v63  }
0x591: {  	s31 =	simm.s32 $0x7200  }
0x592: {  	[tilespmem:s31], [sflag:$0x1] =	stream.indirect_vreg.gather [hbm4b:s7+s0], $0x80, v3, vm0, $0xb8;
	[tilespmem:$0x18200] =	vst v63  }
0x593: {  	s2 =	simm.s32 $0x2;
	s31 =	simm.s32 $0x7A00  }
0x594: {  	[tilespmem:s31], [sflag:$0x1] =	stream.indirect_vreg.gather [hbm4b:s8+s0], $0x80, v3, vm0, $0xb8;
	[tilespmem:$0x18200] =	vst v63  }
0x595: {  	_ =	swait.ge [sflag:s2], $0x8000  }
0x596: {  	[sflag:s2] =	ssyncset.done $0x0  }
0x597: {  	s31 =	simm.s32 $0x8200;
	[sflag:s2] =	ssyncadd.s32 $0xFFFF8000  }
0x598: {  	[hbm4b:s21+s26] =	stream.strided.scatter [tilespmem:s31], [sflag:$0x5], $0x400, s24, s26, $0x38;
	[tilespmem:$0x18200] =	vst v63  }
0x599: {  	s2 =	simm.s32 $0x8600;
	s31 =	sadd.s32 $0x40, s21  }
0x59a: {  	[hbm4b:s31+s26] =	stream.strided.scatter [tilespmem:s2], [sflag:$0x5], $0x400, s24, s26, $0x38;
	[tilespmem:$0x18200] =	vst v63  }
0x59b: {  	s2 =	simm.s32 $0x8A00;
	s31 =	sadd.s32 $0x80, s21  }
0x59c: {  	[hbm4b:s31+s26] =	stream.strided.scatter [tilespmem:s2], [sflag:$0x5], $0x400, s24, s26, $0x38;
	[tilespmem:$0x18200] =	vst v63  }
0x59d: {  	s2 =	simm.s32 $0x8E00;
	s31 =	sadd.s32 $0xC0, s21  }
0x59e: {  	[hbm4b:s31+s26] =	stream.strided.scatter [tilespmem:s2], [sflag:$0x5], $0x400, s24, s26, $0x38;
	[tilespmem:$0x18200] =	vst v63  }
0x59f: {  	s2 =	simm.s32 $0x9200;
	s31 =	sadd.s32 $0x100, s21  }
0x5a0: {  	[hbm4b:s31+s26] =	stream.strided.scatter [tilespmem:s2], [sflag:$0x5], $0x400, s24, s26, $0x38;
	[tilespmem:$0x18200] =	vst v63  }
0x5a1: {  	s30 =	sadd.s32 $0x1C0, s21;
	s2 =	simm.s32 $0x9600;
	s31 =	sadd.s32 $0x140, s21  }
0x5a2: {  	[hbm4b:s31+s26] =	stream.strided.scatter [tilespmem:s2], [sflag:$0x5], $0x400, s24, s26, $0x38;
	[tilespmem:$0x18200] =	vst v63  }
0x5a3: {  	s28 =	simm.s32 $0x10000;
	s2 =	simm.s32 $0x9A00;
	s31 =	sadd.s32 $0x180, s21  }
0x5a4: {  	[hbm4b:s31+s26] =	stream.strided.scatter [tilespmem:s2], [sflag:$0x5], $0x400, s24, s26, $0x38;
	[tilespmem:$0x18200] =	vst v63  }
0x5a5: {  	s29 =	simm.s32 $0x9E00;
	s0 =	simm.s32 $0x2000;
	s2 =	sadd.s32 $0x400, s21  }
.LBB2_28:
0x5a6: {  	[hbm4b:s30+s26] =	stream.strided.scatter [tilespmem:s29], [sflag:$0x5], $0x400, s24, s26, $0x38;
	[tilespmem:$0x18200] =	vst v63  }
0x5a7: {  	s29 =	smov.u32 s0;
	s0 =	smov.u32 s28  }
0x5a8: {  	s31 =	sadd.s32 $0x8000, s28;
	s0 =	sshra.s32 s0, $0x2;
	s30 =	sadd.s32 $0x8200, s29  }
0x5a9: {  	[hbm4b:s2+s26] =	stream.strided.scatter [tilespmem:s30], [sflag:$0x5], $0x400, s24, s26, $0x38;
	[tilespmem:$0x18200] =	vst v63  }
0x5aa: {  	p0 =	sne.s32 s28, $0x18000;
	s28 =	sadd.s32 $0x8600, s29;
	s30 =	sadd.s32 $0x40, s2  }
0x5ab: {  	[hbm4b:s30+s26] =	stream.strided.scatter [tilespmem:s28], [sflag:$0x5], $0x400, s24, s26, $0x38;
	[tilespmem:$0x18200] =	vst v63  }
0x5ac: {  	s28 =	sadd.s32 $0x8A00, s29;
	s30 =	sadd.s32 $0x80, s2  }
0x5ad: {  	[hbm4b:s30+s26] =	stream.strided.scatter [tilespmem:s28], [sflag:$0x5], $0x400, s24, s26, $0x38;
	[tilespmem:$0x18200] =	vst v63  }
0x5ae: {  	s28 =	sadd.s32 $0x8E00, s29;
	s30 =	sadd.s32 $0xC0, s2  }
0x5af: {  	[hbm4b:s30+s26] =	stream.strided.scatter [tilespmem:s28], [sflag:$0x5], $0x400, s24, s26, $0x38;
	[tilespmem:$0x18200] =	vst v63  }
0x5b0: {  	s28 =	sadd.s32 $0x9200, s29;
	s30 =	sadd.s32 $0x100, s2  }
0x5b1: {  	[hbm4b:s30+s26] =	stream.strided.scatter [tilespmem:s28], [sflag:$0x5], $0x400, s24, s26, $0x38;
	[tilespmem:$0x18200] =	vst v63  }
.Ltmp13:
0x5b2: {  	s28 =	sadd.s32 $0x9600, s29;
	s30 =	sadd.s32 $0x140, s2;
	(pc) =	sbr.rel @p0 .LBB2_28-.Ltmp13, $4  }
0x5b3: {  	[hbm4b:s30+s26] =	stream.strided.scatter [tilespmem:s28], [sflag:$0x5], $0x400, s24, s26, $0x38;
	[tilespmem:$0x18200] =	vst v63  }
0x5b4: {  	s28 =	sadd.s32 $0x9A00, s29;
	s30 =	sadd.s32 $0x180, s2;
	s29 =	sadd.s32 $0x9E00, s29  }
0x5b5: {  	[hbm4b:s30+s26] =	stream.strided.scatter [tilespmem:s28], [sflag:$0x5], $0x400, s24, s26, $0x38;
	[tilespmem:$0x18200] =	vst v63  }
0x5b6: {  	s30 =	sadd.s32 $0x1C0, s2;
	s2 =	sadd.s32 $0x400, s2;
	s28 =	smov.u32 s31  }
0x5b7: {  	[hbm4b:s30+s26] =	stream.strided.scatter [tilespmem:s29], [sflag:$0x5], $0x400, s24, s26, $0x38;
	[tilespmem:$0x18200] =	vst v63  }
0x5b8: {  	s28 =	sadd.s32 $0x8200, s0  }
0x5b9: {  	[hbm4b:s2+s26] =	stream.strided.scatter [tilespmem:s28], [sflag:$0x5], $0x400, s24, s26, $0x38;
	[tilespmem:$0x18200] =	vst v63  }
0x5ba: {  	s29 =	sadd.s32 $0x40, s2;
	s28 =	sadd.s32 $0x8600, s0  }
0x5bb: {  	[hbm4b:s29+s26] =	stream.strided.scatter [tilespmem:s28], [sflag:$0x5], $0x400, s24, s26, $0x38;
	[tilespmem:$0x18200] =	vst v63  }
0x5bc: {  	s28 =	sadd.s32 $0x8A00, s0;
	s29 =	sadd.s32 $0x80, s2  }
0x5bd: {  	[hbm4b:s29+s26] =	stream.strided.scatter [tilespmem:s28], [sflag:$0x5], $0x400, s24, s26, $0x38;
	[tilespmem:$0x18200] =	vst v63  }
0x5be: {  	s28 =	sadd.s32 $0x8E00, s0;
	s29 =	sadd.s32 $0xC0, s2  }
0x5bf: {  	[hbm4b:s29+s26] =	stream.strided.scatter [tilespmem:s28], [sflag:$0x5], $0x400, s24, s26, $0x38;
	[tilespmem:$0x18200] =	vst v63  }
0x5c0: {  	s28 =	sadd.s32 $0x9200, s0;
	s29 =	sadd.s32 $0x100, s2  }
0x5c1: {  	[hbm4b:s29+s26] =	stream.strided.scatter [tilespmem:s28], [sflag:$0x5], $0x400, s24, s26, $0x38;
	[tilespmem:$0x18200] =	vst v63  }
0x5c2: {  	s28 =	sadd.s32 $0x9600, s0;
	s29 =	sadd.s32 $0x140, s2  }
0x5c3: {  	[hbm4b:s29+s26] =	stream.strided.scatter [tilespmem:s28], [sflag:$0x5], $0x400, s24, s26, $0x38;
	[tilespmem:$0x18200] =	vst v63  }
0x5c4: {  	s28 =	sadd.s32 $0x9A00, s0;
	s29 =	sadd.s32 $0x180, s2  }
0x5c5: {  	[hbm4b:s29+s26] =	stream.strided.scatter [tilespmem:s28], [sflag:$0x5], $0x400, s24, s26, $0x38;
	[tilespmem:$0x18200] =	vst v63  }
0x5c6: {  	s31 =	sadd.s32 $0x1C0, s2;
	s0 =	sadd.s32 $0x9E00, s0;
	s2 =	simm.s32 $0x3  }
0x5c7: {  	[hbm4b:s31+s26] =	stream.strided.scatter [tilespmem:s0], [sflag:$0x5], $0x400, s24, s26, $0x38;
	[tilespmem:$0x18200] =	vst v63  }
0x5c8: {  	_ =	swait.ge [sflag:s2], $0x8000  }
0x5c9: {  	[sflag:s2] =	ssyncset.done $0x0  }
0x5ca: {  	s31 =	simm.s32 $0x10200;
	[sflag:s2] =	ssyncadd.s32 $0xFFFF8000  }
0x5cb: {  	[hbm4b:s22+s26] =	stream.strided.scatter [tilespmem:s31], [sflag:$0x6], $0x400, s24, s26, $0x38;
	[tilespmem:$0x18200] =	vst v63  }
0x5cc: {  	s2 =	simm.s32 $0x10600;
	s31 =	sadd.s32 $0x40, s22  }
0x5cd: {  	[hbm4b:s31+s26] =	stream.strided.scatter [tilespmem:s2], [sflag:$0x6], $0x400, s24, s26, $0x38;
	[tilespmem:$0x18200] =	vst v63  }
0x5ce: {  	s2 =	simm.s32 $0x10A00;
	s31 =	sadd.s32 $0x80, s22  }
0x5cf: {  	[hbm4b:s31+s26] =	stream.strided.scatter [tilespmem:s2], [sflag:$0x6], $0x400, s24, s26, $0x38;
	[tilespmem:$0x18200] =	vst v63  }
0x5d0: {  	s2 =	simm.s32 $0x10E00;
	s31 =	sadd.s32 $0xC0, s22  }
0x5d1: {  	[hbm4b:s31+s26] =	stream.strided.scatter [tilespmem:s2], [sflag:$0x6], $0x400, s24, s26, $0x38;
	[tilespmem:$0x18200] =	vst v63  }
0x5d2: {  	s2 =	simm.s32 $0x11200;
	s31 =	sadd.s32 $0x100, s22  }
0x5d3: {  	[hbm4b:s31+s26] =	stream.strided.scatter [tilespmem:s2], [sflag:$0x6], $0x400, s24, s26, $0x38;
	[tilespmem:$0x18200] =	vst v63  }
0x5d4: {  	s30 =	sadd.s32 $0x1C0, s22;
	s2 =	simm.s32 $0x11600;
	s31 =	sadd.s32 $0x140, s22  }
0x5d5: {  	[hbm4b:s31+s26] =	stream.strided.scatter [tilespmem:s2], [sflag:$0x6], $0x400, s24, s26, $0x38;
	[tilespmem:$0x18200] =	vst v63  }
0x5d6: {  	s28 =	simm.s32 $0x10000;
	s2 =	simm.s32 $0x11A00;
	s31 =	sadd.s32 $0x180, s22  }
0x5d7: {  	[hbm4b:s31+s26] =	stream.strided.scatter [tilespmem:s2], [sflag:$0x6], $0x400, s24, s26, $0x38;
	[tilespmem:$0x18200] =	vst v63  }
0x5d8: {  	s29 =	simm.s32 $0x11E00;
	s0 =	simm.s32 $0x2000;
	s2 =	sadd.s32 $0x400, s22  }
.LBB2_30:
0x5d9: {  	[hbm4b:s30+s26] =	stream.strided.scatter [tilespmem:s29], [sflag:$0x6], $0x400, s24, s26, $0x38;
	[tilespmem:$0x18200] =	vst v63  }
0x5da: {  	s29 =	smov.u32 s0;
	s0 =	smov.u32 s28  }
0x5db: {  	s31 =	sadd.s32 $0x8000, s28;
	s0 =	sshra.s32 s0, $0x2;
	s30 =	sadd.s32 $0x10200, s29  }
0x5dc: {  	[hbm4b:s2+s26] =	stream.strided.scatter [tilespmem:s30], [sflag:$0x6], $0x400, s24, s26, $0x38;
	[tilespmem:$0x18200] =	vst v63  }
0x5dd: {  	p0 =	sne.s32 s28, $0x18000;
	s28 =	sadd.s32 $0x10600, s29;
	s30 =	sadd.s32 $0x40, s2  }
0x5de: {  	[hbm4b:s30+s26] =	stream.strided.scatter [tilespmem:s28], [sflag:$0x6], $0x400, s24, s26, $0x38;
	[tilespmem:$0x18200] =	vst v63  }
0x5df: {  	s28 =	sadd.s32 $0x10A00, s29;
	s30 =	sadd.s32 $0x80, s2  }
0x5e0: {  	[hbm4b:s30+s26] =	stream.strided.scatter [tilespmem:s28], [sflag:$0x6], $0x400, s24, s26, $0x38;
	[tilespmem:$0x18200] =	vst v63  }
0x5e1: {  	s28 =	sadd.s32 $0x10E00, s29;
	s30 =	sadd.s32 $0xC0, s2  }
0x5e2: {  	[hbm4b:s30+s26] =	stream.strided.scatter [tilespmem:s28], [sflag:$0x6], $0x400, s24, s26, $0x38;
	[tilespmem:$0x18200] =	vst v63  }
0x5e3: {  	s28 =	sadd.s32 $0x11200, s29;
	s30 =	sadd.s32 $0x100, s2  }
0x5e4: {  	[hbm4b:s30+s26] =	stream.strided.scatter [tilespmem:s28], [sflag:$0x6], $0x400, s24, s26, $0x38;
	[tilespmem:$0x18200] =	vst v63  }
.Ltmp14:
0x5e5: {  	s28 =	sadd.s32 $0x11600, s29;
	s30 =	sadd.s32 $0x140, s2;
	(pc) =	sbr.rel @p0 .LBB2_30-.Ltmp14, $4  }
0x5e6: {  	[hbm4b:s30+s26] =	stream.strided.scatter [tilespmem:s28], [sflag:$0x6], $0x400, s24, s26, $0x38;
	[tilespmem:$0x18200] =	vst v63  }
0x5e7: {  	s28 =	sadd.s32 $0x11A00, s29;
	s30 =	sadd.s32 $0x180, s2;
	s29 =	sadd.s32 $0x11E00, s29  }
0x5e8: {  	[hbm4b:s30+s26] =	stream.strided.scatter [tilespmem:s28], [sflag:$0x6], $0x400, s24, s26, $0x38;
	[tilespmem:$0x18200] =	vst v63  }
0x5e9: {  	s30 =	sadd.s32 $0x1C0, s2;
	s2 =	sadd.s32 $0x400, s2;
	s28 =	smov.u32 s31  }
0x5ea: {  	[hbm4b:s30+s26] =	stream.strided.scatter [tilespmem:s29], [sflag:$0x6], $0x400, s24, s26, $0x38;
	[tilespmem:$0x18200] =	vst v63  }
0x5eb: {  	s28 =	sadd.s32 $0x10200, s0  }
0x5ec: {  	[hbm4b:s2+s26] =	stream.strided.scatter [tilespmem:s28], [sflag:$0x6], $0x400, s24, s26, $0x38;
	[tilespmem:$0x18200] =	vst v63  }
0x5ed: {  	s29 =	sadd.s32 $0x40, s2;
	s28 =	sadd.s32 $0x10600, s0  }
0x5ee: {  	[hbm4b:s29+s26] =	stream.strided.scatter [tilespmem:s28], [sflag:$0x6], $0x400, s24, s26, $0x38;
	[tilespmem:$0x18200] =	vst v63  }
0x5ef: {  	s28 =	sadd.s32 $0x10A00, s0;
	s29 =	sadd.s32 $0x80, s2  }
0x5f0: {  	[hbm4b:s29+s26] =	stream.strided.scatter [tilespmem:s28], [sflag:$0x6], $0x400, s24, s26, $0x38;
	[tilespmem:$0x18200] =	vst v63  }
0x5f1: {  	s28 =	sadd.s32 $0x10E00, s0;
	s29 =	sadd.s32 $0xC0, s2  }
0x5f2: {  	[hbm4b:s29+s26] =	stream.strided.scatter [tilespmem:s28], [sflag:$0x6], $0x400, s24, s26, $0x38;
	[tilespmem:$0x18200] =	vst v63  }
0x5f3: {  	s28 =	sadd.s32 $0x11200, s0;
	s29 =	sadd.s32 $0x100, s2  }
0x5f4: {  	[hbm4b:s29+s26] =	stream.strided.scatter [tilespmem:s28], [sflag:$0x6], $0x400, s24, s26, $0x38;
	[tilespmem:$0x18200] =	vst v63  }
0x5f5: {  	s28 =	sadd.s32 $0x11600, s0;
	s29 =	sadd.s32 $0x140, s2  }
0x5f6: {  	[hbm4b:s29+s26] =	stream.strided.scatter [tilespmem:s28], [sflag:$0x6], $0x400, s24, s26, $0x38;
	[tilespmem:$0x18200] =	vst v63  }
0x5f7: {  	s28 =	sadd.s32 $0x11A00, s0;
	s29 =	sadd.s32 $0x180, s2  }
0x5f8: {  	[hbm4b:s29+s26] =	stream.strided.scatter [tilespmem:s28], [sflag:$0x6], $0x400, s24, s26, $0x38;
	[tilespmem:$0x18200] =	vst v63  }
0x5f9: {  	s31 =	sadd.s32 $0x1C0, s2;
	s0 =	sadd.s32 $0x11E00, s0  }
0x5fa: {  	[hbm4b:s31+s26] =	stream.strided.scatter [tilespmem:s0], [sflag:$0x6], $0x400, s24, s26, $0x38;
	[tilespmem:$0x18200] =	vst v63  }
0x5fb: {  	_ =	swait.ge [sflag:s4], $0x8000  }
0x5fc: {  	[sflag:s4] =	ssyncset.done $0x0  }
0x5fd: {  	s31 =	simm.s32 $0x200;
	[sflag:s4] =	ssyncadd.s32 $0xFFFF8000  }
0x5fe: {  	[hbm4b:s23+s26] =	stream.strided.scatter [tilespmem:s31], [sflag:$0x4], $0x400, s24, s26, $0x38;
	[tilespmem:$0x18200] =	vst v63  }
0x5ff: {  	s2 =	simm.s32 $0x600;
	s31 =	sadd.s32 $0x40, s23  }
0x600: {  	[hbm4b:s31+s26] =	stream.strided.scatter [tilespmem:s2], [sflag:$0x4], $0x400, s24, s26, $0x38;
	[tilespmem:$0x18200] =	vst v63  }
0x601: {  	s2 =	simm.s32 $0xA00;
	s31 =	sadd.s32 $0x80, s23  }
0x602: {  	[hbm4b:s31+s26] =	stream.strided.scatter [tilespmem:s2], [sflag:$0x4], $0x400, s24, s26, $0x38;
	[tilespmem:$0x18200] =	vst v63  }
0x603: {  	s2 =	simm.s32 $0xE00;
	s31 =	sadd.s32 $0xC0, s23  }
0x604: {  	[hbm4b:s31+s26] =	stream.strided.scatter [tilespmem:s2], [sflag:$0x4], $0x400, s24, s26, $0x38;
	[tilespmem:$0x18200] =	vst v63  }
0x605: {  	s2 =	simm.s32 $0x1200;
	s31 =	sadd.s32 $0x100, s23  }
0x606: {  	[hbm4b:s31+s26] =	stream.strided.scatter [tilespmem:s2], [sflag:$0x4], $0x400, s24, s26, $0x38;
	[tilespmem:$0x18200] =	vst v63  }
0x607: {  	s30 =	sadd.s32 $0x1C0, s23;
	s2 =	simm.s32 $0x1600;
	s31 =	sadd.s32 $0x140, s23  }
0x608: {  	[hbm4b:s31+s26] =	stream.strided.scatter [tilespmem:s2], [sflag:$0x4], $0x400, s24, s26, $0x38;
	[tilespmem:$0x18200] =	vst v63  }
0x609: {  	s28 =	simm.s32 $0x10000;
	s2 =	simm.s32 $0x1A00;
	s31 =	sadd.s32 $0x180, s23  }
0x60a: {  	[hbm4b:s31+s26] =	stream.strided.scatter [tilespmem:s2], [sflag:$0x4], $0x400, s24, s26, $0x38;
	[tilespmem:$0x18200] =	vst v63  }
0x60b: {  	s29 =	simm.s32 $0x1E00;
	s0 =	simm.s32 $0x2000;
	s2 =	sadd.s32 $0x400, s23  }
.LBB2_32:
0x60c: {  	[hbm4b:s30+s26] =	stream.strided.scatter [tilespmem:s29], [sflag:$0x4], $0x400, s24, s26, $0x38;
	[tilespmem:$0x18200] =	vst v63  }
0x60d: {  	s29 =	smov.u32 s0;
	s0 =	smov.u32 s28  }
0x60e: {  	s31 =	sadd.s32 $0x8000, s28;
	s0 =	sshra.s32 s0, $0x2;
	s30 =	sadd.s32 $0x200, s29  }
0x60f: {  	[hbm4b:s2+s26] =	stream.strided.scatter [tilespmem:s30], [sflag:$0x4], $0x400, s24, s26, $0x38;
	[tilespmem:$0x18200] =	vst v63  }
0x610: {  	p0 =	sne.s32 s28, $0x18000;
	s28 =	sadd.s32 $0x600, s29;
	s30 =	sadd.s32 $0x40, s2  }
0x611: {  	[hbm4b:s30+s26] =	stream.strided.scatter [tilespmem:s28], [sflag:$0x4], $0x400, s24, s26, $0x38;
	[tilespmem:$0x18200] =	vst v63  }
0x612: {  	s28 =	sadd.s32 $0xA00, s29;
	s30 =	sadd.s32 $0x80, s2  }
0x613: {  	[hbm4b:s30+s26] =	stream.strided.scatter [tilespmem:s28], [sflag:$0x4], $0x400, s24, s26, $0x38;
	[tilespmem:$0x18200] =	vst v63  }
0x614: {  	s28 =	sadd.s32 $0xE00, s29;
	s30 =	sadd.s32 $0xC0, s2  }
0x615: {  	[hbm4b:s30+s26] =	stream.strided.scatter [tilespmem:s28], [sflag:$0x4], $0x400, s24, s26, $0x38;
	[tilespmem:$0x18200] =	vst v63  }
0x616: {  	s28 =	sadd.s32 $0x1200, s29;
	s30 =	sadd.s32 $0x100, s2  }
0x617: {  	[hbm4b:s30+s26] =	stream.strided.scatter [tilespmem:s28], [sflag:$0x4], $0x400, s24, s26, $0x38;
	[tilespmem:$0x18200] =	vst v63  }
.Ltmp15:
0x618: {  	s28 =	sadd.s32 $0x1600, s29;
	s30 =	sadd.s32 $0x140, s2;
	(pc) =	sbr.rel @p0 .LBB2_32-.Ltmp15, $4  }
0x619: {  	[hbm4b:s30+s26] =	stream.strided.scatter [tilespmem:s28], [sflag:$0x4], $0x400, s24, s26, $0x38;
	[tilespmem:$0x18200] =	vst v63  }
0x61a: {  	s28 =	sadd.s32 $0x1A00, s29;
	s30 =	sadd.s32 $0x180, s2;
	s29 =	sadd.s32 $0x1E00, s29  }
0x61b: {  	[hbm4b:s30+s26] =	stream.strided.scatter [tilespmem:s28], [sflag:$0x4], $0x400, s24, s26, $0x38;
	[tilespmem:$0x18200] =	vst v63  }
0x61c: {  	s30 =	sadd.s32 $0x1C0, s2;
	s2 =	sadd.s32 $0x400, s2;
	s28 =	smov.u32 s31  }
0x61d: {  	[hbm4b:s30+s26] =	stream.strided.scatter [tilespmem:s29], [sflag:$0x4], $0x400, s24, s26, $0x38;
	[tilespmem:$0x18200] =	vst v63  }
0x61e: {  	s28 =	sadd.s32 $0x200, s0  }
0x61f: {  	[hbm4b:s2+s26] =	stream.strided.scatter [tilespmem:s28], [sflag:$0x4], $0x400, s24, s26, $0x38;
	[tilespmem:$0x18200] =	vst v63  }
0x620: {  	s30 =	sadd.s32 $0x40, s2;
	s28 =	sadd.s32 $0x600, s0  }
0x621: {  	[hbm4b:s30+s26] =	stream.strided.scatter [tilespmem:s28], [sflag:$0x4], $0x400, s24, s26, $0x38;
	[tilespmem:$0x18200] =	vst v63  }
0x622: {  	s31 =	sadd.s32 $0x80, s2;
	s28 =	sadd.s32 $0xA00, s0  }
0x623: {  	[hbm4b:s31+s26] =	stream.strided.scatter [tilespmem:s28], [sflag:$0x4], $0x400, s24, s26, $0x38;
	[tilespmem:$0x18200] =	vst v63  }
0x624: {  	s30 =	sadd.s32 $0xC0, s2;
	s28 =	sadd.s32 $0xE00, s0  }
0x625: {  	[hbm4b:s30+s26] =	stream.strided.scatter [tilespmem:s28], [sflag:$0x4], $0x400, s24, s26, $0x38;
	[tilespmem:$0x18200] =	vst v63  }
0x626: {  	s31 =	sadd.s32 $0x100, s2;
	s28 =	sadd.s32 $0x1200, s0  }
0x627: {  	[hbm4b:s31+s26] =	stream.strided.scatter [tilespmem:s28], [sflag:$0x4], $0x400, s24, s26, $0x38;
	[tilespmem:$0x18200] =	vst v63  }
0x628: {  	s30 =	sadd.s32 $0x140, s2;
	s28 =	sadd.s32 $0x1600, s0  }
0x629: {  	[hbm4b:s30+s26] =	stream.strided.scatter [tilespmem:s28], [sflag:$0x4], $0x400, s24, s26, $0x38;
	[tilespmem:$0x18200] =	vst v63  }
0x62a: {  	s31 =	sadd.s32 $0x180, s2;
	s28 =	sadd.s32 $0x1A00, s0  }
0x62b: {  	[hbm4b:s31+s26] =	stream.strided.scatter [tilespmem:s28], [sflag:$0x4], $0x400, s24, s26, $0x38;
	[tilespmem:$0x18200] =	vst v63  }
0x62c: {  	s30 =	sadd.s32 $0x1E00, s0;
	s31 =	sadd.s32 $0x1C0, s2  }
0x62d: {  	[hbm4b:s31+s26] =	stream.strided.scatter [tilespmem:s30], [sflag:$0x4], $0x400, s24, s26, $0x38;
	[tilespmem:$0x18200] =	vst v63  }
0x62e: {  	_ =	swait.ge [sflag:s25], $0x8000  }
0x62f: {  	[sflag:s25] =	ssyncset.done $0x0  }
0x630: {  	s29 =	simm.s32 $0x5;
	[sflag:s25] =	ssyncadd.s32 $0xFFFF8000  }
0x631: {  	_ =	swait.ge [sflag:s29], $0x8000  }
0x632: {  	[sflag:s29] =	ssyncset.done $0x0  }
0x633: {  	s30 =	simm.s32 $0x6;
	[sflag:s29] =	ssyncadd.s32 $0xFFFF8000  }
0x634: {  	_ =	swait.ge [sflag:s30], $0x8000  }
0x635: {  	s28 =	rddreg [dreg:$0x6]  }
0x636: {  	s31 =	rddreg [dreg:$0x5];
	s28 =	sadd.s32 $0x1, s28  }
0x637: {  	p0 =	sne.s32 s28, s31  }
.Ltmp16:
0x638: {  	_ = 	snop;
	(pc) =	sbr.rel @p0 .LBB2_1-.Ltmp16, $3  }
0x639: {  	_ =	sdelay $0x1  }
0x63a: {  	[sflag:s30] =	ssyncset.done $0x0  }
0x63b: {  	[sflag:s30] =	ssyncadd.s32 $0xFFFF8000  }
0x63c: {  	_ =	sfence.sel $0x180000  }
0x63d: {  	[bflag:$0x0] =	sbarrier.arrive $0xFFFF  }
0x63e: {  	_ =	strace $0x90000047  }
0x63f: {  	s0 =	stileid.u32;
	[bflag:$0x2] =	sbarrier.arrive $0xFFFF  }
0x640: {  	p0 =	sne.s32 s0, $0x0;
	s0 =	rddreg [dreg:$0x3]  }
0x641: {  	s0 =	sadd.s32 @!p0 $0x100000, s0  }
0x642: {  	[sflag:s0] =	ssyncadd.tile.s32 @!p0 $0x1;
	_ =	shalt  }
.Lfunc_end2:
_tile_overlayer_lowered:
.L_overlay_start_2:
0x643: {  	(tag) =	ssettag $0x2  }
0x644: {  	s0 =	rddreg [dreg:$0x0];
	s2 =	stileid.u32  }
0x645: {  	s1 =	rddreg [dreg:$0x1];
	p0 =	sne.s32 s2, $0x0  }
0x646: {  	s3 =	rddreg [dreg:$0x2];
	[bflag:$0x3] =	sbarrier.arrive $0xFFFF;
	s2 =	simm.s32 @!p0 $0x1C07  }
0x647: {  	[timem:s3], [sflag:s2] =	dma.local @!p0 [hbm:s0], s1  }
0x648: {  	s0 =	simm.s32 @!p0 $0x7  }
0x649: {  	_ =	swait.ge @!p0 [sflag:s0], s1  }
0x64a: {  	s1 =	ssub.s32 @!p0 $0x0, s1;
	[sflag:s0] =	ssyncset.done @!p0 $0x0  }
0x64b: {  	[sflag:s0] =	ssyncadd.s32 @!p0 s1  }
0x64c: {  	[bflag:$0x3] =	sbarrier.arrive $0xFFFF  }
0x64d: {  	_ =	shalt  }

</sc_bundles>
